<compile_context>
chip_gen: v7x
topology: tpu7x:2x2x1
jax: 0.10.2.dev20260603
libtpu: 0.0.44.dev20260713+nightly
codegen_flags: <defaults>
</compile_context>

<pallas_src>
import jax
import jax.numpy as jnp
from jax import lax
from jax.experimental import pallas as pl
from jax.experimental.pallas import tpu as pltpu
from jax.experimental.pallas import tpu_sc as plsc

B = 4096
H = 50
F = 128
NW = 32
ROWS_PER_W = B // NW
CHUNK_ROWS = 2
NBUF = 4
N_CHUNKS = ROWS_PER_W // CHUNK_ROWS
L = 16
NVREG = F // L
IDXCOLS = 2 * H
IDXROWS_PER_W = ROWS_PER_W * H // IDXCOLS


def _lane_gather(v, idx):
    dn = lax.GatherDimensionNumbers(
        offset_dims=(), collapsed_slice_dims=(0,), start_index_map=(0,))
    return lax.gather(v, idx[:, None], dn, slice_sizes=(1,),
                      mode=lax.GatherScatterMode.PROMISE_IN_BOUNDS)


def _body(bidx, sidx, btab, stab, out, idxb_v, idxs_v, brow_v, srow_v,
          out_v, sem0, sem1, sem2, sem3):
    wid = lax.axis_index("s") * 2 + lax.axis_index("c")
    obase = wid * ROWS_PER_W
    ibase = wid * (ROWS_PER_W * H // IDXCOLS)
    sems = (sem0, sem1, sem2, sem3)

    pltpu.sync_copy(bidx.at[pl.ds(ibase, IDXROWS_PER_W)], idxb_v)
    pltpu.sync_copy(sidx.at[pl.ds(ibase, IDXROWS_PER_W)], idxs_v)

    def fire(c, buf):
        sem = sems[buf]
        pltpu.async_copy(btab.at[idxb_v.at[c]], brow_v.at[buf], sem)
        pltpu.async_copy(stab.at[idxs_v.at[c]], srow_v.at[buf], sem)

    def drain(c, buf):
        sem = sems[buf]
        pltpu.make_async_copy(btab.at[idxb_v.at[c]], brow_v.at[buf], sem).wait()
        pltpu.make_async_copy(stab.at[idxs_v.at[c]], srow_v.at[buf], sem).wait()

    def compute(c, buf):
        for r in range(CHUNK_ROWS):
            def jbody(j, acc, r=r, buf=buf):
                return tuple(
                    acc[k]
                    + brow_v[buf, r * H + j, pl.ds(k * L, L)]
                    * srow_v[buf, r * H + j, pl.ds(k * L, L)]
                    for k in range(NVREG)
                )

            acc0 = tuple(jnp.zeros((L,), jnp.float32) for _ in range(NVREG))
            acc = lax.fori_loop(0, H, jbody, acc0, unroll=2)
            v = ((acc[0] + acc[1]) + (acc[2] + acc[3])) + (
                (acc[4] + acc[5]) + (acc[6] + acc[7]))
            lanes = lax.iota(jnp.int32, L)
            for sh in (1, 2, 4, 8):
                v = v + _lane_gather(v, lanes ^ sh)
            plsc.store_scatter(
                out_v,
                [jnp.full((L,), CHUNK_ROWS * c + r, jnp.int32)],
                v,
                mask=lanes == 0,
            )

    for c in range(NBUF - 1):
        fire(c, c)

    def step(t, carry):
        for u in range(NBUF):
            c = NBUF * t + u
            drain(c, u)
            compute(c, u)

            @pl.when(c + NBUF - 1 < N_CHUNKS)
            def _(c=c, u=u):
                fire(c + NBUF - 1, (u + NBUF - 1) % NBUF)

        return carry

    lax.fori_loop(0, N_CHUNKS // NBUF, step, 0)
    pltpu.sync_copy(out_v, out.at[pl.ds(obase, ROWS_PER_W)])


@jax.jit
def _mf(bidx, sidx, btab, stab):
    mesh = plsc.VectorSubcoreMesh(core_axis_name="c", subcore_axis_name="s")
    return pl.kernel(
        _body,
        out_type=jax.ShapeDtypeStruct((B,), jnp.float32),
        mesh=mesh,
        scratch_types=[
            pltpu.VMEM((IDXROWS_PER_W, IDXCOLS), jnp.int32),
            pltpu.VMEM((IDXROWS_PER_W, IDXCOLS), jnp.int32),
            pltpu.VMEM((NBUF, IDXCOLS, F), jnp.float32),
            pltpu.VMEM((NBUF, IDXCOLS, F), jnp.float32),
            pltpu.VMEM((ROWS_PER_W,), jnp.float32),
            pltpu.SemaphoreType.DMA,
            pltpu.SemaphoreType.DMA,
            pltpu.SemaphoreType.DMA,
            pltpu.SemaphoreType.DMA,
        ],
        compiler_params=pltpu.CompilerParams(
            needs_layout_passes=False, use_tc_tiling_on_sc=False),
    )(bidx, sidx, btab, stab)


def kernel(b, s, buyer_factors, seller_factors):
    bidx = b.reshape(B * H // IDXCOLS, IDXCOLS)
    sidx = s.reshape(B * H // IDXCOLS, IDXCOLS)
    return _mf(bidx, sidx, buyer_factors, seller_factors)

# --- scband reference (transcript-rebuilt; emitter-appended) ---
"""Pipeline reference for scband-matrix-factorization-7421703487661 (READ-ONLY COPY).

The authoritative reference and input builder live on the scoring server;
editing this copy changes nothing except your own understanding.
"""

import jax, jax.numpy as jnp
import numpy as np

N_BUYERS = 100000
N_SELLERS = 100000
N_FACTORS = 128
BATCH = 4096
HIST = 50

def setup_inputs(seed: int = 0) -> dict:
    key = jax.random.key(seed)
    kb, ks, kbw, ksw = jax.random.split(key, 4)
    b = jax.random.randint(kb, (BATCH, HIST), 0, N_BUYERS, dtype=jnp.int64) if jax.config.jax_enable_x64 else jax.random.randint(kb, (BATCH, HIST), 0, N_BUYERS, dtype=jnp.int32)
    s = jax.random.randint(ks, (BATCH, HIST), 0, N_SELLERS, dtype=jnp.int32)
    b = b.astype(jnp.int32)
    buyer_factors = jax.random.normal(kbw, (N_BUYERS, N_FACTORS), dtype=jnp.float32)
    seller_factors = jax.random.normal(ksw, (N_SELLERS, N_FACTORS), dtype=jnp.float32)
    return {"b": b, "s": s, "buyer_factors": buyer_factors, "seller_factors": seller_factors}

def reference(b, s, buyer_factors, seller_factors):
    # Embedding lookups (gather) -> [B, L, F]
    be = jnp.take(buyer_factors, b, axis=0)
    se = jnp.take(seller_factors, s, axis=0)
    # (be * se).sum(1).sum(1) as in torch: sum over hist dim then factor dim -> [B]
    prod = be * se
    out = prod.sum(axis=1).sum(axis=1)
    return out

if __name__ == "__main__":
    import jax
    _d = setup_inputs()
    print(jax.jit(kernel)(*tuple(_d.values())))

</pallas_src>

<mosaic_0001>
#map = affine_map<(d0, d1) -> (0, 0)>
#map1 = affine_map<(d0, d1) -> (0)>
module attributes {stable_mosaic.version = 14 : i64} {
  func.func @_body(%arg0: i32, %arg1: i32, %arg2: memref<2048x100xi32, #tpu.memory_space<hbm>>, %arg3: memref<2048x100xi32, #tpu.memory_space<hbm>>, %arg4: memref<100000x128xf32, #tpu.memory_space<hbm>>, %arg5: memref<100000x128xf32, #tpu.memory_space<hbm>>, %arg6: memref<4096xf32, #tpu.memory_space<hbm>>, %arg7: memref<64x100xi32, #tpu.memory_space<vmem>>, %arg8: memref<64x100xi32, #tpu.memory_space<vmem>>, %arg9: memref<4x100x128xf32, #tpu.memory_space<vmem>>, %arg10: memref<4x100x128xf32, #tpu.memory_space<vmem>>, %arg11: memref<128xf32, #tpu.memory_space<vmem>>, %arg12: memref<!tpu.dma_semaphore, #tpu.memory_space<semaphore_mem>>, %arg13: memref<!tpu.dma_semaphore, #tpu.memory_space<semaphore_mem>>, %arg14: memref<!tpu.dma_semaphore, #tpu.memory_space<semaphore_mem>>, %arg15: memref<!tpu.dma_semaphore, #tpu.memory_space<semaphore_mem>>) attributes {dimension_semantics = [#tpu.dimension_semantics<core_parallel>, #tpu.dimension_semantics<subcore_parallel>], iteration_bounds = array<i64: 2, 16>, scalar_prefetch = 0 : i64, scratch_operands = 9 : i64, tpu.core_type = #tpu.core_type<sc_vector_subcore>, window_params = [{transform_indices = #map}, {transform_indices = #map}, {transform_indices = #map}, {transform_indices = #map}, {transform_indices = #map1}]} {
    %mul3A = arith.constant 2 : i32
    %mul3A_0 = arith.muli %arg1, %mul3A : i32
    %add3A = arith.addi %mul3A_0, %arg0 : i32
    %mul3A_1 = arith.constant 128 : i32
    %mul3A_2 = arith.muli %add3A, %mul3A_1 : i32
    %mul3A_3 = arith.constant 64 : i32
    %mul3A_4 = arith.muli %add3A, %mul3A_3 : i32
    "tpu.region"() ({
      %run_scoped3A = tpu.sem_alloc : memref<!tpu.dma_semaphore, #tpu.memory_space<semaphore_mem>>
      %dma_start3A_81 = arith.constant 0 : i32
      %dma_start3A_82 = tpu.memref_slice %arg2[%mul3A_4, %dma_start3A_81] : memref<2048x100xi32, #tpu.memory_space<hbm>> -> memref<64x100xi32, #tpu.memory_space<hbm>>
      %dma_start3A_83 = arith.constant 0 : i32
      %dma_start3A_84 = tpu.memref_slice %arg2[%mul3A_4, %dma_start3A_83] : memref<2048x100xi32, #tpu.memory_space<hbm>> -> memref<64x100xi32, #tpu.memory_space<hbm>>
      tpu.enqueue_dma source(%dma_start3A_84 : memref<64x100xi32, #tpu.memory_space<hbm>>) target(%arg7 : memref<64x100xi32, #tpu.memory_space<vmem>>) target_semaphore(%run_scoped3A : memref<!tpu.dma_semaphore, #tpu.memory_space<semaphore_mem>>)
      %dma_wait3A = arith.constant 0 : i32
      %dma_wait3A_85 = tpu.memref_slice %arg2[%mul3A_4, %dma_wait3A] : memref<2048x100xi32, #tpu.memory_space<hbm>> -> memref<64x100xi32, #tpu.memory_space<hbm>>
      %dma_wait3A_86 = arith.constant 0 : i32
      %dma_wait3A_87 = tpu.memref_slice %arg2[%mul3A_4, %dma_wait3A_86] : memref<2048x100xi32, #tpu.memory_space<hbm>> -> memref<64x100xi32, #tpu.memory_space<hbm>>
      tpu.wait_dma2 semaphore(%run_scoped3A : memref<!tpu.dma_semaphore, #tpu.memory_space<semaphore_mem>>) src(%dma_wait3A_87 : memref<64x100xi32, #tpu.memory_space<hbm>>) dst(%arg7 : memref<64x100xi32, #tpu.memory_space<vmem>>)
      tpu.yield
    }) : () -> ()
    "tpu.region"() ({
      %run_scoped3A = tpu.sem_alloc : memref<!tpu.dma_semaphore, #tpu.memory_space<semaphore_mem>>
      %dma_start3A_81 = arith.constant 0 : i32
      %dma_start3A_82 = tpu.memref_slice %arg3[%mul3A_4, %dma_start3A_81] : memref<2048x100xi32, #tpu.memory_space<hbm>> -> memref<64x100xi32, #tpu.memory_space<hbm>>
      %dma_start3A_83 = arith.constant 0 : i32
      %dma_start3A_84 = tpu.memref_slice %arg3[%mul3A_4, %dma_start3A_83] : memref<2048x100xi32, #tpu.memory_space<hbm>> -> memref<64x100xi32, #tpu.memory_space<hbm>>
      tpu.enqueue_dma source(%dma_start3A_84 : memref<64x100xi32, #tpu.memory_space<hbm>>) target(%arg8 : memref<64x100xi32, #tpu.memory_space<vmem>>) target_semaphore(%run_scoped3A : memref<!tpu.dma_semaphore, #tpu.memory_space<semaphore_mem>>)
      %dma_wait3A = arith.constant 0 : i32
      %dma_wait3A_85 = tpu.memref_slice %arg3[%mul3A_4, %dma_wait3A] : memref<2048x100xi32, #tpu.memory_space<hbm>> -> memref<64x100xi32, #tpu.memory_space<hbm>>
      %dma_wait3A_86 = arith.constant 0 : i32
      %dma_wait3A_87 = tpu.memref_slice %arg3[%mul3A_4, %dma_wait3A_86] : memref<2048x100xi32, #tpu.memory_space<hbm>> -> memref<64x100xi32, #tpu.memory_space<hbm>>
      tpu.wait_dma2 semaphore(%run_scoped3A : memref<!tpu.dma_semaphore, #tpu.memory_space<semaphore_mem>>) src(%dma_wait3A_87 : memref<64x100xi32, #tpu.memory_space<hbm>>) dst(%arg8 : memref<64x100xi32, #tpu.memory_space<vmem>>)
      tpu.yield
    }) : () -> ()
    %dma_start3A = arith.constant 0 : i32
    %dma_start3A_5 = arith.constant 0 : i32
    %dma_start3A_6 = arith.constant 0 : i32
    %dma_start3A_7 = arith.constant 0 : i32
    %dma_start3A_8 = tpu.memref_slice %arg9[%dma_start3A_5, %dma_start3A_6, %dma_start3A_7] : memref<4x100x128xf32, #tpu.memory_space<vmem>> -> memref<1x100x128xf32, #tpu.memory_space<vmem>>
    %dma_start3A_9 = tpu.memref_squeeze %dma_start3A_8 : memref<1x100x128xf32, #tpu.memory_space<vmem>> -> memref<100x128xf32, #tpu.memory_space<vmem>>
    %dma_start3A_10 = arith.constant 0 : i32
    %dma_start3A_11 = tpu.memref_slice %arg7[%dma_start3A, %dma_start3A_10] : memref<64x100xi32, #tpu.memory_space<vmem>> -> memref<1x100xi32, #tpu.memory_space<vmem>>
    %dma_start3A_12 = tpu.memref_squeeze %dma_start3A_11 : memref<1x100xi32, #tpu.memory_space<vmem>> -> memref<100xi32, #tpu.memory_space<vmem>>
    %dma_start3A_13 = arith.constant 0 : i32
    %dma_start3A_14 = arith.constant 0 : i32
    %dma_start3A_15 = tpu.memref_slice %arg4[%dma_start3A_13, %dma_start3A_14] : memref<100000x128xf32, #tpu.memory_space<hbm>> -> memref<100000x128xf32, #tpu.memory_space<hbm>>
    tpu.enqueue_indirect_dma source(%dma_start3A_15 : memref<100000x128xf32, #tpu.memory_space<hbm>>) target(%dma_start3A_9 : memref<100x128xf32, #tpu.memory_space<vmem>>) offsets(%dma_start3A_12 : memref<100xi32, #tpu.memory_space<vmem>>) semaphore(%arg12 : memref<!tpu.dma_semaphore, #tpu.memory_space<semaphore_mem>>)
    %dma_start3A_16 = arith.constant 0 : i32
    %dma_start3A_17 = arith.constant 0 : i32
    %dma_start3A_18 = arith.constant 0 : i32
    %dma_start3A_19 = arith.constant 0 : i32
    %dma_start3A_20 = tpu.memref_slice %arg10[%dma_start3A_17, %dma_start3A_18, %dma_start3A_19] : memref<4x100x128xf32, #tpu.memory_space<vmem>> -> memref<1x100x128xf32, #tpu.memory_space<vmem>>
    %dma_start3A_21 = tpu.memref_squeeze %dma_start3A_20 : memref<1x100x128xf32, #tpu.memory_space<vmem>> -> memref<100x128xf32, #tpu.memory_space<vmem>>
    %dma_start3A_22 = arith.constant 0 : i32
    %dma_start3A_23 = tpu.memref_slice %arg8[%dma_start3A_16, %dma_start3A_22] : memref<64x100xi32, #tpu.memory_space<vmem>> -> memref<1x100xi32, #tpu.memory_space<vmem>>
    %dma_start3A_24 = tpu.memref_squeeze %dma_start3A_23 : memref<1x100xi32, #tpu.memory_space<vmem>> -> memref<100xi32, #tpu.memory_space<vmem>>
    %dma_start3A_25 = arith.constant 0 : i32
    %dma_start3A_26 = arith.constant 0 : i32
    %dma_start3A_27 = tpu.memref_slice %arg5[%dma_start3A_25, %dma_start3A_26] : memref<100000x128xf32, #tpu.memory_space<hbm>> -> memref<100000x128xf32, #tpu.memory_space<hbm>>
    tpu.enqueue_indirect_dma source(%dma_start3A_27 : memref<100000x128xf32, #tpu.memory_space<hbm>>) target(%dma_start3A_21 : memref<100x128xf32, #tpu.memory_space<vmem>>) offsets(%dma_start3A_24 : memref<100xi32, #tpu.memory_space<vmem>>) semaphore(%arg12 : memref<!tpu.dma_semaphore, #tpu.memory_space<semaphore_mem>>)
    %dma_start3A_28 = arith.constant 1 : i32
    %dma_start3A_29 = arith.constant 1 : i32
    %dma_start3A_30 = arith.constant 0 : i32
    %dma_start3A_31 = arith.constant 0 : i32
    %dma_start3A_32 = tpu.memref_slice %arg9[%dma_start3A_29, %dma_start3A_30, %dma_start3A_31] : memref<4x100x128xf32, #tpu.memory_space<vmem>> -> memref<1x100x128xf32, #tpu.memory_space<vmem>>
    %dma_start3A_33 = tpu.memref_squeeze %dma_start3A_32 : memref<1x100x128xf32, #tpu.memory_space<vmem>> -> memref<100x128xf32, #tpu.memory_space<vmem>>
    %dma_start3A_34 = arith.constant 0 : i32
    %dma_start3A_35 = tpu.memref_slice %arg7[%dma_start3A_28, %dma_start3A_34] : memref<64x100xi32, #tpu.memory_space<vmem>> -> memref<1x100xi32, #tpu.memory_space<vmem>>
    %dma_start3A_36 = tpu.memref_squeeze %dma_start3A_35 : memref<1x100xi32, #tpu.memory_space<vmem>> -> memref<100xi32, #tpu.memory_space<vmem>>
    %dma_start3A_37 = arith.constant 0 : i32
    %dma_start3A_38 = arith.constant 0 : i32
    %dma_start3A_39 = tpu.memref_slice %arg4[%dma_start3A_37, %dma_start3A_38] : memref<100000x128xf32, #tpu.memory_space<hbm>> -> memref<100000x128xf32, #tpu.memory_space<hbm>>
    tpu.enqueue_indirect_dma source(%dma_start3A_39 : memref<100000x128xf32, #tpu.memory_space<hbm>>) target(%dma_start3A_33 : memref<100x128xf32, #tpu.memory_space<vmem>>) offsets(%dma_start3A_36 : memref<100xi32, #tpu.memory_space<vmem>>) semaphore(%arg13 : memref<!tpu.dma_semaphore, #tpu.memory_space<semaphore_mem>>)
    %dma_start3A_40 = arith.constant 1 : i32
    %dma_start3A_41 = arith.constant 1 : i32
    %dma_start3A_42 = arith.constant 0 : i32
    %dma_start3A_43 = arith.constant 0 : i32
    %dma_start3A_44 = tpu.memref_slice %arg10[%dma_start3A_41, %dma_start3A_42, %dma_start3A_43] : memref<4x100x128xf32, #tpu.memory_space<vmem>> -> memref<1x100x128xf32, #tpu.memory_space<vmem>>
    %dma_start3A_45 = tpu.memref_squeeze %dma_start3A_44 : memref<1x100x128xf32, #tpu.memory_space<vmem>> -> memref<100x128xf32, #tpu.memory_space<vmem>>
    %dma_start3A_46 = arith.constant 0 : i32
    %dma_start3A_47 = tpu.memref_slice %arg8[%dma_start3A_40, %dma_start3A_46] : memref<64x100xi32, #tpu.memory_space<vmem>> -> memref<1x100xi32, #tpu.memory_space<vmem>>
    %dma_start3A_48 = tpu.memref_squeeze %dma_start3A_47 : memref<1x100xi32, #tpu.memory_space<vmem>> -> memref<100xi32, #tpu.memory_space<vmem>>
    %dma_start3A_49 = arith.constant 0 : i32
    %dma_start3A_50 = arith.constant 0 : i32
    %dma_start3A_51 = tpu.memref_slice %arg5[%dma_start3A_49, %dma_start3A_50] : memref<100000x128xf32, #tpu.memory_space<hbm>> -> memref<100000x128xf32, #tpu.memory_space<hbm>>
    tpu.enqueue_indirect_dma source(%dma_start3A_51 : memref<100000x128xf32, #tpu.memory_space<hbm>>) target(%dma_start3A_45 : memref<100x128xf32, #tpu.memory_space<vmem>>) offsets(%dma_start3A_48 : memref<100xi32, #tpu.memory_space<vmem>>) semaphore(%arg13 : memref<!tpu.dma_semaphore, #tpu.memory_space<semaphore_mem>>)
    %dma_start3A_52 = arith.constant 2 : i32
    %dma_start3A_53 = arith.constant 2 : i32
    %dma_start3A_54 = arith.constant 0 : i32
    %dma_start3A_55 = arith.constant 0 : i32
    %dma_start3A_56 = tpu.memref_slice %arg9[%dma_start3A_53, %dma_start3A_54, %dma_start3A_55] : memref<4x100x128xf32, #tpu.memory_space<vmem>> -> memref<1x100x128xf32, #tpu.memory_space<vmem>>
    %dma_start3A_57 = tpu.memref_squeeze %dma_start3A_56 : memref<1x100x128xf32, #tpu.memory_space<vmem>> -> memref<100x128xf32, #tpu.memory_space<vmem>>
    %dma_start3A_58 = arith.constant 0 : i32
    %dma_start3A_59 = tpu.memref_slice %arg7[%dma_start3A_52, %dma_start3A_58] : memref<64x100xi32, #tpu.memory_space<vmem>> -> memref<1x100xi32, #tpu.memory_space<vmem>>
    %dma_start3A_60 = tpu.memref_squeeze %dma_start3A_59 : memref<1x100xi32, #tpu.memory_space<vmem>> -> memref<100xi32, #tpu.memory_space<vmem>>
    %dma_start3A_61 = arith.constant 0 : i32
    %dma_start3A_62 = arith.constant 0 : i32
    %dma_start3A_63 = tpu.memref_slice %arg4[%dma_start3A_61, %dma_start3A_62] : memref<100000x128xf32, #tpu.memory_space<hbm>> -> memref<100000x128xf32, #tpu.memory_space<hbm>>
    tpu.enqueue_indirect_dma source(%dma_start3A_63 : memref<100000x128xf32, #tpu.memory_space<hbm>>) target(%dma_start3A_57 : memref<100x128xf32, #tpu.memory_space<vmem>>) offsets(%dma_start3A_60 : memref<100xi32, #tpu.memory_space<vmem>>) semaphore(%arg14 : memref<!tpu.dma_semaphore, #tpu.memory_space<semaphore_mem>>)
    %dma_start3A_64 = arith.constant 2 : i32
    %dma_start3A_65 = arith.constant 2 : i32
    %dma_start3A_66 = arith.constant 0 : i32
    %dma_start3A_67 = arith.constant 0 : i32
    %dma_start3A_68 = tpu.memref_slice %arg10[%dma_start3A_65, %dma_start3A_66, %dma_start3A_67] : memref<4x100x128xf32, #tpu.memory_space<vmem>> -> memref<1x100x128xf32, #tpu.memory_space<vmem>>
    %dma_start3A_69 = tpu.memref_squeeze %dma_start3A_68 : memref<1x100x128xf32, #tpu.memory_space<vmem>> -> memref<100x128xf32, #tpu.memory_space<vmem>>
    %dma_start3A_70 = arith.constant 0 : i32
    %dma_start3A_71 = tpu.memref_slice %arg8[%dma_start3A_64, %dma_start3A_70] : memref<64x100xi32, #tpu.memory_space<vmem>> -> memref<1x100xi32, #tpu.memory_space<vmem>>
    %dma_start3A_72 = tpu.memref_squeeze %dma_start3A_71 : memref<1x100xi32, #tpu.memory_space<vmem>> -> memref<100xi32, #tpu.memory_space<vmem>>
    %dma_start3A_73 = arith.constant 0 : i32
    %dma_start3A_74 = arith.constant 0 : i32
    %dma_start3A_75 = tpu.memref_slice %arg5[%dma_start3A_73, %dma_start3A_74] : memref<100000x128xf32, #tpu.memory_space<hbm>> -> memref<100000x128xf32, #tpu.memory_space<hbm>>
    tpu.enqueue_indirect_dma source(%dma_start3A_75 : memref<100000x128xf32, #tpu.memory_space<hbm>>) target(%dma_start3A_69 : memref<100x128xf32, #tpu.memory_space<vmem>>) offsets(%dma_start3A_72 : memref<100xi32, #tpu.memory_space<vmem>>) semaphore(%arg14 : memref<!tpu.dma_semaphore, #tpu.memory_space<semaphore_mem>>)
    %scan3A = arith.constant 0 : i32
    %scan3A_76 = arith.constant 0 : i32
    %scan3A_77 = arith.constant 16 : i32
    %scan3A_78 = arith.addi %scan3A_76, %scan3A_77 : i32
    %scan3A_79 = arith.constant 1 : i32
    scf.for %scan3A_81 = %scan3A_76 to %scan3A_78 step %scan3A_79  : i32 {
      %mul3A_82 = arith.constant 4 : i32
      %mul3A_83 = arith.muli %mul3A_82, %scan3A_81 : i32
      %add3A_84 = arith.constant 0 : i32
      %add3A_85 = arith.addi %mul3A_83, %add3A_84 : i32
      %dma_wait3A = arith.constant 0 : i32
      %dma_wait3A_86 = arith.constant 0 : i32
      %dma_wait3A_87 = arith.constant 0 : i32
      %dma_wait3A_88 = tpu.memref_slice %arg9[%dma_wait3A, %dma_wait3A_86, %dma_wait3A_87] : memref<4x100x128xf32, #tpu.memory_space<vmem>> -> memref<1x100x128xf32, #tpu.memory_space<vmem>>
      %dma_wait3A_89 = tpu.memref_squeeze %dma_wait3A_88 : memref<1x100x128xf32, #tpu.memory_space<vmem>> -> memref<100x128xf32, #tpu.memory_space<vmem>>
      %dma_wait3A_90 = arith.constant 0 : i32
      %dma_wait3A_91 = tpu.memref_slice %arg7[%add3A_85, %dma_wait3A_90] : memref<64x100xi32, #tpu.memory_space<vmem>> -> memref<1x100xi32, #tpu.memory_space<vmem>>
      %dma_wait3A_92 = tpu.memref_squeeze %dma_wait3A_91 : memref<1x100xi32, #tpu.memory_space<vmem>> -> memref<100xi32, #tpu.memory_space<vmem>>
      %dma_wait3A_93 = arith.constant 0 : i32
      %dma_wait3A_94 = arith.constant 0 : i32
      %dma_wait3A_95 = tpu.memref_slice %arg4[%dma_wait3A_93, %dma_wait3A_94] : memref<100000x128xf32, #tpu.memory_space<hbm>> -> memref<100000x128xf32, #tpu.memory_space<hbm>>
      tpu.wait_indirect_dma semaphore(%arg12 : memref<!tpu.dma_semaphore, #tpu.memory_space<semaphore_mem>>) src(%dma_wait3A_95 : memref<100000x128xf32, #tpu.memory_space<hbm>>) dst(%dma_wait3A_89 : memref<100x128xf32, #tpu.memory_space<vmem>>)
      %dma_wait3A_96 = arith.constant 0 : i32
      %dma_wait3A_97 = arith.constant 0 : i32
      %dma_wait3A_98 = arith.constant 0 : i32
      %dma_wait3A_99 = tpu.memref_slice %arg10[%dma_wait3A_96, %dma_wait3A_97, %dma_wait3A_98] : memref<4x100x128xf32, #tpu.memory_space<vmem>> -> memref<1x100x128xf32, #tpu.memory_space<vmem>>
      %dma_wait3A_100 = tpu.memref_squeeze %dma_wait3A_99 : memref<1x100x128xf32, #tpu.memory_space<vmem>> -> memref<100x128xf32, #tpu.memory_space<vmem>>
      %dma_wait3A_101 = arith.constant 0 : i32
      %dma_wait3A_102 = tpu.memref_slice %arg8[%add3A_85, %dma_wait3A_101] : memref<64x100xi32, #tpu.memory_space<vmem>> -> memref<1x100xi32, #tpu.memory_space<vmem>>
      %dma_wait3A_103 = tpu.memref_squeeze %dma_wait3A_102 : memref<1x100xi32, #tpu.memory_space<vmem>> -> memref<100xi32, #tpu.memory_space<vmem>>
      %dma_wait3A_104 = arith.constant 0 : i32
      %dma_wait3A_105 = arith.constant 0 : i32
      %dma_wait3A_106 = tpu.memref_slice %arg5[%dma_wait3A_104, %dma_wait3A_105] : memref<100000x128xf32, #tpu.memory_space<hbm>> -> memref<100000x128xf32, #tpu.memory_space<hbm>>
      tpu.wait_indirect_dma semaphore(%arg12 : memref<!tpu.dma_semaphore, #tpu.memory_space<semaphore_mem>>) src(%dma_wait3A_106 : memref<100000x128xf32, #tpu.memory_space<hbm>>) dst(%dma_wait3A_100 : memref<100x128xf32, #tpu.memory_space<vmem>>)
      %broadcast_in_dim3A = arith.constant 0.000000e+00 : f32
      %broadcast_in_dim3A_107 = vector.broadcast %broadcast_in_dim3A : f32 to vector<16xf32>
      %broadcast_in_dim3A_108 = arith.constant 0.000000e+00 : f32
      %broadcast_in_dim3A_109 = vector.broadcast %broadcast_in_dim3A_108 : f32 to vector<16xf32>
      %broadcast_in_dim3A_110 = arith.constant 0.000000e+00 : f32
      %broadcast_in_dim3A_111 = vector.broadcast %broadcast_in_dim3A_110 : f32 to vector<16xf32>
      %broadcast_in_dim3A_112 = arith.constant 0.000000e+00 : f32
      %broadcast_in_dim3A_113 = vector.broadcast %broadcast_in_dim3A_112 : f32 to vector<16xf32>
      %broadcast_in_dim3A_114 = arith.constant 0.000000e+00 : f32
      %broadcast_in_dim3A_115 = vector.broadcast %broadcast_in_dim3A_114 : f32 to vector<16xf32>
      %broadcast_in_dim3A_116 = arith.constant 0.000000e+00 : f32
      %broadcast_in_dim3A_117 = vector.broadcast %broadcast_in_dim3A_116 : f32 to vector<16xf32>
      %broadcast_in_dim3A_118 = arith.constant 0.000000e+00 : f32
      %broadcast_in_dim3A_119 = vector.broadcast %broadcast_in_dim3A_118 : f32 to vector<16xf32>
      %broadcast_in_dim3A_120 = arith.constant 0.000000e+00 : f32
      %broadcast_in_dim3A_121 = vector.broadcast %broadcast_in_dim3A_120 : f32 to vector<16xf32>
      %scan3A_122 = arith.constant 0 : i32
      %scan3A_123 = arith.constant 50 : i32
      %scan3A_124 = arith.addi %scan3A_122, %scan3A_123 : i32
      %scan3A_125 = arith.constant 2 : i32
      %scan3A_126:8 = scf.for %scan3A_740 = %scan3A_122 to %scan3A_124 step %scan3A_125 iter_args(%scan3A_741 = %broadcast_in_dim3A_107, %scan3A_742 = %broadcast_in_dim3A_109, %scan3A_743 = %broadcast_in_dim3A_111, %scan3A_744 = %broadcast_in_dim3A_113, %scan3A_745 = %broadcast_in_dim3A_115, %scan3A_746 = %broadcast_in_dim3A_117, %scan3A_747 = %broadcast_in_dim3A_119, %scan3A_748 = %broadcast_in_dim3A_121) -> (vector<16xf32>, vector<16xf32>, vector<16xf32>, vector<16xf32>, vector<16xf32>, vector<16xf32>, vector<16xf32>, vector<16xf32>)  : i32 {
        %add3A_749 = arith.constant 0 : i32
        %add3A_750 = arith.addi %add3A_749, %scan3A_740 : i32
        %get3A = arith.constant 0 : i32
        %get3A_751 = arith.index_cast %get3A : i32 to index
        %get3A_752 = arith.index_cast %add3A_750 : i32 to index
        %get3A_753 = arith.constant 0 : index
        %get3A_754 = tpu.vector_load %arg9[%get3A_751, %get3A_752, %get3A_753] {strides = array<i32>} : memref<4x100x128xf32, #tpu.memory_space<vmem>>, vector<16xf32>,
        %add3A_755 = arith.constant 0 : i32
        %add3A_756 = arith.addi %add3A_755, %scan3A_740 : i32
        %get3A_757 = arith.constant 0 : i32
        %get3A_758 = arith.index_cast %get3A_757 : i32 to index
        %get3A_759 = arith.index_cast %add3A_756 : i32 to index
        %get3A_760 = arith.constant 0 : index
        %get3A_761 = tpu.vector_load %arg10[%get3A_758, %get3A_759, %get3A_760] {strides = array<i32>} : memref<4x100x128xf32, #tpu.memory_space<vmem>>, vector<16xf32>,
        %mul3A_762 = arith.mulf %get3A_754, %get3A_761 : vector<16xf32>
        %add3A_763 = arith.addf %scan3A_741, %mul3A_762 : vector<16xf32>
        %add3A_764 = arith.constant 0 : i32
        %add3A_765 = arith.addi %add3A_764, %scan3A_740 : i32
        %get3A_766 = arith.constant 0 : i32
        %get3A_767 = arith.index_cast %get3A_766 : i32 to index
        %get3A_768 = arith.index_cast %add3A_765 : i32 to index
        %get3A_769 = arith.constant 16 : index
        %get3A_770 = tpu.vector_load %arg9[%get3A_767, %get3A_768, %get3A_769] {strides = array<i32>} : memref<4x100x128xf32, #tpu.memory_space<vmem>>, vector<16xf32>,
        %add3A_771 = arith.constant 0 : i32
        %add3A_772 = arith.addi %add3A_771, %scan3A_740 : i32
        %get3A_773 = arith.constant 0 : i32
        %get3A_774 = arith.index_cast %get3A_773 : i32 to index
        %get3A_775 = arith.index_cast %add3A_772 : i32 to index
        %get3A_776 = arith.constant 16 : index
        %get3A_777 = tpu.vector_load %arg10[%get3A_774, %get3A_775, %get3A_776] {strides = array<i32>} : memref<4x100x128xf32, #tpu.memory_space<vmem>>, vector<16xf32>,
        %mul3A_778 = arith.mulf %get3A_770, %get3A_777 : vector<16xf32>
        %add3A_779 = arith.addf %scan3A_742, %mul3A_778 : vector<16xf32>
        %add3A_780 = arith.constant 0 : i32
        %add3A_781 = arith.addi %add3A_780, %scan3A_740 : i32
        %get3A_782 = arith.constant 0 : i32
        %get3A_783 = arith.index_cast %get3A_782 : i32 to index
        %get3A_784 = arith.index_cast %add3A_781 : i32 to index
        %get3A_785 = arith.constant 32 : index
        %get3A_786 = tpu.vector_load %arg9[%get3A_783, %get3A_784, %get3A_785] {strides = array<i32>} : memref<4x100x128xf32, #tpu.memory_space<vmem>>, vector<16xf32>,
        %add3A_787 = arith.constant 0 : i32
        %add3A_788 = arith.addi %add3A_787, %scan3A_740 : i32
        %get3A_789 = arith.constant 0 : i32
        %get3A_790 = arith.index_cast %get3A_789 : i32 to index
        %get3A_791 = arith.index_cast %add3A_788 : i32 to index
        %get3A_792 = arith.constant 32 : index
        %get3A_793 = tpu.vector_load %arg10[%get3A_790, %get3A_791, %get3A_792] {strides = array<i32>} : memref<4x100x128xf32, #tpu.memory_space<vmem>>, vector<16xf32>,
        %mul3A_794 = arith.mulf %get3A_786, %get3A_793 : vector<16xf32>
        %add3A_795 = arith.addf %scan3A_743, %mul3A_794 : vector<16xf32>
        %add3A_796 = arith.constant 0 : i32
        %add3A_797 = arith.addi %add3A_796, %scan3A_740 : i32
        %get3A_798 = arith.constant 0 : i32
        %get3A_799 = arith.index_cast %get3A_798 : i32 to index
        %get3A_800 = arith.index_cast %add3A_797 : i32 to index
        %get3A_801 = arith.constant 48 : index
        %get3A_802 = tpu.vector_load %arg9[%get3A_799, %get3A_800, %get3A_801] {strides = array<i32>} : memref<4x100x128xf32, #tpu.memory_space<vmem>>, vector<16xf32>,
        %add3A_803 = arith.constant 0 : i32
        %add3A_804 = arith.addi %add3A_803, %scan3A_740 : i32
        %get3A_805 = arith.constant 0 : i32
        %get3A_806 = arith.index_cast %get3A_805 : i32 to index
        %get3A_807 = arith.index_cast %add3A_804 : i32 to index
        %get3A_808 = arith.constant 48 : index
        %get3A_809 = tpu.vector_load %arg10[%get3A_806, %get3A_807, %get3A_808] {strides = array<i32>} : memref<4x100x128xf32, #tpu.memory_space<vmem>>, vector<16xf32>,
        %mul3A_810 = arith.mulf %get3A_802, %get3A_809 : vector<16xf32>
        %add3A_811 = arith.addf %scan3A_744, %mul3A_810 : vector<16xf32>
        %add3A_812 = arith.constant 0 : i32
        %add3A_813 = arith.addi %add3A_812, %scan3A_740 : i32
        %get3A_814 = arith.constant 0 : i32
        %get3A_815 = arith.index_cast %get3A_814 : i32 to index
        %get3A_816 = arith.index_cast %add3A_813 : i32 to index
        %get3A_817 = arith.constant 64 : index
        %get3A_818 = tpu.vector_load %arg9[%get3A_815, %get3A_816, %get3A_817] {strides = array<i32>} : memref<4x100x128xf32, #tpu.memory_space<vmem>>, vector<16xf32>,
        %add3A_819 = arith.constant 0 : i32
        %add3A_820 = arith.addi %add3A_819, %scan3A_740 : i32
        %get3A_821 = arith.constant 0 : i32
        %get3A_822 = arith.index_cast %get3A_821 : i32 to index
        %get3A_823 = arith.index_cast %add3A_820 : i32 to index
        %get3A_824 = arith.constant 64 : index
        %get3A_825 = tpu.vector_load %arg10[%get3A_822, %get3A_823, %get3A_824] {strides = array<i32>} : memref<4x100x128xf32, #tpu.memory_space<vmem>>, vector<16xf32>,
        %mul3A_826 = arith.mulf %get3A_818, %get3A_825 : vector<16xf32>
        %add3A_827 = arith.addf %scan3A_745, %mul3A_826 : vector<16xf32>
        %add3A_828 = arith.constant 0 : i32
        %add3A_829 = arith.addi %add3A_828, %scan3A_740 : i32
        %get3A_830 = arith.constant 0 : i32
        %get3A_831 = arith.index_cast %get3A_830 : i32 to index
        %get3A_832 = arith.index_cast %add3A_829 : i32 to index
        %get3A_833 = arith.constant 80 : index
        %get3A_834 = tpu.vector_load %arg9[%get3A_831, %get3A_832, %get3A_833] {strides = array<i32>} : memref<4x100x128xf32, #tpu.memory_space<vmem>>, vector<16xf32>,
        %add3A_835 = arith.constant 0 : i32
        %add3A_836 = arith.addi %add3A_835, %scan3A_740 : i32
        %get3A_837 = arith.constant 0 : i32
        %get3A_838 = arith.index_cast %get3A_837 : i32 to index
        %get3A_839 = arith.index_cast %add3A_836 : i32 to index
        %get3A_840 = arith.constant 80 : index
        %get3A_841 = tpu.vector_load %arg10[%get3A_838, %get3A_839, %get3A_840] {strides = array<i32>} : memref<4x100x128xf32, #tpu.memory_space<vmem>>, vector<16xf32>,
        %mul3A_842 = arith.mulf %get3A_834, %get3A_841 : vector<16xf32>
        %add3A_843 = arith.addf %scan3A_746, %mul3A_842 : vector<16xf32>
        %add3A_844 = arith.constant 0 : i32
        %add3A_845 = arith.addi %add3A_844, %scan3A_740 : i32
        %get3A_846 = arith.constant 0 : i32
        %get3A_847 = arith.index_cast %get3A_846 : i32 to index
        %get3A_848 = arith.index_cast %add3A_845 : i32 to index
        %get3A_849 = arith.constant 96 : index
        %get3A_850 = tpu.vector_load %arg9[%get3A_847, %get3A_848, %get3A_849] {strides = array<i32>} : memref<4x100x128xf32, #tpu.memory_space<vmem>>, vector<16xf32>,
        %add3A_851 = arith.constant 0 : i32
        %add3A_852 = arith.addi %add3A_851, %scan3A_740 : i32
        %get3A_853 = arith.constant 0 : i32
        %get3A_854 = arith.index_cast %get3A_853 : i32 to index
        %get3A_855 = arith.index_cast %add3A_852 : i32 to index
        %get3A_856 = arith.constant 96 : index
        %get3A_857 = tpu.vector_load %arg10[%get3A_854, %get3A_855, %get3A_856] {strides = array<i32>} : memref<4x100x128xf32, #tpu.memory_space<vmem>>, vector<16xf32>,
        %mul3A_858 = arith.mulf %get3A_850, %get3A_857 : vector<16xf32>
        %add3A_859 = arith.addf %scan3A_747, %mul3A_858 : vector<16xf32>
        %add3A_860 = arith.constant 0 : i32
        %add3A_861 = arith.addi %add3A_860, %scan3A_740 : i32
        %get3A_862 = arith.constant 0 : i32
        %get3A_863 = arith.index_cast %get3A_862 : i32 to index
        %get3A_864 = arith.index_cast %add3A_861 : i32 to index
        %get3A_865 = arith.constant 112 : index
        %get3A_866 = tpu.vector_load %arg9[%get3A_863, %get3A_864, %get3A_865] {strides = array<i32>} : memref<4x100x128xf32, #tpu.memory_space<vmem>>, vector<16xf32>,
        %add3A_867 = arith.constant 0 : i32
        %add3A_868 = arith.addi %add3A_867, %scan3A_740 : i32
        %get3A_869 = arith.constant 0 : i32
        %get3A_870 = arith.index_cast %get3A_869 : i32 to index
        %get3A_871 = arith.index_cast %add3A_868 : i32 to index
        %get3A_872 = arith.constant 112 : index
        %get3A_873 = tpu.vector_load %arg10[%get3A_870, %get3A_871, %get3A_872] {strides = array<i32>} : memref<4x100x128xf32, #tpu.memory_space<vmem>>, vector<16xf32>,
        %mul3A_874 = arith.mulf %get3A_866, %get3A_873 : vector<16xf32>
        %add3A_875 = arith.addf %scan3A_748, %mul3A_874 : vector<16xf32>
        %scan3A_876 = arith.constant 1 : i32
        %scan3A_877 = arith.addi %scan3A_740, %scan3A_876 : i32
        %add3A_878 = arith.constant 0 : i32
        %add3A_879 = arith.addi %add3A_878, %scan3A_877 : i32
        %get3A_880 = arith.constant 0 : i32
        %get3A_881 = arith.index_cast %get3A_880 : i32 to index
        %get3A_882 = arith.index_cast %add3A_879 : i32 to index
        %get3A_883 = arith.constant 0 : index
        %get3A_884 = tpu.vector_load %arg9[%get3A_881, %get3A_882, %get3A_883] {strides = array<i32>} : memref<4x100x128xf32, #tpu.memory_space<vmem>>, vector<16xf32>,
        %add3A_885 = arith.constant 0 : i32
        %add3A_886 = arith.addi %add3A_885, %scan3A_877 : i32
        %get3A_887 = arith.constant 0 : i32
        %get3A_888 = arith.index_cast %get3A_887 : i32 to index
        %get3A_889 = arith.index_cast %add3A_886 : i32 to index
        %get3A_890 = arith.constant 0 : index
        %get3A_891 = tpu.vector_load %arg10[%get3A_888, %get3A_889, %get3A_890] {strides = array<i32>} : memref<4x100x128xf32, #tpu.memory_space<vmem>>, vector<16xf32>,
        %mul3A_892 = arith.mulf %get3A_884, %get3A_891 : vector<16xf32>
        %add3A_893 = arith.addf %add3A_763, %mul3A_892 : vector<16xf32>
        %add3A_894 = arith.constant 0 : i32
        %add3A_895 = arith.addi %add3A_894, %scan3A_877 : i32
        %get3A_896 = arith.constant 0 : i32
        %get3A_897 = arith.index_cast %get3A_896 : i32 to index
        %get3A_898 = arith.index_cast %add3A_895 : i32 to index
        %get3A_899 = arith.constant 16 : index
        %get3A_900 = tpu.vector_load %arg9[%get3A_897, %get3A_898, %get3A_899] {strides = array<i32>} : memref<4x100x128xf32, #tpu.memory_space<vmem>>, vector<16xf32>,
        %add3A_901 = arith.constant 0 : i32
        %add3A_902 = arith.addi %add3A_901, %scan3A_877 : i32
        %get3A_903 = arith.constant 0 : i32
        %get3A_904 = arith.index_cast %get3A_903 : i32 to index
        %get3A_905 = arith.index_cast %add3A_902 : i32 to index
        %get3A_906 = arith.constant 16 : index
        %get3A_907 = tpu.vector_load %arg10[%get3A_904, %get3A_905, %get3A_906] {strides = array<i32>} : memref<4x100x128xf32, #tpu.memory_space<vmem>>, vector<16xf32>,
        %mul3A_908 = arith.mulf %get3A_900, %get3A_907 : vector<16xf32>
        %add3A_909 = arith.addf %add3A_779, %mul3A_908 : vector<16xf32>
        %add3A_910 = arith.constant 0 : i32
        %add3A_911 = arith.addi %add3A_910, %scan3A_877 : i32
        %get3A_912 = arith.constant 0 : i32
        %get3A_913 = arith.index_cast %get3A_912 : i32 to index
        %get3A_914 = arith.index_cast %add3A_911 : i32 to index
        %get3A_915 = arith.constant 32 : index
        %get3A_916 = tpu.vector_load %arg9[%get3A_913, %get3A_914, %get3A_915] {strides = array<i32>} : memref<4x100x128xf32, #tpu.memory_space<vmem>>, vector<16xf32>,
        %add3A_917 = arith.constant 0 : i32
        %add3A_918 = arith.addi %add3A_917, %scan3A_877 : i32
        %get3A_919 = arith.constant 0 : i32
        %get3A_920 = arith.index_cast %get3A_919 : i32 to index
        %get3A_921 = arith.index_cast %add3A_918 : i32 to index
        %get3A_922 = arith.constant 32 : index
        %get3A_923 = tpu.vector_load %arg10[%get3A_920, %get3A_921, %get3A_922] {strides = array<i32>} : memref<4x100x128xf32, #tpu.memory_space<vmem>>, vector<16xf32>,
        %mul3A_924 = arith.mulf %get3A_916, %get3A_923 : vector<16xf32>
        %add3A_925 = arith.addf %add3A_795, %mul3A_924 : vector<16xf32>
        %add3A_926 = arith.constant 0 : i32
        %add3A_927 = arith.addi %add3A_926, %scan3A_877 : i32
        %get3A_928 = arith.constant 0 : i32
        %get3A_929 = arith.index_cast %get3A_928 : i32 to index
        %get3A_930 = arith.index_cast %add3A_927 : i32 to index
        %get3A_931 = arith.constant 48 : index
        %get3A_932 = tpu.vector_load %arg9[%get3A_929, %get3A_930, %get3A_931] {strides = array<i32>} : memref<4x100x128xf32, #tpu.memory_space<vmem>>, vector<16xf32>,
        %add3A_933 = arith.constant 0 : i32
        %add3A_934 = arith.addi %add3A_933, %scan3A_877 : i32
        %get3A_935 = arith.constant 0 : i32
        %get3A_936 = arith.index_cast %get3A_935 : i32 to index
        %get3A_937 = arith.index_cast %add3A_934 : i32 to index
        %get3A_938 = arith.constant 48 : index
        %get3A_939 = tpu.vector_load %arg10[%get3A_936, %get3A_937, %get3A_938] {strides = array<i32>} : memref<4x100x128xf32, #tpu.memory_space<vmem>>, vector<16xf32>,
        %mul3A_940 = arith.mulf %get3A_932, %get3A_939 : vector<16xf32>
        %add3A_941 = arith.addf %add3A_811, %mul3A_940 : vector<16xf32>
        %add3A_942 = arith.constant 0 : i32
        %add3A_943 = arith.addi %add3A_942, %scan3A_877 : i32
        %get3A_944 = arith.constant 0 : i32
        %get3A_945 = arith.index_cast %get3A_944 : i32 to index
        %get3A_946 = arith.index_cast %add3A_943 : i32 to index
        %get3A_947 = arith.constant 64 : index
        %get3A_948 = tpu.vector_load %arg9[%get3A_945, %get3A_946, %get3A_947] {strides = array<i32>} : memref<4x100x128xf32, #tpu.memory_space<vmem>>, vector<16xf32>,
        %add3A_949 = arith.constant 0 : i32
        %add3A_950 = arith.addi %add3A_949, %scan3A_877 : i32
        %get3A_951 = arith.constant 0 : i32
        %get3A_952 = arith.index_cast %get3A_951 : i32 to index
        %get3A_953 = arith.index_cast %add3A_950 : i32 to index
        %get3A_954 = arith.constant 64 : index
        %get3A_955 = tpu.vector_load %arg10[%get3A_952, %get3A_953, %get3A_954] {strides = array<i32>} : memref<4x100x128xf32, #tpu.memory_space<vmem>>, vector<16xf32>,
        %mul3A_956 = arith.mulf %get3A_948, %get3A_955 : vector<16xf32>
        %add3A_957 = arith.addf %add3A_827, %mul3A_956 : vector<16xf32>
        %add3A_958 = arith.constant 0 : i32
        %add3A_959 = arith.addi %add3A_958, %scan3A_877 : i32
        %get3A_960 = arith.constant 0 : i32
        %get3A_961 = arith.index_cast %get3A_960 : i32 to index
        %get3A_962 = arith.index_cast %add3A_959 : i32 to index
        %get3A_963 = arith.constant 80 : index
        %get3A_964 = tpu.vector_load %arg9[%get3A_961, %get3A_962, %get3A_963] {strides = array<i32>} : memref<4x100x128xf32, #tpu.memory_space<vmem>>, vector<16xf32>,
        %add3A_965 = arith.constant 0 : i32
        %add3A_966 = arith.addi %add3A_965, %scan3A_877 : i32
        %get3A_967 = arith.constant 0 : i32
        %get3A_968 = arith.index_cast %get3A_967 : i32 to index
        %get3A_969 = arith.index_cast %add3A_966 : i32 to index
        %get3A_970 = arith.constant 80 : index
        %get3A_971 = tpu.vector_load %arg10[%get3A_968, %get3A_969, %get3A_970] {strides = array<i32>} : memref<4x100x128xf32, #tpu.memory_space<vmem>>, vector<16xf32>,
        %mul3A_972 = arith.mulf %get3A_964, %get3A_971 : vector<16xf32>
        %add3A_973 = arith.addf %add3A_843, %mul3A_972 : vector<16xf32>
        %add3A_974 = arith.constant 0 : i32
        %add3A_975 = arith.addi %add3A_974, %scan3A_877 : i32
        %get3A_976 = arith.constant 0 : i32
        %get3A_977 = arith.index_cast %get3A_976 : i32 to index
        %get3A_978 = arith.index_cast %add3A_975 : i32 to index
        %get3A_979 = arith.constant 96 : index
        %get3A_980 = tpu.vector_load %arg9[%get3A_977, %get3A_978, %get3A_979] {strides = array<i32>} : memref<4x100x128xf32, #tpu.memory_space<vmem>>, vector<16xf32>,
        %add3A_981 = arith.constant 0 : i32
        %add3A_982 = arith.addi %add3A_981, %scan3A_877 : i32
        %get3A_983 = arith.constant 0 : i32
        %get3A_984 = arith.index_cast %get3A_983 : i32 to index
        %get3A_985 = arith.index_cast %add3A_982 : i32 to index
        %get3A_986 = arith.constant 96 : index
        %get3A_987 = tpu.vector_load %arg10[%get3A_984, %get3A_985, %get3A_986] {strides = array<i32>} : memref<4x100x128xf32, #tpu.memory_space<vmem>>, vector<16xf32>,
        %mul3A_988 = arith.mulf %get3A_980, %get3A_987 : vector<16xf32>
        %add3A_989 = arith.addf %add3A_859, %mul3A_988 : vector<16xf32>
        %add3A_990 = arith.constant 0 : i32
        %add3A_991 = arith.addi %add3A_990, %scan3A_877 : i32
        %get3A_992 = arith.constant 0 : i32
        %get3A_993 = arith.index_cast %get3A_992 : i32 to index
        %get3A_994 = arith.index_cast %add3A_991 : i32 to index
        %get3A_995 = arith.constant 112 : index
        %get3A_996 = tpu.vector_load %arg9[%get3A_993, %get3A_994, %get3A_995] {strides = array<i32>} : memref<4x100x128xf32, #tpu.memory_space<vmem>>, vector<16xf32>,
        %add3A_997 = arith.constant 0 : i32
        %add3A_998 = arith.addi %add3A_997, %scan3A_877 : i32
        %get3A_999 = arith.constant 0 : i32
        %get3A_1000 = arith.index_cast %get3A_999 : i32 to index
        %get3A_1001 = arith.index_cast %add3A_998 : i32 to index
        %get3A_1002 = arith.constant 112 : index
        %get3A_1003 = tpu.vector_load %arg10[%get3A_1000, %get3A_1001, %get3A_1002] {strides = array<i32>} : memref<4x100x128xf32, #tpu.memory_space<vmem>>, vector<16xf32>,
        %mul3A_1004 = arith.mulf %get3A_996, %get3A_1003 : vector<16xf32>
        %add3A_1005 = arith.addf %add3A_875, %mul3A_1004 : vector<16xf32>
        scf.yield %add3A_893, %add3A_909, %add3A_925, %add3A_941, %add3A_957, %add3A_973, %add3A_989, %add3A_1005 : vector<16xf32>, vector<16xf32>, vector<16xf32>, vector<16xf32>, vector<16xf32>, vector<16xf32>, vector<16xf32>, vector<16xf32>
      }
      %scan3A_127 = arith.constant 50 : i32
      %add3A_128 = arith.addf %scan3A_126#0, %scan3A_126#1 : vector<16xf32>
      %add3A_129 = arith.addf %scan3A_126#2, %scan3A_126#3 : vector<16xf32>
      %add3A_130 = arith.addf %add3A_128, %add3A_129 : vector<16xf32>
      %add3A_131 = arith.addf %scan3A_126#4, %scan3A_126#5 : vector<16xf32>
      %add3A_132 = arith.addf %scan3A_126#6, %scan3A_126#7 : vector<16xf32>
      %add3A_133 = arith.addf %add3A_131, %add3A_132 : vector<16xf32>
      %add3A_134 = arith.addf %add3A_130, %add3A_133 : vector<16xf32>
      %iota3A = tpu.iota {dimensions = array<i32: 0>} : vector<16xi32>
      %xor3A = arith.constant 1 : i32
      %xor3A_135 = vector.broadcast %xor3A : i32 to vector<16xi32>
      %xor3A_136 = arith.xori %iota3A, %xor3A_135 : vector<16xi32>
      %broadcast_in_dim3A_137 = vector.shape_cast %xor3A_136 : vector<16xi32> to vector<16x1xi32>
      %gather3A = vector.shape_cast %broadcast_in_dim3A_137 : vector<16x1xi32> to vector<16xi32>
      %gather3A_138 = tpu.dynamic_gather %add3A_134[%gather3A] in [0] : vector<16xf32>, vector<16xi32> -> vector<16xf32>
      %add3A_139 = arith.addf %add3A_134, %gather3A_138 : vector<16xf32>
      %xor3A_140 = arith.constant 2 : i32
      %xor3A_141 = vector.broadcast %xor3A_140 : i32 to vector<16xi32>
      %xor3A_142 = arith.xori %iota3A, %xor3A_141 : vector<16xi32>
      %broadcast_in_dim3A_143 = vector.shape_cast %xor3A_142 : vector<16xi32> to vector<16x1xi32>
      %gather3A_144 = vector.shape_cast %broadcast_in_dim3A_143 : vector<16x1xi32> to vector<16xi32>
      %gather3A_145 = tpu.dynamic_gather %add3A_139[%gather3A_144] in [0] : vector<16xf32>, vector<16xi32> -> vector<16xf32>
      %add3A_146 = arith.addf %add3A_139, %gather3A_145 : vector<16xf32>
      %xor3A_147 = arith.constant 4 : i32
      %xor3A_148 = vector.broadcast %xor3A_147 : i32 to vector<16xi32>
      %xor3A_149 = arith.xori %iota3A, %xor3A_148 : vector<16xi32>
      %broadcast_in_dim3A_150 = vector.shape_cast %xor3A_149 : vector<16xi32> to vector<16x1xi32>
      %gather3A_151 = vector.shape_cast %broadcast_in_dim3A_150 : vector<16x1xi32> to vector<16xi32>
      %gather3A_152 = tpu.dynamic_gather %add3A_146[%gather3A_151] in [0] : vector<16xf32>, vector<16xi32> -> vector<16xf32>
      %add3A_153 = arith.addf %add3A_146, %gather3A_152 : vector<16xf32>
      %xor3A_154 = arith.constant 8 : i32
      %xor3A_155 = vector.broadcast %xor3A_154 : i32 to vector<16xi32>
      %xor3A_156 = arith.xori %iota3A, %xor3A_155 : vector<16xi32>
      %broadcast_in_dim3A_157 = vector.shape_cast %xor3A_156 : vector<16xi32> to vector<16x1xi32>
      %gather3A_158 = vector.shape_cast %broadcast_in_dim3A_157 : vector<16x1xi32> to vector<16xi32>
      %gather3A_159 = tpu.dynamic_gather %add3A_153[%gather3A_158] in [0] : vector<16xf32>, vector<16xi32> -> vector<16xf32>
      %add3A_160 = arith.addf %add3A_153, %gather3A_159 : vector<16xf32>
      %mul3A_161 = arith.constant 2 : i32
      %mul3A_162 = arith.muli %mul3A_161, %add3A_85 : i32
      %add3A_163 = arith.constant 0 : i32
      %add3A_164 = arith.addi %mul3A_162, %add3A_163 : i32
      %broadcast_in_dim3A_165 = vector.broadcast %add3A_164 : i32 to vector<16xi32>
      %eq3A = arith.constant 0 : i32
      %eq3A_166 = vector.broadcast %eq3A : i32 to vector<16xi32>
      %eq3A_167 = arith.cmpi eq, %iota3A, %eq3A_166 : vector<16xi32>
      tpu.vector_store_idx %arg11[%broadcast_in_dim3A_165], %add3A_160 masked %eq3A_167 : memref<128xf32, #tpu.memory_space<vmem>>[vector<16xi32>], vector<16xf32>, vector<16xi1>
      %broadcast_in_dim3A_168 = arith.constant 0.000000e+00 : f32
      %broadcast_in_dim3A_169 = vector.broadcast %broadcast_in_dim3A_168 : f32 to vector<16xf32>
      %broadcast_in_dim3A_170 = arith.constant 0.000000e+00 : f32
      %broadcast_in_dim3A_171 = vector.broadcast %broadcast_in_dim3A_170 : f32 to vector<16xf32>
      %broadcast_in_dim3A_172 = arith.constant 0.000000e+00 : f32
      %broadcast_in_dim3A_173 = vector.broadcast %broadcast_in_dim3A_172 : f32 to vector<16xf32>
      %broadcast_in_dim3A_174 = arith.constant 0.000000e+00 : f32
      %broadcast_in_dim3A_175 = vector.broadcast %broadcast_in_dim3A_174 : f32 to vector<16xf32>
      %broadcast_in_dim3A_176 = arith.constant 0.000000e+00 : f32
      %broadcast_in_dim3A_177 = vector.broadcast %broadcast_in_dim3A_176 : f32 to vector<16xf32>
      %broadcast_in_dim3A_178 = arith.constant 0.000000e+00 : f32
      %broadcast_in_dim3A_179 = vector.broadcast %broadcast_in_dim3A_178 : f32 to vector<16xf32>
      %broadcast_in_dim3A_180 = arith.constant 0.000000e+00 : f32
      %broadcast_in_dim3A_181 = vector.broadcast %broadcast_in_dim3A_180 : f32 to vector<16xf32>
      %broadcast_in_dim3A_182 = arith.constant 0.000000e+00 : f32
      %broadcast_in_dim3A_183 = vector.broadcast %broadcast_in_dim3A_182 : f32 to vector<16xf32>
      %scan3A_184 = arith.constant 0 : i32
      %scan3A_185 = arith.constant 50 : i32
      %scan3A_186 = arith.addi %scan3A_184, %scan3A_185 : i32
      %scan3A_187 = arith.constant 2 : i32
      %scan3A_188:8 = scf.for %scan3A_740 = %scan3A_184 to %scan3A_186 step %scan3A_187 iter_args(%scan3A_741 = %broadcast_in_dim3A_169, %scan3A_742 = %broadcast_in_dim3A_171, %scan3A_743 = %broadcast_in_dim3A_173, %scan3A_744 = %broadcast_in_dim3A_175, %scan3A_745 = %broadcast_in_dim3A_177, %scan3A_746 = %broadcast_in_dim3A_179, %scan3A_747 = %broadcast_in_dim3A_181, %scan3A_748 = %broadcast_in_dim3A_183) -> (vector<16xf32>, vector<16xf32>, vector<16xf32>, vector<16xf32>, vector<16xf32>, vector<16xf32>, vector<16xf32>, vector<16xf32>)  : i32 {
        %add3A_749 = arith.constant 50 : i32
        %add3A_750 = arith.addi %add3A_749, %scan3A_740 : i32
        %get3A = arith.constant 0 : i32
        %get3A_751 = arith.index_cast %get3A : i32 to index
        %get3A_752 = arith.index_cast %add3A_750 : i32 to index
        %get3A_753 = arith.constant 0 : index
        %get3A_754 = tpu.vector_load %arg9[%get3A_751, %get3A_752, %get3A_753] {strides = array<i32>} : memref<4x100x128xf32, #tpu.memory_space<vmem>>, vector<16xf32>,
        %add3A_755 = arith.constant 50 : i32
        %add3A_756 = arith.addi %add3A_755, %scan3A_740 : i32
        %get3A_757 = arith.constant 0 : i32
        %get3A_758 = arith.index_cast %get3A_757 : i32 to index
        %get3A_759 = arith.index_cast %add3A_756 : i32 to index
        %get3A_760 = arith.constant 0 : index
        %get3A_761 = tpu.vector_load %arg10[%get3A_758, %get3A_759, %get3A_760] {strides = array<i32>} : memref<4x100x128xf32, #tpu.memory_space<vmem>>, vector<16xf32>,
        %mul3A_762 = arith.mulf %get3A_754, %get3A_761 : vector<16xf32>
        %add3A_763 = arith.addf %scan3A_741, %mul3A_762 : vector<16xf32>
        %add3A_764 = arith.constant 50 : i32
        %add3A_765 = arith.addi %add3A_764, %scan3A_740 : i32
        %get3A_766 = arith.constant 0 : i32
        %get3A_767 = arith.index_cast %get3A_766 : i32 to index
        %get3A_768 = arith.index_cast %add3A_765 : i32 to index
        %get3A_769 = arith.constant 16 : index
        %get3A_770 = tpu.vector_load %arg9[%get3A_767, %get3A_768, %get3A_769] {strides = array<i32>} : memref<4x100x128xf32, #tpu.memory_space<vmem>>, vector<16xf32>,
        %add3A_771 = arith.constant 50 : i32
        %add3A_772 = arith.addi %add3A_771, %scan3A_740 : i32
        %get3A_773 = arith.constant 0 : i32
        %get3A_774 = arith.index_cast %get3A_773 : i32 to index
        %get3A_775 = arith.index_cast %add3A_772 : i32 to index
        %get3A_776 = arith.constant 16 : index
        %get3A_777 = tpu.vector_load %arg10[%get3A_774, %get3A_775, %get3A_776] {strides = array<i32>} : memref<4x100x128xf32, #tpu.memory_space<vmem>>, vector<16xf32>,
        %mul3A_778 = arith.mulf %get3A_770, %get3A_777 : vector<16xf32>
        %add3A_779 = arith.addf %scan3A_742, %mul3A_778 : vector<16xf32>
        %add3A_780 = arith.constant 50 : i32
        %add3A_781 = arith.addi %add3A_780, %scan3A_740 : i32
        %get3A_782 = arith.constant 0 : i32
        %get3A_783 = arith.index_cast %get3A_782 : i32 to index
        %get3A_784 = arith.index_cast %add3A_781 : i32 to index
        %get3A_785 = arith.constant 32 : index
        %get3A_786 = tpu.vector_load %arg9[%get3A_783, %get3A_784, %get3A_785] {strides = array<i32>} : memref<4x100x128xf32, #tpu.memory_space<vmem>>, vector<16xf32>,
        %add3A_787 = arith.constant 50 : i32
        %add3A_788 = arith.addi %add3A_787, %scan3A_740 : i32
        %get3A_789 = arith.constant 0 : i32
        %get3A_790 = arith.index_cast %get3A_789 : i32 to index
        %get3A_791 = arith.index_cast %add3A_788 : i32 to index
        %get3A_792 = arith.constant 32 : index
        %get3A_793 = tpu.vector_load %arg10[%get3A_790, %get3A_791, %get3A_792] {strides = array<i32>} : memref<4x100x128xf32, #tpu.memory_space<vmem>>, vector<16xf32>,
        %mul3A_794 = arith.mulf %get3A_786, %get3A_793 : vector<16xf32>
        %add3A_795 = arith.addf %scan3A_743, %mul3A_794 : vector<16xf32>
        %add3A_796 = arith.constant 50 : i32
        %add3A_797 = arith.addi %add3A_796, %scan3A_740 : i32
        %get3A_798 = arith.constant 0 : i32
        %get3A_799 = arith.index_cast %get3A_798 : i32 to index
        %get3A_800 = arith.index_cast %add3A_797 : i32 to index
        %get3A_801 = arith.constant 48 : index
        %get3A_802 = tpu.vector_load %arg9[%get3A_799, %get3A_800, %get3A_801] {strides = array<i32>} : memref<4x100x128xf32, #tpu.memory_space<vmem>>, vector<16xf32>,
        %add3A_803 = arith.constant 50 : i32
        %add3A_804 = arith.addi %add3A_803, %scan3A_740 : i32
        %get3A_805 = arith.constant 0 : i32
        %get3A_806 = arith.index_cast %get3A_805 : i32 to index
        %get3A_807 = arith.index_cast %add3A_804 : i32 to index
        %get3A_808 = arith.constant 48 : index
        %get3A_809 = tpu.vector_load %arg10[%get3A_806, %get3A_807, %get3A_808] {strides = array<i32>} : memref<4x100x128xf32, #tpu.memory_space<vmem>>, vector<16xf32>,
        %mul3A_810 = arith.mulf %get3A_802, %get3A_809 : vector<16xf32>
        %add3A_811 = arith.addf %scan3A_744, %mul3A_810 : vector<16xf32>
        %add3A_812 = arith.constant 50 : i32
        %add3A_813 = arith.addi %add3A_812, %scan3A_740 : i32
        %get3A_814 = arith.constant 0 : i32
        %get3A_815 = arith.index_cast %get3A_814 : i32 to index
        %get3A_816 = arith.index_cast %add3A_813 : i32 to index
        %get3A_817 = arith.constant 64 : index
        %get3A_818 = tpu.vector_load %arg9[%get3A_815, %get3A_816, %get3A_817] {strides = array<i32>} : memref<4x100x128xf32, #tpu.memory_space<vmem>>, vector<16xf32>,
        %add3A_819 = arith.constant 50 : i32
        %add3A_820 = arith.addi %add3A_819, %scan3A_740 : i32
        %get3A_821 = arith.constant 0 : i32
        %get3A_822 = arith.index_cast %get3A_821 : i32 to index
        %get3A_823 = arith.index_cast %add3A_820 : i32 to index
        %get3A_824 = arith.constant 64 : index
        %get3A_825 = tpu.vector_load %arg10[%get3A_822, %get3A_823, %get3A_824] {strides = array<i32>} : memref<4x100x128xf32, #tpu.memory_space<vmem>>, vector<16xf32>,
        %mul3A_826 = arith.mulf %get3A_818, %get3A_825 : vector<16xf32>
        %add3A_827 = arith.addf %scan3A_745, %mul3A_826 : vector<16xf32>
        %add3A_828 = arith.constant 50 : i32
        %add3A_829 = arith.addi %add3A_828, %scan3A_740 : i32
        %get3A_830 = arith.constant 0 : i32
        %get3A_831 = arith.index_cast %get3A_830 : i32 to index
        %get3A_832 = arith.index_cast %add3A_829 : i32 to index
        %get3A_833 = arith.constant 80 : index
        %get3A_834 = tpu.vector_load %arg9[%get3A_831, %get3A_832, %get3A_833] {strides = array<i32>} : memref<4x100x128xf32, #tpu.memory_space<vmem>>, vector<16xf32>,
        %add3A_835 = arith.constant 50 : i32
        %add3A_836 = arith.addi %add3A_835, %scan3A_740 : i32
        %get3A_837 = arith.constant 0 : i32
        %get3A_838 = arith.index_cast %get3A_837 : i32 to index
        %get3A_839 = arith.index_cast %add3A_836 : i32 to index
        %get3A_840 = arith.constant 80 : index
        %get3A_841 = tpu.vector_load %arg10[%get3A_838, %get3A_839, %get3A_840] {strides = array<i32>} : memref<4x100x128xf32, #tpu.memory_space<vmem>>, vector<16xf32>,
        %mul3A_842 = arith.mulf %get3A_834, %get3A_841 : vector<16xf32>
        %add3A_843 = arith.addf %scan3A_746, %mul3A_842 : vector<16xf32>
        %add3A_844 = arith.constant 50 : i32
        %add3A_845 = arith.addi %add3A_844, %scan3A_740 : i32
        %get3A_846 = arith.constant 0 : i32
        %get3A_847 = arith.index_cast %get3A_846 : i32 to index
        %get3A_848 = arith.index_cast %add3A_845 : i32 to index
        %get3A_849 = arith.constant 96 : index
        %get3A_850 = tpu.vector_load %arg9[%get3A_847, %get3A_848, %get3A_849] {strides = array<i32>} : memref<4x100x128xf32, #tpu.memory_space<vmem>>, vector<16xf32>,
        %add3A_851 = arith.constant 50 : i32
        %add3A_852 = arith.addi %add3A_851, %scan3A_740 : i32
        %get3A_853 = arith.constant 0 : i32
        %get3A_854 = arith.index_cast %get3A_853 : i32 to index
        %get3A_855 = arith.index_cast %add3A_852 : i32 to index
        %get3A_856 = arith.constant 96 : index
        %get3A_857 = tpu.vector_load %arg10[%get3A_854, %get3A_855, %get3A_856] {strides = array<i32>} : memref<4x100x128xf32, #tpu.memory_space<vmem>>, vector<16xf32>,
        %mul3A_858 = arith.mulf %get3A_850, %get3A_857 : vector<16xf32>
        %add3A_859 = arith.addf %scan3A_747, %mul3A_858 : vector<16xf32>
        %add3A_860 = arith.constant 50 : i32
        %add3A_861 = arith.addi %add3A_860, %scan3A_740 : i32
        %get3A_862 = arith.constant 0 : i32
        %get3A_863 = arith.index_cast %get3A_862 : i32 to index
        %get3A_864 = arith.index_cast %add3A_861 : i32 to index
        %get3A_865 = arith.constant 112 : index
        %get3A_866 = tpu.vector_load %arg9[%get3A_863, %get3A_864, %get3A_865] {strides = array<i32>} : memref<4x100x128xf32, #tpu.memory_space<vmem>>, vector<16xf32>,
        %add3A_867 = arith.constant 50 : i32
        %add3A_868 = arith.addi %add3A_867, %scan3A_740 : i32
        %get3A_869 = arith.constant 0 : i32
        %get3A_870 = arith.index_cast %get3A_869 : i32 to index
        %get3A_871 = arith.index_cast %add3A_868 : i32 to index
        %get3A_872 = arith.constant 112 : index
        %get3A_873 = tpu.vector_load %arg10[%get3A_870, %get3A_871, %get3A_872] {strides = array<i32>} : memref<4x100x128xf32, #tpu.memory_space<vmem>>, vector<16xf32>,
        %mul3A_874 = arith.mulf %get3A_866, %get3A_873 : vector<16xf32>
        %add3A_875 = arith.addf %scan3A_748, %mul3A_874 : vector<16xf32>
        %scan3A_876 = arith.constant 1 : i32
        %scan3A_877 = arith.addi %scan3A_740, %scan3A_876 : i32
        %add3A_878 = arith.constant 50 : i32
        %add3A_879 = arith.addi %add3A_878, %scan3A_877 : i32
        %get3A_880 = arith.constant 0 : i32
        %get3A_881 = arith.index_cast %get3A_880 : i32 to index
        %get3A_882 = arith.index_cast %add3A_879 : i32 to index
        %get3A_883 = arith.constant 0 : index
        %get3A_884 = tpu.vector_load %arg9[%get3A_881, %get3A_882, %get3A_883] {strides = array<i32>} : memref<4x100x128xf32, #tpu.memory_space<vmem>>, vector<16xf32>,
        %add3A_885 = arith.constant 50 : i32
        %add3A_886 = arith.addi %add3A_885, %scan3A_877 : i32
        %get3A_887 = arith.constant 0 : i32
        %get3A_888 = arith.index_cast %get3A_887 : i32 to index
        %get3A_889 = arith.index_cast %add3A_886 : i32 to index
        %get3A_890 = arith.constant 0 : index
        %get3A_891 = tpu.vector_load %arg10[%get3A_888, %get3A_889, %get3A_890] {strides = array<i32>} : memref<4x100x128xf32, #tpu.memory_space<vmem>>, vector<16xf32>,
        %mul3A_892 = arith.mulf %get3A_884, %get3A_891 : vector<16xf32>
        %add3A_893 = arith.addf %add3A_763, %mul3A_892 : vector<16xf32>
        %add3A_894 = arith.constant 50 : i32
        %add3A_895 = arith.addi %add3A_894, %scan3A_877 : i32
        %get3A_896 = arith.constant 0 : i32
        %get3A_897 = arith.index_cast %get3A_896 : i32 to index
        %get3A_898 = arith.index_cast %add3A_895 : i32 to index
        %get3A_899 = arith.constant 16 : index
        %get3A_900 = tpu.vector_load %arg9[%get3A_897, %get3A_898, %get3A_899] {strides = array<i32>} : memref<4x100x128xf32, #tpu.memory_space<vmem>>, vector<16xf32>,
        %add3A_901 = arith.constant 50 : i32
        %add3A_902 = arith.addi %add3A_901, %scan3A_877 : i32
        %get3A_903 = arith.constant 0 : i32
        %get3A_904 = arith.index_cast %get3A_903 : i32 to index
        %get3A_905 = arith.index_cast %add3A_902 : i32 to index
        %get3A_906 = arith.constant 16 : index
        %get3A_907 = tpu.vector_load %arg10[%get3A_904, %get3A_905, %get3A_906] {strides = array<i32>} : memref<4x100x128xf32, #tpu.memory_space<vmem>>, vector<16xf32>,
        %mul3A_908 = arith.mulf %get3A_900, %get3A_907 : vector<16xf32>
        %add3A_909 = arith.addf %add3A_779, %mul3A_908 : vector<16xf32>
        %add3A_910 = arith.constant 50 : i32
        %add3A_911 = arith.addi %add3A_910, %scan3A_877 : i32
        %get3A_912 = arith.constant 0 : i32
        %get3A_913 = arith.index_cast %get3A_912 : i32 to index
        %get3A_914 = arith.index_cast %add3A_911 : i32 to index
        %get3A_915 = arith.constant 32 : index
        %get3A_916 = tpu.vector_load %arg9[%get3A_913, %get3A_914, %get3A_915] {strides = array<i32>} : memref<4x100x128xf32, #tpu.memory_space<vmem>>, vector<16xf32>,
        %add3A_917 = arith.constant 50 : i32
        %add3A_918 = arith.addi %add3A_917, %scan3A_877 : i32
        %get3A_919 = arith.constant 0 : i32
        %get3A_920 = arith.index_cast %get3A_919 : i32 to index
        %get3A_921 = arith.index_cast %add3A_918 : i32 to index
        %get3A_922 = arith.constant 32 : index
        %get3A_923 = tpu.vector_load %arg10[%get3A_920, %get3A_921, %get3A_922] {strides = array<i32>} : memref<4x100x128xf32, #tpu.memory_space<vmem>>, vector<16xf32>,
        %mul3A_924 = arith.mulf %get3A_916, %get3A_923 : vector<16xf32>
        %add3A_925 = arith.addf %add3A_795, %mul3A_924 : vector<16xf32>
        %add3A_926 = arith.constant 50 : i32
        %add3A_927 = arith.addi %add3A_926, %scan3A_877 : i32
        %get3A_928 = arith.constant 0 : i32
        %get3A_929 = arith.index_cast %get3A_928 : i32 to index
        %get3A_930 = arith.index_cast %add3A_927 : i32 to index
        %get3A_931 = arith.constant 48 : index
        %get3A_932 = tpu.vector_load %arg9[%get3A_929, %get3A_930, %get3A_931] {strides = array<i32>} : memref<4x100x128xf32, #tpu.memory_space<vmem>>, vector<16xf32>,
        %add3A_933 = arith.constant 50 : i32
        %add3A_934 = arith.addi %add3A_933, %scan3A_877 : i32
        %get3A_935 = arith.constant 0 : i32
        %get3A_936 = arith.index_cast %get3A_935 : i32 to index
        %get3A_937 = arith.index_cast %add3A_934 : i32 to index
        %get3A_938 = arith.constant 48 : index
        %get3A_939 = tpu.vector_load %arg10[%get3A_936, %get3A_937, %get3A_938] {strides = array<i32>} : memref<4x100x128xf32, #tpu.memory_space<vmem>>, vector<16xf32>,
        %mul3A_940 = arith.mulf %get3A_932, %get3A_939 : vector<16xf32>
        %add3A_941 = arith.addf %add3A_811, %mul3A_940 : vector<16xf32>
        %add3A_942 = arith.constant 50 : i32
        %add3A_943 = arith.addi %add3A_942, %scan3A_877 : i32
        %get3A_944 = arith.constant 0 : i32
        %get3A_945 = arith.index_cast %get3A_944 : i32 to index
        %get3A_946 = arith.index_cast %add3A_943 : i32 to index
        %get3A_947 = arith.constant 64 : index
        %get3A_948 = tpu.vector_load %arg9[%get3A_945, %get3A_946, %get3A_947] {strides = array<i32>} : memref<4x100x128xf32, #tpu.memory_space<vmem>>, vector<16xf32>,
        %add3A_949 = arith.constant 50 : i32
        %add3A_950 = arith.addi %add3A_949, %scan3A_877 : i32
        %get3A_951 = arith.constant 0 : i32
        %get3A_952 = arith.index_cast %get3A_951 : i32 to index
        %get3A_953 = arith.index_cast %add3A_950 : i32 to index
        %get3A_954 = arith.constant 64 : index
        %get3A_955 = tpu.vector_load %arg10[%get3A_952, %get3A_953, %get3A_954] {strides = array<i32>} : memref<4x100x128xf32, #tpu.memory_space<vmem>>, vector<16xf32>,
        %mul3A_956 = arith.mulf %get3A_948, %get3A_955 : vector<16xf32>
        %add3A_957 = arith.addf %add3A_827, %mul3A_956 : vector<16xf32>
        %add3A_958 = arith.constant 50 : i32
        %add3A_959 = arith.addi %add3A_958, %scan3A_877 : i32
        %get3A_960 = arith.constant 0 : i32
        %get3A_961 = arith.index_cast %get3A_960 : i32 to index
        %get3A_962 = arith.index_cast %add3A_959 : i32 to index
        %get3A_963 = arith.constant 80 : index
        %get3A_964 = tpu.vector_load %arg9[%get3A_961, %get3A_962, %get3A_963] {strides = array<i32>} : memref<4x100x128xf32, #tpu.memory_space<vmem>>, vector<16xf32>,
        %add3A_965 = arith.constant 50 : i32
        %add3A_966 = arith.addi %add3A_965, %scan3A_877 : i32
        %get3A_967 = arith.constant 0 : i32
        %get3A_968 = arith.index_cast %get3A_967 : i32 to index
        %get3A_969 = arith.index_cast %add3A_966 : i32 to index
        %get3A_970 = arith.constant 80 : index
        %get3A_971 = tpu.vector_load %arg10[%get3A_968, %get3A_969, %get3A_970] {strides = array<i32>} : memref<4x100x128xf32, #tpu.memory_space<vmem>>, vector<16xf32>,
        %mul3A_972 = arith.mulf %get3A_964, %get3A_971 : vector<16xf32>
        %add3A_973 = arith.addf %add3A_843, %mul3A_972 : vector<16xf32>
        %add3A_974 = arith.constant 50 : i32
        %add3A_975 = arith.addi %add3A_974, %scan3A_877 : i32
        %get3A_976 = arith.constant 0 : i32
        %get3A_977 = arith.index_cast %get3A_976 : i32 to index
        %get3A_978 = arith.index_cast %add3A_975 : i32 to index
        %get3A_979 = arith.constant 96 : index
        %get3A_980 = tpu.vector_load %arg9[%get3A_977, %get3A_978, %get3A_979] {strides = array<i32>} : memref<4x100x128xf32, #tpu.memory_space<vmem>>, vector<16xf32>,
        %add3A_981 = arith.constant 50 : i32
        %add3A_982 = arith.addi %add3A_981, %scan3A_877 : i32
        %get3A_983 = arith.constant 0 : i32
        %get3A_984 = arith.index_cast %get3A_983 : i32 to index
        %get3A_985 = arith.index_cast %add3A_982 : i32 to index
        %get3A_986 = arith.constant 96 : index
        %get3A_987 = tpu.vector_load %arg10[%get3A_984, %get3A_985, %get3A_986] {strides = array<i32>} : memref<4x100x128xf32, #tpu.memory_space<vmem>>, vector<16xf32>,
        %mul3A_988 = arith.mulf %get3A_980, %get3A_987 : vector<16xf32>
        %add3A_989 = arith.addf %add3A_859, %mul3A_988 : vector<16xf32>
        %add3A_990 = arith.constant 50 : i32
        %add3A_991 = arith.addi %add3A_990, %scan3A_877 : i32
        %get3A_992 = arith.constant 0 : i32
        %get3A_993 = arith.index_cast %get3A_992 : i32 to index
        %get3A_994 = arith.index_cast %add3A_991 : i32 to index
        %get3A_995 = arith.constant 112 : index
        %get3A_996 = tpu.vector_load %arg9[%get3A_993, %get3A_994, %get3A_995] {strides = array<i32>} : memref<4x100x128xf32, #tpu.memory_space<vmem>>, vector<16xf32>,
        %add3A_997 = arith.constant 50 : i32
        %add3A_998 = arith.addi %add3A_997, %scan3A_877 : i32
        %get3A_999 = arith.constant 0 : i32
        %get3A_1000 = arith.index_cast %get3A_999 : i32 to index
        %get3A_1001 = arith.index_cast %add3A_998 : i32 to index
        %get3A_1002 = arith.constant 112 : index
        %get3A_1003 = tpu.vector_load %arg10[%get3A_1000, %get3A_1001, %get3A_1002] {strides = array<i32>} : memref<4x100x128xf32, #tpu.memory_space<vmem>>, vector<16xf32>,
        %mul3A_1004 = arith.mulf %get3A_996, %get3A_1003 : vector<16xf32>
        %add3A_1005 = arith.addf %add3A_875, %mul3A_1004 : vector<16xf32>
        scf.yield %add3A_893, %add3A_909, %add3A_925, %add3A_941, %add3A_957, %add3A_973, %add3A_989, %add3A_1005 : vector<16xf32>, vector<16xf32>, vector<16xf32>, vector<16xf32>, vector<16xf32>, vector<16xf32>, vector<16xf32>, vector<16xf32>
      }
      %scan3A_189 = arith.constant 50 : i32
      %add3A_190 = arith.addf %scan3A_188#0, %scan3A_188#1 : vector<16xf32>
      %add3A_191 = arith.addf %scan3A_188#2, %scan3A_188#3 : vector<16xf32>
      %add3A_192 = arith.addf %add3A_190, %add3A_191 : vector<16xf32>
      %add3A_193 = arith.addf %scan3A_188#4, %scan3A_188#5 : vector<16xf32>
      %add3A_194 = arith.addf %scan3A_188#6, %scan3A_188#7 : vector<16xf32>
      %add3A_195 = arith.addf %add3A_193, %add3A_194 : vector<16xf32>
      %add3A_196 = arith.addf %add3A_192, %add3A_195 : vector<16xf32>
      %iota3A_197 = tpu.iota {dimensions = array<i32: 0>} : vector<16xi32>
      %xor3A_198 = arith.constant 1 : i32
      %xor3A_199 = vector.broadcast %xor3A_198 : i32 to vector<16xi32>
      %xor3A_200 = arith.xori %iota3A_197, %xor3A_199 : vector<16xi32>
      %broadcast_in_dim3A_201 = vector.shape_cast %xor3A_200 : vector<16xi32> to vector<16x1xi32>
      %gather3A_202 = vector.shape_cast %broadcast_in_dim3A_201 : vector<16x1xi32> to vector<16xi32>
      %gather3A_203 = tpu.dynamic_gather %add3A_196[%gather3A_202] in [0] : vector<16xf32>, vector<16xi32> -> vector<16xf32>
      %add3A_204 = arith.addf %add3A_196, %gather3A_203 : vector<16xf32>
      %xor3A_205 = arith.constant 2 : i32
      %xor3A_206 = vector.broadcast %xor3A_205 : i32 to vector<16xi32>
      %xor3A_207 = arith.xori %iota3A_197, %xor3A_206 : vector<16xi32>
      %broadcast_in_dim3A_208 = vector.shape_cast %xor3A_207 : vector<16xi32> to vector<16x1xi32>
      %gather3A_209 = vector.shape_cast %broadcast_in_dim3A_208 : vector<16x1xi32> to vector<16xi32>
      %gather3A_210 = tpu.dynamic_gather %add3A_204[%gather3A_209] in [0] : vector<16xf32>, vector<16xi32> -> vector<16xf32>
      %add3A_211 = arith.addf %add3A_204, %gather3A_210 : vector<16xf32>
      %xor3A_212 = arith.constant 4 : i32
      %xor3A_213 = vector.broadcast %xor3A_212 : i32 to vector<16xi32>
      %xor3A_214 = arith.xori %iota3A_197, %xor3A_213 : vector<16xi32>
      %broadcast_in_dim3A_215 = vector.shape_cast %xor3A_214 : vector<16xi32> to vector<16x1xi32>
      %gather3A_216 = vector.shape_cast %broadcast_in_dim3A_215 : vector<16x1xi32> to vector<16xi32>
      %gather3A_217 = tpu.dynamic_gather %add3A_211[%gather3A_216] in [0] : vector<16xf32>, vector<16xi32> -> vector<16xf32>
      %add3A_218 = arith.addf %add3A_211, %gather3A_217 : vector<16xf32>
      %xor3A_219 = arith.constant 8 : i32
      %xor3A_220 = vector.broadcast %xor3A_219 : i32 to vector<16xi32>
      %xor3A_221 = arith.xori %iota3A_197, %xor3A_220 : vector<16xi32>
      %broadcast_in_dim3A_222 = vector.shape_cast %xor3A_221 : vector<16xi32> to vector<16x1xi32>
      %gather3A_223 = vector.shape_cast %broadcast_in_dim3A_222 : vector<16x1xi32> to vector<16xi32>
      %gather3A_224 = tpu.dynamic_gather %add3A_218[%gather3A_223] in [0] : vector<16xf32>, vector<16xi32> -> vector<16xf32>
      %add3A_225 = arith.addf %add3A_218, %gather3A_224 : vector<16xf32>
      %mul3A_226 = arith.constant 2 : i32
      %mul3A_227 = arith.muli %mul3A_226, %add3A_85 : i32
      %add3A_228 = arith.constant 1 : i32
      %add3A_229 = arith.addi %mul3A_227, %add3A_228 : i32
      %broadcast_in_dim3A_230 = vector.broadcast %add3A_229 : i32 to vector<16xi32>
      %eq3A_231 = arith.constant 0 : i32
      %eq3A_232 = vector.broadcast %eq3A_231 : i32 to vector<16xi32>
      %eq3A_233 = arith.cmpi eq, %iota3A_197, %eq3A_232 : vector<16xi32>
      tpu.vector_store_idx %arg11[%broadcast_in_dim3A_230], %add3A_225 masked %eq3A_233 : memref<128xf32, #tpu.memory_space<vmem>>[vector<16xi32>], vector<16xf32>, vector<16xi1>
      %add3A_234 = arith.constant 4 : i32
      %add3A_235 = arith.addi %add3A_85, %add3A_234 : i32
      %sub3A = arith.constant 1 : i32
      %sub3A_236 = arith.subi %add3A_235, %sub3A : i32
      %lt3A = arith.constant 64 : i32
      %lt3A_237 = arith.cmpi slt, %sub3A_236, %lt3A : i32
      %convert_element_type3A = arith.extui %lt3A_237 : i1 to i32
      %cond3A = arith.constant 0 : i32
      %cond3A_238 = arith.cmpi ne, %convert_element_type3A, %cond3A : i32
      scf.if %cond3A_238 {
        %add3A_740 = arith.constant 4 : i32
        %add3A_741 = arith.addi %add3A_85, %add3A_740 : i32
        %sub3A_742 = arith.constant 1 : i32
        %sub3A_743 = arith.subi %add3A_741, %sub3A_742 : i32
        %dma_start3A_744 = arith.constant 3 : i32
        %dma_start3A_745 = arith.constant 0 : i32
        %dma_start3A_746 = arith.constant 0 : i32
        %dma_start3A_747 = tpu.memref_slice %arg9[%dma_start3A_744, %dma_start3A_745, %dma_start3A_746] : memref<4x100x128xf32, #tpu.memory_space<vmem>> -> memref<1x100x128xf32, #tpu.memory_space<vmem>>
        %dma_start3A_748 = tpu.memref_squeeze %dma_start3A_747 : memref<1x100x128xf32, #tpu.memory_space<vmem>> -> memref<100x128xf32, #tpu.memory_space<vmem>>
        %dma_start3A_749 = arith.constant 0 : i32
        %dma_start3A_750 = tpu.memref_slice %arg7[%sub3A_743, %dma_start3A_749] : memref<64x100xi32, #tpu.memory_space<vmem>> -> memref<1x100xi32, #tpu.memory_space<vmem>>
        %dma_start3A_751 = tpu.memref_squeeze %dma_start3A_750 : memref<1x100xi32, #tpu.memory_space<vmem>> -> memref<100xi32, #tpu.memory_space<vmem>>
        %dma_start3A_752 = arith.constant 0 : i32
        %dma_start3A_753 = arith.constant 0 : i32
        %dma_start3A_754 = tpu.memref_slice %arg4[%dma_start3A_752, %dma_start3A_753] : memref<100000x128xf32, #tpu.memory_space<hbm>> -> memref<100000x128xf32, #tpu.memory_space<hbm>>
        tpu.enqueue_indirect_dma source(%dma_start3A_754 : memref<100000x128xf32, #tpu.memory_space<hbm>>) target(%dma_start3A_748 : memref<100x128xf32, #tpu.memory_space<vmem>>) offsets(%dma_start3A_751 : memref<100xi32, #tpu.memory_space<vmem>>) semaphore(%arg15 : memref<!tpu.dma_semaphore, #tpu.memory_space<semaphore_mem>>)
        %dma_start3A_755 = arith.constant 3 : i32
        %dma_start3A_756 = arith.constant 0 : i32
        %dma_start3A_757 = arith.constant 0 : i32
        %dma_start3A_758 = tpu.memref_slice %arg10[%dma_start3A_755, %dma_start3A_756, %dma_start3A_757] : memref<4x100x128xf32, #tpu.memory_space<vmem>> -> memref<1x100x128xf32, #tpu.memory_space<vmem>>
        %dma_start3A_759 = tpu.memref_squeeze %dma_start3A_758 : memref<1x100x128xf32, #tpu.memory_space<vmem>> -> memref<100x128xf32, #tpu.memory_space<vmem>>
        %dma_start3A_760 = arith.constant 0 : i32
        %dma_start3A_761 = tpu.memref_slice %arg8[%sub3A_743, %dma_start3A_760] : memref<64x100xi32, #tpu.memory_space<vmem>> -> memref<1x100xi32, #tpu.memory_space<vmem>>
        %dma_start3A_762 = tpu.memref_squeeze %dma_start3A_761 : memref<1x100xi32, #tpu.memory_space<vmem>> -> memref<100xi32, #tpu.memory_space<vmem>>
        %dma_start3A_763 = arith.constant 0 : i32
        %dma_start3A_764 = arith.constant 0 : i32
        %dma_start3A_765 = tpu.memref_slice %arg5[%dma_start3A_763, %dma_start3A_764] : memref<100000x128xf32, #tpu.memory_space<hbm>> -> memref<100000x128xf32, #tpu.memory_space<hbm>>
        tpu.enqueue_indirect_dma source(%dma_start3A_765 : memref<100000x128xf32, #tpu.memory_space<hbm>>) target(%dma_start3A_759 : memref<100x128xf32, #tpu.memory_space<vmem>>) offsets(%dma_start3A_762 : memref<100xi32, #tpu.memory_space<vmem>>) semaphore(%arg15 : memref<!tpu.dma_semaphore, #tpu.memory_space<semaphore_mem>>)
      } else {
      }
      %mul3A_239 = arith.constant 4 : i32
      %mul3A_240 = arith.muli %mul3A_239, %scan3A_81 : i32
      %add3A_241 = arith.constant 1 : i32
      %add3A_242 = arith.addi %mul3A_240, %add3A_241 : i32
      %dma_wait3A_243 = arith.constant 1 : i32
      %dma_wait3A_244 = arith.constant 0 : i32
      %dma_wait3A_245 = arith.constant 0 : i32
      %dma_wait3A_246 = tpu.memref_slice %arg9[%dma_wait3A_243, %dma_wait3A_244, %dma_wait3A_245] : memref<4x100x128xf32, #tpu.memory_space<vmem>> -> memref<1x100x128xf32, #tpu.memory_space<vmem>>
      %dma_wait3A_247 = tpu.memref_squeeze %dma_wait3A_246 : memref<1x100x128xf32, #tpu.memory_space<vmem>> -> memref<100x128xf32, #tpu.memory_space<vmem>>
      %dma_wait3A_248 = arith.constant 0 : i32
      %dma_wait3A_249 = tpu.memref_slice %arg7[%add3A_242, %dma_wait3A_248] : memref<64x100xi32, #tpu.memory_space<vmem>> -> memref<1x100xi32, #tpu.memory_space<vmem>>
      %dma_wait3A_250 = tpu.memref_squeeze %dma_wait3A_249 : memref<1x100xi32, #tpu.memory_space<vmem>> -> memref<100xi32, #tpu.memory_space<vmem>>
      %dma_wait3A_251 = arith.constant 0 : i32
      %dma_wait3A_252 = arith.constant 0 : i32
      %dma_wait3A_253 = tpu.memref_slice %arg4[%dma_wait3A_251, %dma_wait3A_252] : memref<100000x128xf32, #tpu.memory_space<hbm>> -> memref<100000x128xf32, #tpu.memory_space<hbm>>
      tpu.wait_indirect_dma semaphore(%arg13 : memref<!tpu.dma_semaphore, #tpu.memory_space<semaphore_mem>>) src(%dma_wait3A_253 : memref<100000x128xf32, #tpu.memory_space<hbm>>) dst(%dma_wait3A_247 : memref<100x128xf32, #tpu.memory_space<vmem>>)
      %dma_wait3A_254 = arith.constant 1 : i32
      %dma_wait3A_255 = arith.constant 0 : i32
      %dma_wait3A_256 = arith.constant 0 : i32
      %dma_wait3A_257 = tpu.memref_slice %arg10[%dma_wait3A_254, %dma_wait3A_255, %dma_wait3A_256] : memref<4x100x128xf32, #tpu.memory_space<vmem>> -> memref<1x100x128xf32, #tpu.memory_space<vmem>>
      %dma_wait3A_258 = tpu.memref_squeeze %dma_wait3A_257 : memref<1x100x128xf32, #tpu.memory_space<vmem>> -> memref<100x128xf32, #tpu.memory_space<vmem>>
      %dma_wait3A_259 = arith.constant 0 : i32
      %dma_wait3A_260 = tpu.memref_slice %arg8[%add3A_242, %dma_wait3A_259] : memref<64x100xi32, #tpu.memory_space<vmem>> -> memref<1x100xi32, #tpu.memory_space<vmem>>
      %dma_wait3A_261 = tpu.memref_squeeze %dma_wait3A_260 : memref<1x100xi32, #tpu.memory_space<vmem>> -> memref<100xi32, #tpu.memory_space<vmem>>
      %dma_wait3A_262 = arith.constant 0 : i32
      %dma_wait3A_263 = arith.constant 0 : i32
      %dma_wait3A_264 = tpu.memref_slice %arg5[%dma_wait3A_262, %dma_wait3A_263] : memref<100000x128xf32, #tpu.memory_space<hbm>> -> memref<100000x128xf32, #tpu.memory_space<hbm>>
      tpu.wait_indirect_dma semaphore(%arg13 : memref<!tpu.dma_semaphore, #tpu.memory_space<semaphore_mem>>) src(%dma_wait3A_264 : memref<100000x128xf32, #tpu.memory_space<hbm>>) dst(%dma_wait3A_258 : memref<100x128xf32, #tpu.memory_space<vmem>>)
      %broadcast_in_dim3A_265 = arith.constant 0.000000e+00 : f32
      %broadcast_in_dim3A_266 = vector.broadcast %broadcast_in_dim3A_265 : f32 to vector<16xf32>
      %broadcast_in_dim3A_267 = arith.constant 0.000000e+00 : f32
      %broadcast_in_dim3A_268 = vector.broadcast %broadcast_in_dim3A_267 : f32 to vector<16xf32>
      %broadcast_in_dim3A_269 = arith.constant 0.000000e+00 : f32
      %broadcast_in_dim3A_270 = vector.broadcast %broadcast_in_dim3A_269 : f32 to vector<16xf32>
      %broadcast_in_dim3A_271 = arith.constant 0.000000e+00 : f32
      %broadcast_in_dim3A_272 = vector.broadcast %broadcast_in_dim3A_271 : f32 to vector<16xf32>
      %broadcast_in_dim3A_273 = arith.constant 0.000000e+00 : f32
      %broadcast_in_dim3A_274 = vector.broadcast %broadcast_in_dim3A_273 : f32 to vector<16xf32>
      %broadcast_in_dim3A_275 = arith.constant 0.000000e+00 : f32
      %broadcast_in_dim3A_276 = vector.broadcast %broadcast_in_dim3A_275 : f32 to vector<16xf32>
      %broadcast_in_dim3A_277 = arith.constant 0.000000e+00 : f32
      %broadcast_in_dim3A_278 = vector.broadcast %broadcast_in_dim3A_277 : f32 to vector<16xf32>
      %broadcast_in_dim3A_279 = arith.constant 0.000000e+00 : f32
      %broadcast_in_dim3A_280 = vector.broadcast %broadcast_in_dim3A_279 : f32 to vector<16xf32>
      %scan3A_281 = arith.constant 0 : i32
      %scan3A_282 = arith.constant 50 : i32
      %scan3A_283 = arith.addi %scan3A_281, %scan3A_282 : i32
      %scan3A_284 = arith.constant 2 : i32
      %scan3A_285:8 = scf.for %scan3A_740 = %scan3A_281 to %scan3A_283 step %scan3A_284 iter_args(%scan3A_741 = %broadcast_in_dim3A_266, %scan3A_742 = %broadcast_in_dim3A_268, %scan3A_743 = %broadcast_in_dim3A_270, %scan3A_744 = %broadcast_in_dim3A_272, %scan3A_745 = %broadcast_in_dim3A_274, %scan3A_746 = %broadcast_in_dim3A_276, %scan3A_747 = %broadcast_in_dim3A_278, %scan3A_748 = %broadcast_in_dim3A_280) -> (vector<16xf32>, vector<16xf32>, vector<16xf32>, vector<16xf32>, vector<16xf32>, vector<16xf32>, vector<16xf32>, vector<16xf32>)  : i32 {
        %add3A_749 = arith.constant 0 : i32
        %add3A_750 = arith.addi %add3A_749, %scan3A_740 : i32
        %get3A = arith.constant 1 : i32
        %get3A_751 = arith.index_cast %get3A : i32 to index
        %get3A_752 = arith.index_cast %add3A_750 : i32 to index
        %get3A_753 = arith.constant 0 : index
        %get3A_754 = tpu.vector_load %arg9[%get3A_751, %get3A_752, %get3A_753] {strides = array<i32>} : memref<4x100x128xf32, #tpu.memory_space<vmem>>, vector<16xf32>,
        %add3A_755 = arith.constant 0 : i32
        %add3A_756 = arith.addi %add3A_755, %scan3A_740 : i32
        %get3A_757 = arith.constant 1 : i32
        %get3A_758 = arith.index_cast %get3A_757 : i32 to index
        %get3A_759 = arith.index_cast %add3A_756 : i32 to index
        %get3A_760 = arith.constant 0 : index
        %get3A_761 = tpu.vector_load %arg10[%get3A_758, %get3A_759, %get3A_760] {strides = array<i32>} : memref<4x100x128xf32, #tpu.memory_space<vmem>>, vector<16xf32>,
        %mul3A_762 = arith.mulf %get3A_754, %get3A_761 : vector<16xf32>
        %add3A_763 = arith.addf %scan3A_741, %mul3A_762 : vector<16xf32>
        %add3A_764 = arith.constant 0 : i32
        %add3A_765 = arith.addi %add3A_764, %scan3A_740 : i32
        %get3A_766 = arith.constant 1 : i32
        %get3A_767 = arith.index_cast %get3A_766 : i32 to index
        %get3A_768 = arith.index_cast %add3A_765 : i32 to index
        %get3A_769 = arith.constant 16 : index
        %get3A_770 = tpu.vector_load %arg9[%get3A_767, %get3A_768, %get3A_769] {strides = array<i32>} : memref<4x100x128xf32, #tpu.memory_space<vmem>>, vector<16xf32>,
        %add3A_771 = arith.constant 0 : i32
        %add3A_772 = arith.addi %add3A_771, %scan3A_740 : i32
        %get3A_773 = arith.constant 1 : i32
        %get3A_774 = arith.index_cast %get3A_773 : i32 to index
        %get3A_775 = arith.index_cast %add3A_772 : i32 to index
        %get3A_776 = arith.constant 16 : index
        %get3A_777 = tpu.vector_load %arg10[%get3A_774, %get3A_775, %get3A_776] {strides = array<i32>} : memref<4x100x128xf32, #tpu.memory_space<vmem>>, vector<16xf32>,
        %mul3A_778 = arith.mulf %get3A_770, %get3A_777 : vector<16xf32>
        %add3A_779 = arith.addf %scan3A_742, %mul3A_778 : vector<16xf32>
        %add3A_780 = arith.constant 0 : i32
        %add3A_781 = arith.addi %add3A_780, %scan3A_740 : i32
        %get3A_782 = arith.constant 1 : i32
        %get3A_783 = arith.index_cast %get3A_782 : i32 to index
        %get3A_784 = arith.index_cast %add3A_781 : i32 to index
        %get3A_785 = arith.constant 32 : index
        %get3A_786 = tpu.vector_load %arg9[%get3A_783, %get3A_784, %get3A_785] {strides = array<i32>} : memref<4x100x128xf32, #tpu.memory_space<vmem>>, vector<16xf32>,
        %add3A_787 = arith.constant 0 : i32
        %add3A_788 = arith.addi %add3A_787, %scan3A_740 : i32
        %get3A_789 = arith.constant 1 : i32
        %get3A_790 = arith.index_cast %get3A_789 : i32 to index
        %get3A_791 = arith.index_cast %add3A_788 : i32 to index
        %get3A_792 = arith.constant 32 : index
        %get3A_793 = tpu.vector_load %arg10[%get3A_790, %get3A_791, %get3A_792] {strides = array<i32>} : memref<4x100x128xf32, #tpu.memory_space<vmem>>, vector<16xf32>,
        %mul3A_794 = arith.mulf %get3A_786, %get3A_793 : vector<16xf32>
        %add3A_795 = arith.addf %scan3A_743, %mul3A_794 : vector<16xf32>
        %add3A_796 = arith.constant 0 : i32
        %add3A_797 = arith.addi %add3A_796, %scan3A_740 : i32
        %get3A_798 = arith.constant 1 : i32
        %get3A_799 = arith.index_cast %get3A_798 : i32 to index
        %get3A_800 = arith.index_cast %add3A_797 : i32 to index
        %get3A_801 = arith.constant 48 : index
        %get3A_802 = tpu.vector_load %arg9[%get3A_799, %get3A_800, %get3A_801] {strides = array<i32>} : memref<4x100x128xf32, #tpu.memory_space<vmem>>, vector<16xf32>,
        %add3A_803 = arith.constant 0 : i32
        %add3A_804 = arith.addi %add3A_803, %scan3A_740 : i32
        %get3A_805 = arith.constant 1 : i32
        %get3A_806 = arith.index_cast %get3A_805 : i32 to index
        %get3A_807 = arith.index_cast %add3A_804 : i32 to index
        %get3A_808 = arith.constant 48 : index
        %get3A_809 = tpu.vector_load %arg10[%get3A_806, %get3A_807, %get3A_808] {strides = array<i32>} : memref<4x100x128xf32, #tpu.memory_space<vmem>>, vector<16xf32>,
        %mul3A_810 = arith.mulf %get3A_802, %get3A_809 : vector<16xf32>
        %add3A_811 = arith.addf %scan3A_744, %mul3A_810 : vector<16xf32>
        %add3A_812 = arith.constant 0 : i32
        %add3A_813 = arith.addi %add3A_812, %scan3A_740 : i32
        %get3A_814 = arith.constant 1 : i32
        %get3A_815 = arith.index_cast %get3A_814 : i32 to index
        %get3A_816 = arith.index_cast %add3A_813 : i32 to index
        %get3A_817 = arith.constant 64 : index
        %get3A_818 = tpu.vector_load %arg9[%get3A_815, %get3A_816, %get3A_817] {strides = array<i32>} : memref<4x100x128xf32, #tpu.memory_space<vmem>>, vector<16xf32>,
        %add3A_819 = arith.constant 0 : i32
        %add3A_820 = arith.addi %add3A_819, %scan3A_740 : i32
        %get3A_821 = arith.constant 1 : i32
        %get3A_822 = arith.index_cast %get3A_821 : i32 to index
        %get3A_823 = arith.index_cast %add3A_820 : i32 to index
        %get3A_824 = arith.constant 64 : index
        %get3A_825 = tpu.vector_load %arg10[%get3A_822, %get3A_823, %get3A_824] {strides = array<i32>} : memref<4x100x128xf32, #tpu.memory_space<vmem>>, vector<16xf32>,
        %mul3A_826 = arith.mulf %get3A_818, %get3A_825 : vector<16xf32>
        %add3A_827 = arith.addf %scan3A_745, %mul3A_826 : vector<16xf32>
        %add3A_828 = arith.constant 0 : i32
        %add3A_829 = arith.addi %add3A_828, %scan3A_740 : i32
        %get3A_830 = arith.constant 1 : i32
        %get3A_831 = arith.index_cast %get3A_830 : i32 to index
        %get3A_832 = arith.index_cast %add3A_829 : i32 to index
        %get3A_833 = arith.constant 80 : index
        %get3A_834 = tpu.vector_load %arg9[%get3A_831, %get3A_832, %get3A_833] {strides = array<i32>} : memref<4x100x128xf32, #tpu.memory_space<vmem>>, vector<16xf32>,
        %add3A_835 = arith.constant 0 : i32
        %add3A_836 = arith.addi %add3A_835, %scan3A_740 : i32
        %get3A_837 = arith.constant 1 : i32
        %get3A_838 = arith.index_cast %get3A_837 : i32 to index
        %get3A_839 = arith.index_cast %add3A_836 : i32 to index
        %get3A_840 = arith.constant 80 : index
        %get3A_841 = tpu.vector_load %arg10[%get3A_838, %get3A_839, %get3A_840] {strides = array<i32>} : memref<4x100x128xf32, #tpu.memory_space<vmem>>, vector<16xf32>,
        %mul3A_842 = arith.mulf %get3A_834, %get3A_841 : vector<16xf32>
        %add3A_843 = arith.addf %scan3A_746, %mul3A_842 : vector<16xf32>
        %add3A_844 = arith.constant 0 : i32
        %add3A_845 = arith.addi %add3A_844, %scan3A_740 : i32
        %get3A_846 = arith.constant 1 : i32
        %get3A_847 = arith.index_cast %get3A_846 : i32 to index
        %get3A_848 = arith.index_cast %add3A_845 : i32 to index
        %get3A_849 = arith.constant 96 : index
        %get3A_850 = tpu.vector_load %arg9[%get3A_847, %get3A_848, %get3A_849] {strides = array<i32>} : memref<4x100x128xf32, #tpu.memory_space<vmem>>, vector<16xf32>,
        %add3A_851 = arith.constant 0 : i32
        %add3A_852 = arith.addi %add3A_851, %scan3A_740 : i32
        %get3A_853 = arith.constant 1 : i32
        %get3A_854 = arith.index_cast %get3A_853 : i32 to index
        %get3A_855 = arith.index_cast %add3A_852 : i32 to index
        %get3A_856 = arith.constant 96 : index
        %get3A_857 = tpu.vector_load %arg10[%get3A_854, %get3A_855, %get3A_856] {strides = array<i32>} : memref<4x100x128xf32, #tpu.memory_space<vmem>>, vector<16xf32>,
        %mul3A_858 = arith.mulf %get3A_850, %get3A_857 : vector<16xf32>
        %add3A_859 = arith.addf %scan3A_747, %mul3A_858 : vector<16xf32>
        %add3A_860 = arith.constant 0 : i32
        %add3A_861 = arith.addi %add3A_860, %scan3A_740 : i32
        %get3A_862 = arith.constant 1 : i32
        %get3A_863 = arith.index_cast %get3A_862 : i32 to index
        %get3A_864 = arith.index_cast %add3A_861 : i32 to index
        %get3A_865 = arith.constant 112 : index
        %get3A_866 = tpu.vector_load %arg9[%get3A_863, %get3A_864, %get3A_865] {strides = array<i32>} : memref<4x100x128xf32, #tpu.memory_space<vmem>>, vector<16xf32>,
        %add3A_867 = arith.constant 0 : i32
        %add3A_868 = arith.addi %add3A_867, %scan3A_740 : i32
        %get3A_869 = arith.constant 1 : i32
        %get3A_870 = arith.index_cast %get3A_869 : i32 to index
        %get3A_871 = arith.index_cast %add3A_868 : i32 to index
        %get3A_872 = arith.constant 112 : index
        %get3A_873 = tpu.vector_load %arg10[%get3A_870, %get3A_871, %get3A_872] {strides = array<i32>} : memref<4x100x128xf32, #tpu.memory_space<vmem>>, vector<16xf32>,
        %mul3A_874 = arith.mulf %get3A_866, %get3A_873 : vector<16xf32>
        %add3A_875 = arith.addf %scan3A_748, %mul3A_874 : vector<16xf32>
        %scan3A_876 = arith.constant 1 : i32
        %scan3A_877 = arith.addi %scan3A_740, %scan3A_876 : i32
        %add3A_878 = arith.constant 0 : i32
        %add3A_879 = arith.addi %add3A_878, %scan3A_877 : i32
        %get3A_880 = arith.constant 1 : i32
        %get3A_881 = arith.index_cast %get3A_880 : i32 to index
        %get3A_882 = arith.index_cast %add3A_879 : i32 to index
        %get3A_883 = arith.constant 0 : index
        %get3A_884 = tpu.vector_load %arg9[%get3A_881, %get3A_882, %get3A_883] {strides = array<i32>} : memref<4x100x128xf32, #tpu.memory_space<vmem>>, vector<16xf32>,
        %add3A_885 = arith.constant 0 : i32
        %add3A_886 = arith.addi %add3A_885, %scan3A_877 : i32
        %get3A_887 = arith.constant 1 : i32
        %get3A_888 = arith.index_cast %get3A_887 : i32 to index
        %get3A_889 = arith.index_cast %add3A_886 : i32 to index
        %get3A_890 = arith.constant 0 : index
        %get3A_891 = tpu.vector_load %arg10[%get3A_888, %get3A_889, %get3A_890] {strides = array<i32>} : memref<4x100x128xf32, #tpu.memory_space<vmem>>, vector<16xf32>,
        %mul3A_892 = arith.mulf %get3A_884, %get3A_891 : vector<16xf32>
        %add3A_893 = arith.addf %add3A_763, %mul3A_892 : vector<16xf32>
        %add3A_894 = arith.constant 0 : i32
        %add3A_895 = arith.addi %add3A_894, %scan3A_877 : i32
        %get3A_896 = arith.constant 1 : i32
        %get3A_897 = arith.index_cast %get3A_896 : i32 to index
        %get3A_898 = arith.index_cast %add3A_895 : i32 to index
        %get3A_899 = arith.constant 16 : index
        %get3A_900 = tpu.vector_load %arg9[%get3A_897, %get3A_898, %get3A_899] {strides = array<i32>} : memref<4x100x128xf32, #tpu.memory_space<vmem>>, vector<16xf32>,
        %add3A_901 = arith.constant 0 : i32
        %add3A_902 = arith.addi %add3A_901, %scan3A_877 : i32
        %get3A_903 = arith.constant 1 : i32
        %get3A_904 = arith.index_cast %get3A_903 : i32 to index
        %get3A_905 = arith.index_cast %add3A_902 : i32 to index
        %get3A_906 = arith.constant 16 : index
        %get3A_907 = tpu.vector_load %arg10[%get3A_904, %get3A_905, %get3A_906] {strides = array<i32>} : memref<4x100x128xf32, #tpu.memory_space<vmem>>, vector<16xf32>,
        %mul3A_908 = arith.mulf %get3A_900, %get3A_907 : vector<16xf32>
        %add3A_909 = arith.addf %add3A_779, %mul3A_908 : vector<16xf32>
        %add3A_910 = arith.constant 0 : i32
        %add3A_911 = arith.addi %add3A_910, %scan3A_877 : i32
        %get3A_912 = arith.constant 1 : i32
        %get3A_913 = arith.index_cast %get3A_912 : i32 to index
        %get3A_914 = arith.index_cast %add3A_911 : i32 to index
        %get3A_915 = arith.constant 32 : index
        %get3A_916 = tpu.vector_load %arg9[%get3A_913, %get3A_914, %get3A_915] {strides = array<i32>} : memref<4x100x128xf32, #tpu.memory_space<vmem>>, vector<16xf32>,
        %add3A_917 = arith.constant 0 : i32
        %add3A_918 = arith.addi %add3A_917, %scan3A_877 : i32
        %get3A_919 = arith.constant 1 : i32
        %get3A_920 = arith.index_cast %get3A_919 : i32 to index
        %get3A_921 = arith.index_cast %add3A_918 : i32 to index
        %get3A_922 = arith.constant 32 : index
        %get3A_923 = tpu.vector_load %arg10[%get3A_920, %get3A_921, %get3A_922] {strides = array<i32>} : memref<4x100x128xf32, #tpu.memory_space<vmem>>, vector<16xf32>,
        %mul3A_924 = arith.mulf %get3A_916, %get3A_923 : vector<16xf32>
        %add3A_925 = arith.addf %add3A_795, %mul3A_924 : vector<16xf32>
        %add3A_926 = arith.constant 0 : i32
        %add3A_927 = arith.addi %add3A_926, %scan3A_877 : i32
        %get3A_928 = arith.constant 1 : i32
        %get3A_929 = arith.index_cast %get3A_928 : i32 to index
        %get3A_930 = arith.index_cast %add3A_927 : i32 to index
        %get3A_931 = arith.constant 48 : index
        %get3A_932 = tpu.vector_load %arg9[%get3A_929, %get3A_930, %get3A_931] {strides = array<i32>} : memref<4x100x128xf32, #tpu.memory_space<vmem>>, vector<16xf32>,
        %add3A_933 = arith.constant 0 : i32
        %add3A_934 = arith.addi %add3A_933, %scan3A_877 : i32
        %get3A_935 = arith.constant 1 : i32
        %get3A_936 = arith.index_cast %get3A_935 : i32 to index
        %get3A_937 = arith.index_cast %add3A_934 : i32 to index
        %get3A_938 = arith.constant 48 : index
        %get3A_939 = tpu.vector_load %arg10[%get3A_936, %get3A_937, %get3A_938] {strides = array<i32>} : memref<4x100x128xf32, #tpu.memory_space<vmem>>, vector<16xf32>,
        %mul3A_940 = arith.mulf %get3A_932, %get3A_939 : vector<16xf32>
        %add3A_941 = arith.addf %add3A_811, %mul3A_940 : vector<16xf32>
        %add3A_942 = arith.constant 0 : i32
        %add3A_943 = arith.addi %add3A_942, %scan3A_877 : i32
        %get3A_944 = arith.constant 1 : i32
        %get3A_945 = arith.index_cast %get3A_944 : i32 to index
        %get3A_946 = arith.index_cast %add3A_943 : i32 to index
        %get3A_947 = arith.constant 64 : index
        %get3A_948 = tpu.vector_load %arg9[%get3A_945, %get3A_946, %get3A_947] {strides = array<i32>} : memref<4x100x128xf32, #tpu.memory_space<vmem>>, vector<16xf32>,
        %add3A_949 = arith.constant 0 : i32
        %add3A_950 = arith.addi %add3A_949, %scan3A_877 : i32
        %get3A_951 = arith.constant 1 : i32
        %get3A_952 = arith.index_cast %get3A_951 : i32 to index
        %get3A_953 = arith.index_cast %add3A_950 : i32 to index
        %get3A_954 = arith.constant 64 : index
        %get3A_955 = tpu.vector_load %arg10[%get3A_952, %get3A_953, %get3A_954] {strides = array<i32>} : memref<4x100x128xf32, #tpu.memory_space<vmem>>, vector<16xf32>,
        %mul3A_956 = arith.mulf %get3A_948, %get3A_955 : vector<16xf32>
        %add3A_957 = arith.addf %add3A_827, %mul3A_956 : vector<16xf32>
        %add3A_958 = arith.constant 0 : i32
        %add3A_959 = arith.addi %add3A_958, %scan3A_877 : i32
        %get3A_960 = arith.constant 1 : i32
        %get3A_961 = arith.index_cast %get3A_960 : i32 to index
        %get3A_962 = arith.index_cast %add3A_959 : i32 to index
        %get3A_963 = arith.constant 80 : index
        %get3A_964 = tpu.vector_load %arg9[%get3A_961, %get3A_962, %get3A_963] {strides = array<i32>} : memref<4x100x128xf32, #tpu.memory_space<vmem>>, vector<16xf32>,
        %add3A_965 = arith.constant 0 : i32
        %add3A_966 = arith.addi %add3A_965, %scan3A_877 : i32
        %get3A_967 = arith.constant 1 : i32
        %get3A_968 = arith.index_cast %get3A_967 : i32 to index
        %get3A_969 = arith.index_cast %add3A_966 : i32 to index
        %get3A_970 = arith.constant 80 : index
        %get3A_971 = tpu.vector_load %arg10[%get3A_968, %get3A_969, %get3A_970] {strides = array<i32>} : memref<4x100x128xf32, #tpu.memory_space<vmem>>, vector<16xf32>,
        %mul3A_972 = arith.mulf %get3A_964, %get3A_971 : vector<16xf32>
        %add3A_973 = arith.addf %add3A_843, %mul3A_972 : vector<16xf32>
        %add3A_974 = arith.constant 0 : i32
        %add3A_975 = arith.addi %add3A_974, %scan3A_877 : i32
        %get3A_976 = arith.constant 1 : i32
        %get3A_977 = arith.index_cast %get3A_976 : i32 to index
        %get3A_978 = arith.index_cast %add3A_975 : i32 to index
        %get3A_979 = arith.constant 96 : index
        %get3A_980 = tpu.vector_load %arg9[%get3A_977, %get3A_978, %get3A_979] {strides = array<i32>} : memref<4x100x128xf32, #tpu.memory_space<vmem>>, vector<16xf32>,
        %add3A_981 = arith.constant 0 : i32
        %add3A_982 = arith.addi %add3A_981, %scan3A_877 : i32
        %get3A_983 = arith.constant 1 : i32
        %get3A_984 = arith.index_cast %get3A_983 : i32 to index
        %get3A_985 = arith.index_cast %add3A_982 : i32 to index
        %get3A_986 = arith.constant 96 : index
        %get3A_987 = tpu.vector_load %arg10[%get3A_984, %get3A_985, %get3A_986] {strides = array<i32>} : memref<4x100x128xf32, #tpu.memory_space<vmem>>, vector<16xf32>,
        %mul3A_988 = arith.mulf %get3A_980, %get3A_987 : vector<16xf32>
        %add3A_989 = arith.addf %add3A_859, %mul3A_988 : vector<16xf32>
        %add3A_990 = arith.constant 0 : i32
        %add3A_991 = arith.addi %add3A_990, %scan3A_877 : i32
        %get3A_992 = arith.constant 1 : i32
        %get3A_993 = arith.index_cast %get3A_992 : i32 to index
        %get3A_994 = arith.index_cast %add3A_991 : i32 to index
        %get3A_995 = arith.constant 112 : index
        %get3A_996 = tpu.vector_load %arg9[%get3A_993, %get3A_994, %get3A_995] {strides = array<i32>} : memref<4x100x128xf32, #tpu.memory_space<vmem>>, vector<16xf32>,
        %add3A_997 = arith.constant 0 : i32
        %add3A_998 = arith.addi %add3A_997, %scan3A_877 : i32
        %get3A_999 = arith.constant 1 : i32
        %get3A_1000 = arith.index_cast %get3A_999 : i32 to index
        %get3A_1001 = arith.index_cast %add3A_998 : i32 to index
        %get3A_1002 = arith.constant 112 : index
        %get3A_1003 = tpu.vector_load %arg10[%get3A_1000, %get3A_1001, %get3A_1002] {strides = array<i32>} : memref<4x100x128xf32, #tpu.memory_space<vmem>>, vector<16xf32>,
        %mul3A_1004 = arith.mulf %get3A_996, %get3A_1003 : vector<16xf32>
        %add3A_1005 = arith.addf %add3A_875, %mul3A_1004 : vector<16xf32>
        scf.yield %add3A_893, %add3A_909, %add3A_925, %add3A_941, %add3A_957, %add3A_973, %add3A_989, %add3A_1005 : vector<16xf32>, vector<16xf32>, vector<16xf32>, vector<16xf32>, vector<16xf32>, vector<16xf32>, vector<16xf32>, vector<16xf32>
      }
      %scan3A_286 = arith.constant 50 : i32
      %add3A_287 = arith.addf %scan3A_285#0, %scan3A_285#1 : vector<16xf32>
      %add3A_288 = arith.addf %scan3A_285#2, %scan3A_285#3 : vector<16xf32>
      %add3A_289 = arith.addf %add3A_287, %add3A_288 : vector<16xf32>
      %add3A_290 = arith.addf %scan3A_285#4, %scan3A_285#5 : vector<16xf32>
      %add3A_291 = arith.addf %scan3A_285#6, %scan3A_285#7 : vector<16xf32>
      %add3A_292 = arith.addf %add3A_290, %add3A_291 : vector<16xf32>
      %add3A_293 = arith.addf %add3A_289, %add3A_292 : vector<16xf32>
      %iota3A_294 = tpu.iota {dimensions = array<i32: 0>} : vector<16xi32>
      %xor3A_295 = arith.constant 1 : i32
      %xor3A_296 = vector.broadcast %xor3A_295 : i32 to vector<16xi32>
      %xor3A_297 = arith.xori %iota3A_294, %xor3A_296 : vector<16xi32>
      %broadcast_in_dim3A_298 = vector.shape_cast %xor3A_297 : vector<16xi32> to vector<16x1xi32>
      %gather3A_299 = vector.shape_cast %broadcast_in_dim3A_298 : vector<16x1xi32> to vector<16xi32>
      %gather3A_300 = tpu.dynamic_gather %add3A_293[%gather3A_299] in [0] : vector<16xf32>, vector<16xi32> -> vector<16xf32>
      %add3A_301 = arith.addf %add3A_293, %gather3A_300 : vector<16xf32>
      %xor3A_302 = arith.constant 2 : i32
      %xor3A_303 = vector.broadcast %xor3A_302 : i32 to vector<16xi32>
      %xor3A_304 = arith.xori %iota3A_294, %xor3A_303 : vector<16xi32>
      %broadcast_in_dim3A_305 = vector.shape_cast %xor3A_304 : vector<16xi32> to vector<16x1xi32>
      %gather3A_306 = vector.shape_cast %broadcast_in_dim3A_305 : vector<16x1xi32> to vector<16xi32>
      %gather3A_307 = tpu.dynamic_gather %add3A_301[%gather3A_306] in [0] : vector<16xf32>, vector<16xi32> -> vector<16xf32>
      %add3A_308 = arith.addf %add3A_301, %gather3A_307 : vector<16xf32>
      %xor3A_309 = arith.constant 4 : i32
      %xor3A_310 = vector.broadcast %xor3A_309 : i32 to vector<16xi32>
      %xor3A_311 = arith.xori %iota3A_294, %xor3A_310 : vector<16xi32>
      %broadcast_in_dim3A_312 = vector.shape_cast %xor3A_311 : vector<16xi32> to vector<16x1xi32>
      %gather3A_313 = vector.shape_cast %broadcast_in_dim3A_312 : vector<16x1xi32> to vector<16xi32>
      %gather3A_314 = tpu.dynamic_gather %add3A_308[%gather3A_313] in [0] : vector<16xf32>, vector<16xi32> -> vector<16xf32>
      %add3A_315 = arith.addf %add3A_308, %gather3A_314 : vector<16xf32>
      %xor3A_316 = arith.constant 8 : i32
      %xor3A_317 = vector.broadcast %xor3A_316 : i32 to vector<16xi32>
      %xor3A_318 = arith.xori %iota3A_294, %xor3A_317 : vector<16xi32>
      %broadcast_in_dim3A_319 = vector.shape_cast %xor3A_318 : vector<16xi32> to vector<16x1xi32>
      %gather3A_320 = vector.shape_cast %broadcast_in_dim3A_319 : vector<16x1xi32> to vector<16xi32>
      %gather3A_321 = tpu.dynamic_gather %add3A_315[%gather3A_320] in [0] : vector<16xf32>, vector<16xi32> -> vector<16xf32>
      %add3A_322 = arith.addf %add3A_315, %gather3A_321 : vector<16xf32>
      %mul3A_323 = arith.constant 2 : i32
      %mul3A_324 = arith.muli %mul3A_323, %add3A_242 : i32
      %add3A_325 = arith.constant 0 : i32
      %add3A_326 = arith.addi %mul3A_324, %add3A_325 : i32
      %broadcast_in_dim3A_327 = vector.broadcast %add3A_326 : i32 to vector<16xi32>
      %eq3A_328 = arith.constant 0 : i32
      %eq3A_329 = vector.broadcast %eq3A_328 : i32 to vector<16xi32>
      %eq3A_330 = arith.cmpi eq, %iota3A_294, %eq3A_329 : vector<16xi32>
      tpu.vector_store_idx %arg11[%broadcast_in_dim3A_327], %add3A_322 masked %eq3A_330 : memref<128xf32, #tpu.memory_space<vmem>>[vector<16xi32>], vector<16xf32>, vector<16xi1>
      %broadcast_in_dim3A_331 = arith.constant 0.000000e+00 : f32
      %broadcast_in_dim3A_332 = vector.broadcast %broadcast_in_dim3A_331 : f32 to vector<16xf32>
      %broadcast_in_dim3A_333 = arith.constant 0.000000e+00 : f32
      %broadcast_in_dim3A_334 = vector.broadcast %broadcast_in_dim3A_333 : f32 to vector<16xf32>
      %broadcast_in_dim3A_335 = arith.constant 0.000000e+00 : f32
      %broadcast_in_dim3A_336 = vector.broadcast %broadcast_in_dim3A_335 : f32 to vector<16xf32>
      %broadcast_in_dim3A_337 = arith.constant 0.000000e+00 : f32
      %broadcast_in_dim3A_338 = vector.broadcast %broadcast_in_dim3A_337 : f32 to vector<16xf32>
      %broadcast_in_dim3A_339 = arith.constant 0.000000e+00 : f32
      %broadcast_in_dim3A_340 = vector.broadcast %broadcast_in_dim3A_339 : f32 to vector<16xf32>
      %broadcast_in_dim3A_341 = arith.constant 0.000000e+00 : f32
      %broadcast_in_dim3A_342 = vector.broadcast %broadcast_in_dim3A_341 : f32 to vector<16xf32>
      %broadcast_in_dim3A_343 = arith.constant 0.000000e+00 : f32
      %broadcast_in_dim3A_344 = vector.broadcast %broadcast_in_dim3A_343 : f32 to vector<16xf32>
      %broadcast_in_dim3A_345 = arith.constant 0.000000e+00 : f32
      %broadcast_in_dim3A_346 = vector.broadcast %broadcast_in_dim3A_345 : f32 to vector<16xf32>
      %scan3A_347 = arith.constant 0 : i32
      %scan3A_348 = arith.constant 50 : i32
      %scan3A_349 = arith.addi %scan3A_347, %scan3A_348 : i32
      %scan3A_350 = arith.constant 2 : i32
      %scan3A_351:8 = scf.for %scan3A_740 = %scan3A_347 to %scan3A_349 step %scan3A_350 iter_args(%scan3A_741 = %broadcast_in_dim3A_332, %scan3A_742 = %broadcast_in_dim3A_334, %scan3A_743 = %broadcast_in_dim3A_336, %scan3A_744 = %broadcast_in_dim3A_338, %scan3A_745 = %broadcast_in_dim3A_340, %scan3A_746 = %broadcast_in_dim3A_342, %scan3A_747 = %broadcast_in_dim3A_344, %scan3A_748 = %broadcast_in_dim3A_346) -> (vector<16xf32>, vector<16xf32>, vector<16xf32>, vector<16xf32>, vector<16xf32>, vector<16xf32>, vector<16xf32>, vector<16xf32>)  : i32 {
        %add3A_749 = arith.constant 50 : i32
        %add3A_750 = arith.addi %add3A_749, %scan3A_740 : i32
        %get3A = arith.constant 1 : i32
        %get3A_751 = arith.index_cast %get3A : i32 to index
        %get3A_752 = arith.index_cast %add3A_750 : i32 to index
        %get3A_753 = arith.constant 0 : index
        %get3A_754 = tpu.vector_load %arg9[%get3A_751, %get3A_752, %get3A_753] {strides = array<i32>} : memref<4x100x128xf32, #tpu.memory_space<vmem>>, vector<16xf32>,
        %add3A_755 = arith.constant 50 : i32
        %add3A_756 = arith.addi %add3A_755, %scan3A_740 : i32
        %get3A_757 = arith.constant 1 : i32
        %get3A_758 = arith.index_cast %get3A_757 : i32 to index
        %get3A_759 = arith.index_cast %add3A_756 : i32 to index
        %get3A_760 = arith.constant 0 : index
        %get3A_761 = tpu.vector_load %arg10[%get3A_758, %get3A_759, %get3A_760] {strides = array<i32>} : memref<4x100x128xf32, #tpu.memory_space<vmem>>, vector<16xf32>,
        %mul3A_762 = arith.mulf %get3A_754, %get3A_761 : vector<16xf32>
        %add3A_763 = arith.addf %scan3A_741, %mul3A_762 : vector<16xf32>
        %add3A_764 = arith.constant 50 : i32
        %add3A_765 = arith.addi %add3A_764, %scan3A_740 : i32
        %get3A_766 = arith.constant 1 : i32
        %get3A_767 = arith.index_cast %get3A_766 : i32 to index
        %get3A_768 = arith.index_cast %add3A_765 : i32 to index
        %get3A_769 = arith.constant 16 : index
        %get3A_770 = tpu.vector_load %arg9[%get3A_767, %get3A_768, %get3A_769] {strides = array<i32>} : memref<4x100x128xf32, #tpu.memory_space<vmem>>, vector<16xf32>,
        %add3A_771 = arith.constant 50 : i32
        %add3A_772 = arith.addi %add3A_771, %scan3A_740 : i32
        %get3A_773 = arith.constant 1 : i32
        %get3A_774 = arith.index_cast %get3A_773 : i32 to index
        %get3A_775 = arith.index_cast %add3A_772 : i32 to index
        %get3A_776 = arith.constant 16 : index
        %get3A_777 = tpu.vector_load %arg10[%get3A_774, %get3A_775, %get3A_776] {strides = array<i32>} : memref<4x100x128xf32, #tpu.memory_space<vmem>>, vector<16xf32>,
        %mul3A_778 = arith.mulf %get3A_770, %get3A_777 : vector<16xf32>
        %add3A_779 = arith.addf %scan3A_742, %mul3A_778 : vector<16xf32>
        %add3A_780 = arith.constant 50 : i32
        %add3A_781 = arith.addi %add3A_780, %scan3A_740 : i32
        %get3A_782 = arith.constant 1 : i32
        %get3A_783 = arith.index_cast %get3A_782 : i32 to index
        %get3A_784 = arith.index_cast %add3A_781 : i32 to index
        %get3A_785 = arith.constant 32 : index
        %get3A_786 = tpu.vector_load %arg9[%get3A_783, %get3A_784, %get3A_785] {strides = array<i32>} : memref<4x100x128xf32, #tpu.memory_space<vmem>>, vector<16xf32>,
        %add3A_787 = arith.constant 50 : i32
        %add3A_788 = arith.addi %add3A_787, %scan3A_740 : i32
        %get3A_789 = arith.constant 1 : i32
        %get3A_790 = arith.index_cast %get3A_789 : i32 to index
        %get3A_791 = arith.index_cast %add3A_788 : i32 to index
        %get3A_792 = arith.constant 32 : index
        %get3A_793 = tpu.vector_load %arg10[%get3A_790, %get3A_791, %get3A_792] {strides = array<i32>} : memref<4x100x128xf32, #tpu.memory_space<vmem>>, vector<16xf32>,
        %mul3A_794 = arith.mulf %get3A_786, %get3A_793 : vector<16xf32>
        %add3A_795 = arith.addf %scan3A_743, %mul3A_794 : vector<16xf32>
        %add3A_796 = arith.constant 50 : i32
        %add3A_797 = arith.addi %add3A_796, %scan3A_740 : i32
        %get3A_798 = arith.constant 1 : i32
        %get3A_799 = arith.index_cast %get3A_798 : i32 to index
        %get3A_800 = arith.index_cast %add3A_797 : i32 to index
        %get3A_801 = arith.constant 48 : index
        %get3A_802 = tpu.vector_load %arg9[%get3A_799, %get3A_800, %get3A_801] {strides = array<i32>} : memref<4x100x128xf32, #tpu.memory_space<vmem>>, vector<16xf32>,
        %add3A_803 = arith.constant 50 : i32
        %add3A_804 = arith.addi %add3A_803, %scan3A_740 : i32
        %get3A_805 = arith.constant 1 : i32
        %get3A_806 = arith.index_cast %get3A_805 : i32 to index
        %get3A_807 = arith.index_cast %add3A_804 : i32 to index
        %get3A_808 = arith.constant 48 : index
        %get3A_809 = tpu.vector_load %arg10[%get3A_806, %get3A_807, %get3A_808] {strides = array<i32>} : memref<4x100x128xf32, #tpu.memory_space<vmem>>, vector<16xf32>,
        %mul3A_810 = arith.mulf %get3A_802, %get3A_809 : vector<16xf32>
        %add3A_811 = arith.addf %scan3A_744, %mul3A_810 : vector<16xf32>
        %add3A_812 = arith.constant 50 : i32
        %add3A_813 = arith.addi %add3A_812, %scan3A_740 : i32
        %get3A_814 = arith.constant 1 : i32
        %get3A_815 = arith.index_cast %get3A_814 : i32 to index
        %get3A_816 = arith.index_cast %add3A_813 : i32 to index
        %get3A_817 = arith.constant 64 : index
        %get3A_818 = tpu.vector_load %arg9[%get3A_815, %get3A_816, %get3A_817] {strides = array<i32>} : memref<4x100x128xf32, #tpu.memory_space<vmem>>, vector<16xf32>,
        %add3A_819 = arith.constant 50 : i32
        %add3A_820 = arith.addi %add3A_819, %scan3A_740 : i32
        %get3A_821 = arith.constant 1 : i32
        %get3A_822 = arith.index_cast %get3A_821 : i32 to index
        %get3A_823 = arith.index_cast %add3A_820 : i32 to index
        %get3A_824 = arith.constant 64 : index
        %get3A_825 = tpu.vector_load %arg10[%get3A_822, %get3A_823, %get3A_824] {strides = array<i32>} : memref<4x100x128xf32, #tpu.memory_space<vmem>>, vector<16xf32>,
        %mul3A_826 = arith.mulf %get3A_818, %get3A_825 : vector<16xf32>
        %add3A_827 = arith.addf %scan3A_745, %mul3A_826 : vector<16xf32>
        %add3A_828 = arith.constant 50 : i32
        %add3A_829 = arith.addi %add3A_828, %scan3A_740 : i32
        %get3A_830 = arith.constant 1 : i32
        %get3A_831 = arith.index_cast %get3A_830 : i32 to index
        %get3A_832 = arith.index_cast %add3A_829 : i32 to index
        %get3A_833 = arith.constant 80 : index
        %get3A_834 = tpu.vector_load %arg9[%get3A_831, %get3A_832, %get3A_833] {strides = array<i32>} : memref<4x100x128xf32, #tpu.memory_space<vmem>>, vector<16xf32>,
        %add3A_835 = arith.constant 50 : i32
        %add3A_836 = arith.addi %add3A_835, %scan3A_740 : i32
        %get3A_837 = arith.constant 1 : i32
        %get3A_838 = arith.index_cast %get3A_837 : i32 to index
        %get3A_839 = arith.index_cast %add3A_836 : i32 to index
        %get3A_840 = arith.constant 80 : index
        %get3A_841 = tpu.vector_load %arg10[%get3A_838, %get3A_839, %get3A_840] {strides = array<i32>} : memref<4x100x128xf32, #tpu.memory_space<vmem>>, vector<16xf32>,
        %mul3A_842 = arith.mulf %get3A_834, %get3A_841 : vector<16xf32>
        %add3A_843 = arith.addf %scan3A_746, %mul3A_842 : vector<16xf32>
        %add3A_844 = arith.constant 50 : i32
        %add3A_845 = arith.addi %add3A_844, %scan3A_740 : i32
        %get3A_846 = arith.constant 1 : i32
        %get3A_847 = arith.index_cast %get3A_846 : i32 to index
        %get3A_848 = arith.index_cast %add3A_845 : i32 to index
        %get3A_849 = arith.constant 96 : index
        %get3A_850 = tpu.vector_load %arg9[%get3A_847, %get3A_848, %get3A_849] {strides = array<i32>} : memref<4x100x128xf32, #tpu.memory_space<vmem>>, vector<16xf32>,
        %add3A_851 = arith.constant 50 : i32
        %add3A_852 = arith.addi %add3A_851, %scan3A_740 : i32
        %get3A_853 = arith.constant 1 : i32
        %get3A_854 = arith.index_cast %get3A_853 : i32 to index
        %get3A_855 = arith.index_cast %add3A_852 : i32 to index
        %get3A_856 = arith.constant 96 : index
        %get3A_857 = tpu.vector_load %arg10[%get3A_854, %get3A_855, %get3A_856] {strides = array<i32>} : memref<4x100x128xf32, #tpu.memory_space<vmem>>, vector<16xf32>,
        %mul3A_858 = arith.mulf %get3A_850, %get3A_857 : vector<16xf32>
        %add3A_859 = arith.addf %scan3A_747, %mul3A_858 : vector<16xf32>
        %add3A_860 = arith.constant 50 : i32
        %add3A_861 = arith.addi %add3A_860, %scan3A_740 : i32
        %get3A_862 = arith.constant 1 : i32
        %get3A_863 = arith.index_cast %get3A_862 : i32 to index
        %get3A_864 = arith.index_cast %add3A_861 : i32 to index
        %get3A_865 = arith.constant 112 : index
        %get3A_866 = tpu.vector_load %arg9[%get3A_863, %get3A_864, %get3A_865] {strides = array<i32>} : memref<4x100x128xf32, #tpu.memory_space<vmem>>, vector<16xf32>,
        %add3A_867 = arith.constant 50 : i32
        %add3A_868 = arith.addi %add3A_867, %scan3A_740 : i32
        %get3A_869 = arith.constant 1 : i32
        %get3A_870 = arith.index_cast %get3A_869 : i32 to index
        %get3A_871 = arith.index_cast %add3A_868 : i32 to index
        %get3A_872 = arith.constant 112 : index
        %get3A_873 = tpu.vector_load %arg10[%get3A_870, %get3A_871, %get3A_872] {strides = array<i32>} : memref<4x100x128xf32, #tpu.memory_space<vmem>>, vector<16xf32>,
        %mul3A_874 = arith.mulf %get3A_866, %get3A_873 : vector<16xf32>
        %add3A_875 = arith.addf %scan3A_748, %mul3A_874 : vector<16xf32>
        %scan3A_876 = arith.constant 1 : i32
        %scan3A_877 = arith.addi %scan3A_740, %scan3A_876 : i32
        %add3A_878 = arith.constant 50 : i32
        %add3A_879 = arith.addi %add3A_878, %scan3A_877 : i32
        %get3A_880 = arith.constant 1 : i32
        %get3A_881 = arith.index_cast %get3A_880 : i32 to index
        %get3A_882 = arith.index_cast %add3A_879 : i32 to index
        %get3A_883 = arith.constant 0 : index
        %get3A_884 = tpu.vector_load %arg9[%get3A_881, %get3A_882, %get3A_883] {strides = array<i32>} : memref<4x100x128xf32, #tpu.memory_space<vmem>>, vector<16xf32>,
        %add3A_885 = arith.constant 50 : i32
        %add3A_886 = arith.addi %add3A_885, %scan3A_877 : i32
        %get3A_887 = arith.constant 1 : i32
        %get3A_888 = arith.index_cast %get3A_887 : i32 to index
        %get3A_889 = arith.index_cast %add3A_886 : i32 to index
        %get3A_890 = arith.constant 0 : index
        %get3A_891 = tpu.vector_load %arg10[%get3A_888, %get3A_889, %get3A_890] {strides = array<i32>} : memref<4x100x128xf32, #tpu.memory_space<vmem>>, vector<16xf32>,
        %mul3A_892 = arith.mulf %get3A_884, %get3A_891 : vector<16xf32>
        %add3A_893 = arith.addf %add3A_763, %mul3A_892 : vector<16xf32>
        %add3A_894 = arith.constant 50 : i32
        %add3A_895 = arith.addi %add3A_894, %scan3A_877 : i32
        %get3A_896 = arith.constant 1 : i32
        %get3A_897 = arith.index_cast %get3A_896 : i32 to index
        %get3A_898 = arith.index_cast %add3A_895 : i32 to index
        %get3A_899 = arith.constant 16 : index
        %get3A_900 = tpu.vector_load %arg9[%get3A_897, %get3A_898, %get3A_899] {strides = array<i32>} : memref<4x100x128xf32, #tpu.memory_space<vmem>>, vector<16xf32>,
        %add3A_901 = arith.constant 50 : i32
        %add3A_902 = arith.addi %add3A_901, %scan3A_877 : i32
        %get3A_903 = arith.constant 1 : i32
        %get3A_904 = arith.index_cast %get3A_903 : i32 to index
        %get3A_905 = arith.index_cast %add3A_902 : i32 to index
        %get3A_906 = arith.constant 16 : index
        %get3A_907 = tpu.vector_load %arg10[%get3A_904, %get3A_905, %get3A_906] {strides = array<i32>} : memref<4x100x128xf32, #tpu.memory_space<vmem>>, vector<16xf32>,
        %mul3A_908 = arith.mulf %get3A_900, %get3A_907 : vector<16xf32>
        %add3A_909 = arith.addf %add3A_779, %mul3A_908 : vector<16xf32>
        %add3A_910 = arith.constant 50 : i32
        %add3A_911 = arith.addi %add3A_910, %scan3A_877 : i32
        %get3A_912 = arith.constant 1 : i32
        %get3A_913 = arith.index_cast %get3A_912 : i32 to index
        %get3A_914 = arith.index_cast %add3A_911 : i32 to index
        %get3A_915 = arith.constant 32 : index
        %get3A_916 = tpu.vector_load %arg9[%get3A_913, %get3A_914, %get3A_915] {strides = array<i32>} : memref<4x100x128xf32, #tpu.memory_space<vmem>>, vector<16xf32>,
        %add3A_917 = arith.constant 50 : i32
        %add3A_918 = arith.addi %add3A_917, %scan3A_877 : i32
        %get3A_919 = arith.constant 1 : i32
        %get3A_920 = arith.index_cast %get3A_919 : i32 to index
        %get3A_921 = arith.index_cast %add3A_918 : i32 to index
        %get3A_922 = arith.constant 32 : index
        %get3A_923 = tpu.vector_load %arg10[%get3A_920, %get3A_921, %get3A_922] {strides = array<i32>} : memref<4x100x128xf32, #tpu.memory_space<vmem>>, vector<16xf32>,
        %mul3A_924 = arith.mulf %get3A_916, %get3A_923 : vector<16xf32>
        %add3A_925 = arith.addf %add3A_795, %mul3A_924 : vector<16xf32>
        %add3A_926 = arith.constant 50 : i32
        %add3A_927 = arith.addi %add3A_926, %scan3A_877 : i32
        %get3A_928 = arith.constant 1 : i32
        %get3A_929 = arith.index_cast %get3A_928 : i32 to index
        %get3A_930 = arith.index_cast %add3A_927 : i32 to index
        %get3A_931 = arith.constant 48 : index
        %get3A_932 = tpu.vector_load %arg9[%get3A_929, %get3A_930, %get3A_931] {strides = array<i32>} : memref<4x100x128xf32, #tpu.memory_space<vmem>>, vector<16xf32>,
        %add3A_933 = arith.constant 50 : i32
        %add3A_934 = arith.addi %add3A_933, %scan3A_877 : i32
        %get3A_935 = arith.constant 1 : i32
        %get3A_936 = arith.index_cast %get3A_935 : i32 to index
        %get3A_937 = arith.index_cast %add3A_934 : i32 to index
        %get3A_938 = arith.constant 48 : index
        %get3A_939 = tpu.vector_load %arg10[%get3A_936, %get3A_937, %get3A_938] {strides = array<i32>} : memref<4x100x128xf32, #tpu.memory_space<vmem>>, vector<16xf32>,
        %mul3A_940 = arith.mulf %get3A_932, %get3A_939 : vector<16xf32>
        %add3A_941 = arith.addf %add3A_811, %mul3A_940 : vector<16xf32>
        %add3A_942 = arith.constant 50 : i32
        %add3A_943 = arith.addi %add3A_942, %scan3A_877 : i32
        %get3A_944 = arith.constant 1 : i32
        %get3A_945 = arith.index_cast %get3A_944 : i32 to index
        %get3A_946 = arith.index_cast %add3A_943 : i32 to index
        %get3A_947 = arith.constant 64 : index
        %get3A_948 = tpu.vector_load %arg9[%get3A_945, %get3A_946, %get3A_947] {strides = array<i32>} : memref<4x100x128xf32, #tpu.memory_space<vmem>>, vector<16xf32>,
        %add3A_949 = arith.constant 50 : i32
        %add3A_950 = arith.addi %add3A_949, %scan3A_877 : i32
        %get3A_951 = arith.constant 1 : i32
        %get3A_952 = arith.index_cast %get3A_951 : i32 to index
        %get3A_953 = arith.index_cast %add3A_950 : i32 to index
        %get3A_954 = arith.constant 64 : index
        %get3A_955 = tpu.vector_load %arg10[%get3A_952, %get3A_953, %get3A_954] {strides = array<i32>} : memref<4x100x128xf32, #tpu.memory_space<vmem>>, vector<16xf32>,
        %mul3A_956 = arith.mulf %get3A_948, %get3A_955 : vector<16xf32>
        %add3A_957 = arith.addf %add3A_827, %mul3A_956 : vector<16xf32>
        %add3A_958 = arith.constant 50 : i32
        %add3A_959 = arith.addi %add3A_958, %scan3A_877 : i32
        %get3A_960 = arith.constant 1 : i32
        %get3A_961 = arith.index_cast %get3A_960 : i32 to index
        %get3A_962 = arith.index_cast %add3A_959 : i32 to index
        %get3A_963 = arith.constant 80 : index
        %get3A_964 = tpu.vector_load %arg9[%get3A_961, %get3A_962, %get3A_963] {strides = array<i32>} : memref<4x100x128xf32, #tpu.memory_space<vmem>>, vector<16xf32>,
        %add3A_965 = arith.constant 50 : i32
        %add3A_966 = arith.addi %add3A_965, %scan3A_877 : i32
        %get3A_967 = arith.constant 1 : i32
        %get3A_968 = arith.index_cast %get3A_967 : i32 to index
        %get3A_969 = arith.index_cast %add3A_966 : i32 to index
        %get3A_970 = arith.constant 80 : index
        %get3A_971 = tpu.vector_load %arg10[%get3A_968, %get3A_969, %get3A_970] {strides = array<i32>} : memref<4x100x128xf32, #tpu.memory_space<vmem>>, vector<16xf32>,
        %mul3A_972 = arith.mulf %get3A_964, %get3A_971 : vector<16xf32>
        %add3A_973 = arith.addf %add3A_843, %mul3A_972 : vector<16xf32>
        %add3A_974 = arith.constant 50 : i32
        %add3A_975 = arith.addi %add3A_974, %scan3A_877 : i32
        %get3A_976 = arith.constant 1 : i32
        %get3A_977 = arith.index_cast %get3A_976 : i32 to index
        %get3A_978 = arith.index_cast %add3A_975 : i32 to index
        %get3A_979 = arith.constant 96 : index
        %get3A_980 = tpu.vector_load %arg9[%get3A_977, %get3A_978, %get3A_979] {strides = array<i32>} : memref<4x100x128xf32, #tpu.memory_space<vmem>>, vector<16xf32>,
        %add3A_981 = arith.constant 50 : i32
        %add3A_982 = arith.addi %add3A_981, %scan3A_877 : i32
        %get3A_983 = arith.constant 1 : i32
        %get3A_984 = arith.index_cast %get3A_983 : i32 to index
        %get3A_985 = arith.index_cast %add3A_982 : i32 to index
        %get3A_986 = arith.constant 96 : index
        %get3A_987 = tpu.vector_load %arg10[%get3A_984, %get3A_985, %get3A_986] {strides = array<i32>} : memref<4x100x128xf32, #tpu.memory_space<vmem>>, vector<16xf32>,
        %mul3A_988 = arith.mulf %get3A_980, %get3A_987 : vector<16xf32>
        %add3A_989 = arith.addf %add3A_859, %mul3A_988 : vector<16xf32>
        %add3A_990 = arith.constant 50 : i32
        %add3A_991 = arith.addi %add3A_990, %scan3A_877 : i32
        %get3A_992 = arith.constant 1 : i32
        %get3A_993 = arith.index_cast %get3A_992 : i32 to index
        %get3A_994 = arith.index_cast %add3A_991 : i32 to index
        %get3A_995 = arith.constant 112 : index
        %get3A_996 = tpu.vector_load %arg9[%get3A_993, %get3A_994, %get3A_995] {strides = array<i32>} : memref<4x100x128xf32, #tpu.memory_space<vmem>>, vector<16xf32>,
        %add3A_997 = arith.constant 50 : i32
        %add3A_998 = arith.addi %add3A_997, %scan3A_877 : i32
        %get3A_999 = arith.constant 1 : i32
        %get3A_1000 = arith.index_cast %get3A_999 : i32 to index
        %get3A_1001 = arith.index_cast %add3A_998 : i32 to index
        %get3A_1002 = arith.constant 112 : index
        %get3A_1003 = tpu.vector_load %arg10[%get3A_1000, %get3A_1001, %get3A_1002] {strides = array<i32>} : memref<4x100x128xf32, #tpu.memory_space<vmem>>, vector<16xf32>,
        %mul3A_1004 = arith.mulf %get3A_996, %get3A_1003 : vector<16xf32>
        %add3A_1005 = arith.addf %add3A_875, %mul3A_1004 : vector<16xf32>
        scf.yield %add3A_893, %add3A_909, %add3A_925, %add3A_941, %add3A_957, %add3A_973, %add3A_989, %add3A_1005 : vector<16xf32>, vector<16xf32>, vector<16xf32>, vector<16xf32>, vector<16xf32>, vector<16xf32>, vector<16xf32>, vector<16xf32>
      }
      %scan3A_352 = arith.constant 50 : i32
      %add3A_353 = arith.addf %scan3A_351#0, %scan3A_351#1 : vector<16xf32>
      %add3A_354 = arith.addf %scan3A_351#2, %scan3A_351#3 : vector<16xf32>
      %add3A_355 = arith.addf %add3A_353, %add3A_354 : vector<16xf32>
      %add3A_356 = arith.addf %scan3A_351#4, %scan3A_351#5 : vector<16xf32>
      %add3A_357 = arith.addf %scan3A_351#6, %scan3A_351#7 : vector<16xf32>
      %add3A_358 = arith.addf %add3A_356, %add3A_357 : vector<16xf32>
      %add3A_359 = arith.addf %add3A_355, %add3A_358 : vector<16xf32>
      %iota3A_360 = tpu.iota {dimensions = array<i32: 0>} : vector<16xi32>
      %xor3A_361 = arith.constant 1 : i32
      %xor3A_362 = vector.broadcast %xor3A_361 : i32 to vector<16xi32>
      %xor3A_363 = arith.xori %iota3A_360, %xor3A_362 : vector<16xi32>
      %broadcast_in_dim3A_364 = vector.shape_cast %xor3A_363 : vector<16xi32> to vector<16x1xi32>
      %gather3A_365 = vector.shape_cast %broadcast_in_dim3A_364 : vector<16x1xi32> to vector<16xi32>
      %gather3A_366 = tpu.dynamic_gather %add3A_359[%gather3A_365] in [0] : vector<16xf32>, vector<16xi32> -> vector<16xf32>
      %add3A_367 = arith.addf %add3A_359, %gather3A_366 : vector<16xf32>
      %xor3A_368 = arith.constant 2 : i32
      %xor3A_369 = vector.broadcast %xor3A_368 : i32 to vector<16xi32>
      %xor3A_370 = arith.xori %iota3A_360, %xor3A_369 : vector<16xi32>
      %broadcast_in_dim3A_371 = vector.shape_cast %xor3A_370 : vector<16xi32> to vector<16x1xi32>
      %gather3A_372 = vector.shape_cast %broadcast_in_dim3A_371 : vector<16x1xi32> to vector<16xi32>
      %gather3A_373 = tpu.dynamic_gather %add3A_367[%gather3A_372] in [0] : vector<16xf32>, vector<16xi32> -> vector<16xf32>
      %add3A_374 = arith.addf %add3A_367, %gather3A_373 : vector<16xf32>
      %xor3A_375 = arith.constant 4 : i32
      %xor3A_376 = vector.broadcast %xor3A_375 : i32 to vector<16xi32>
      %xor3A_377 = arith.xori %iota3A_360, %xor3A_376 : vector<16xi32>
      %broadcast_in_dim3A_378 = vector.shape_cast %xor3A_377 : vector<16xi32> to vector<16x1xi32>
      %gather3A_379 = vector.shape_cast %broadcast_in_dim3A_378 : vector<16x1xi32> to vector<16xi32>
      %gather3A_380 = tpu.dynamic_gather %add3A_374[%gather3A_379] in [0] : vector<16xf32>, vector<16xi32> -> vector<16xf32>
      %add3A_381 = arith.addf %add3A_374, %gather3A_380 : vector<16xf32>
      %xor3A_382 = arith.constant 8 : i32
      %xor3A_383 = vector.broadcast %xor3A_382 : i32 to vector<16xi32>
      %xor3A_384 = arith.xori %iota3A_360, %xor3A_383 : vector<16xi32>
      %broadcast_in_dim3A_385 = vector.shape_cast %xor3A_384 : vector<16xi32> to vector<16x1xi32>
      %gather3A_386 = vector.shape_cast %broadcast_in_dim3A_385 : vector<16x1xi32> to vector<16xi32>
      %gather3A_387 = tpu.dynamic_gather %add3A_381[%gather3A_386] in [0] : vector<16xf32>, vector<16xi32> -> vector<16xf32>
      %add3A_388 = arith.addf %add3A_381, %gather3A_387 : vector<16xf32>
      %mul3A_389 = arith.constant 2 : i32
      %mul3A_390 = arith.muli %mul3A_389, %add3A_242 : i32
      %add3A_391 = arith.constant 1 : i32
      %add3A_392 = arith.addi %mul3A_390, %add3A_391 : i32
      %broadcast_in_dim3A_393 = vector.broadcast %add3A_392 : i32 to vector<16xi32>
      %eq3A_394 = arith.constant 0 : i32
      %eq3A_395 = vector.broadcast %eq3A_394 : i32 to vector<16xi32>
      %eq3A_396 = arith.cmpi eq, %iota3A_360, %eq3A_395 : vector<16xi32>
      tpu.vector_store_idx %arg11[%broadcast_in_dim3A_393], %add3A_388 masked %eq3A_396 : memref<128xf32, #tpu.memory_space<vmem>>[vector<16xi32>], vector<16xf32>, vector<16xi1>
      %add3A_397 = arith.constant 4 : i32
      %add3A_398 = arith.addi %add3A_242, %add3A_397 : i32
      %sub3A_399 = arith.constant 1 : i32
      %sub3A_400 = arith.subi %add3A_398, %sub3A_399 : i32
      %lt3A_401 = arith.constant 64 : i32
      %lt3A_402 = arith.cmpi slt, %sub3A_400, %lt3A_401 : i32
      %convert_element_type3A_403 = arith.extui %lt3A_402 : i1 to i32
      %cond3A_404 = arith.constant 0 : i32
      %cond3A_405 = arith.cmpi ne, %convert_element_type3A_403, %cond3A_404 : i32
      scf.if %cond3A_405 {
        %add3A_740 = arith.constant 4 : i32
        %add3A_741 = arith.addi %add3A_242, %add3A_740 : i32
        %sub3A_742 = arith.constant 1 : i32
        %sub3A_743 = arith.subi %add3A_741, %sub3A_742 : i32
        %dma_start3A_744 = arith.constant 0 : i32
        %dma_start3A_745 = arith.constant 0 : i32
        %dma_start3A_746 = arith.constant 0 : i32
        %dma_start3A_747 = tpu.memref_slice %arg9[%dma_start3A_744, %dma_start3A_745, %dma_start3A_746] : memref<4x100x128xf32, #tpu.memory_space<vmem>> -> memref<1x100x128xf32, #tpu.memory_space<vmem>>
        %dma_start3A_748 = tpu.memref_squeeze %dma_start3A_747 : memref<1x100x128xf32, #tpu.memory_space<vmem>> -> memref<100x128xf32, #tpu.memory_space<vmem>>
        %dma_start3A_749 = arith.constant 0 : i32
        %dma_start3A_750 = tpu.memref_slice %arg7[%sub3A_743, %dma_start3A_749] : memref<64x100xi32, #tpu.memory_space<vmem>> -> memref<1x100xi32, #tpu.memory_space<vmem>>
        %dma_start3A_751 = tpu.memref_squeeze %dma_start3A_750 : memref<1x100xi32, #tpu.memory_space<vmem>> -> memref<100xi32, #tpu.memory_space<vmem>>
        %dma_start3A_752 = arith.constant 0 : i32
        %dma_start3A_753 = arith.constant 0 : i32
        %dma_start3A_754 = tpu.memref_slice %arg4[%dma_start3A_752, %dma_start3A_753] : memref<100000x128xf32, #tpu.memory_space<hbm>> -> memref<100000x128xf32, #tpu.memory_space<hbm>>
        tpu.enqueue_indirect_dma source(%dma_start3A_754 : memref<100000x128xf32, #tpu.memory_space<hbm>>) target(%dma_start3A_748 : memref<100x128xf32, #tpu.memory_space<vmem>>) offsets(%dma_start3A_751 : memref<100xi32, #tpu.memory_space<vmem>>) semaphore(%arg12 : memref<!tpu.dma_semaphore, #tpu.memory_space<semaphore_mem>>)
        %dma_start3A_755 = arith.constant 0 : i32
        %dma_start3A_756 = arith.constant 0 : i32
        %dma_start3A_757 = arith.constant 0 : i32
        %dma_start3A_758 = tpu.memref_slice %arg10[%dma_start3A_755, %dma_start3A_756, %dma_start3A_757] : memref<4x100x128xf32, #tpu.memory_space<vmem>> -> memref<1x100x128xf32, #tpu.memory_space<vmem>>
        %dma_start3A_759 = tpu.memref_squeeze %dma_start3A_758 : memref<1x100x128xf32, #tpu.memory_space<vmem>> -> memref<100x128xf32, #tpu.memory_space<vmem>>
        %dma_start3A_760 = arith.constant 0 : i32
        %dma_start3A_761 = tpu.memref_slice %arg8[%sub3A_743, %dma_start3A_760] : memref<64x100xi32, #tpu.memory_space<vmem>> -> memref<1x100xi32, #tpu.memory_space<vmem>>
        %dma_start3A_762 = tpu.memref_squeeze %dma_start3A_761 : memref<1x100xi32, #tpu.memory_space<vmem>> -> memref<100xi32, #tpu.memory_space<vmem>>
        %dma_start3A_763 = arith.constant 0 : i32
        %dma_start3A_764 = arith.constant 0 : i32
        %dma_start3A_765 = tpu.memref_slice %arg5[%dma_start3A_763, %dma_start3A_764] : memref<100000x128xf32, #tpu.memory_space<hbm>> -> memref<100000x128xf32, #tpu.memory_space<hbm>>
        tpu.enqueue_indirect_dma source(%dma_start3A_765 : memref<100000x128xf32, #tpu.memory_space<hbm>>) target(%dma_start3A_759 : memref<100x128xf32, #tpu.memory_space<vmem>>) offsets(%dma_start3A_762 : memref<100xi32, #tpu.memory_space<vmem>>) semaphore(%arg12 : memref<!tpu.dma_semaphore, #tpu.memory_space<semaphore_mem>>)
      } else {
      }
      %mul3A_406 = arith.constant 4 : i32
      %mul3A_407 = arith.muli %mul3A_406, %scan3A_81 : i32
      %add3A_408 = arith.constant 2 : i32
      %add3A_409 = arith.addi %mul3A_407, %add3A_408 : i32
      %dma_wait3A_410 = arith.constant 2 : i32
      %dma_wait3A_411 = arith.constant 0 : i32
      %dma_wait3A_412 = arith.constant 0 : i32
      %dma_wait3A_413 = tpu.memref_slice %arg9[%dma_wait3A_410, %dma_wait3A_411, %dma_wait3A_412] : memref<4x100x128xf32, #tpu.memory_space<vmem>> -> memref<1x100x128xf32, #tpu.memory_space<vmem>>
      %dma_wait3A_414 = tpu.memref_squeeze %dma_wait3A_413 : memref<1x100x128xf32, #tpu.memory_space<vmem>> -> memref<100x128xf32, #tpu.memory_space<vmem>>
      %dma_wait3A_415 = arith.constant 0 : i32
      %dma_wait3A_416 = tpu.memref_slice %arg7[%add3A_409, %dma_wait3A_415] : memref<64x100xi32, #tpu.memory_space<vmem>> -> memref<1x100xi32, #tpu.memory_space<vmem>>
      %dma_wait3A_417 = tpu.memref_squeeze %dma_wait3A_416 : memref<1x100xi32, #tpu.memory_space<vmem>> -> memref<100xi32, #tpu.memory_space<vmem>>
      %dma_wait3A_418 = arith.constant 0 : i32
      %dma_wait3A_419 = arith.constant 0 : i32
      %dma_wait3A_420 = tpu.memref_slice %arg4[%dma_wait3A_418, %dma_wait3A_419] : memref<100000x128xf32, #tpu.memory_space<hbm>> -> memref<100000x128xf32, #tpu.memory_space<hbm>>
      tpu.wait_indirect_dma semaphore(%arg14 : memref<!tpu.dma_semaphore, #tpu.memory_space<semaphore_mem>>) src(%dma_wait3A_420 : memref<100000x128xf32, #tpu.memory_space<hbm>>) dst(%dma_wait3A_414 : memref<100x128xf32, #tpu.memory_space<vmem>>)
      %dma_wait3A_421 = arith.constant 2 : i32
      %dma_wait3A_422 = arith.constant 0 : i32
      %dma_wait3A_423 = arith.constant 0 : i32
      %dma_wait3A_424 = tpu.memref_slice %arg10[%dma_wait3A_421, %dma_wait3A_422, %dma_wait3A_423] : memref<4x100x128xf32, #tpu.memory_space<vmem>> -> memref<1x100x128xf32, #tpu.memory_space<vmem>>
      %dma_wait3A_425 = tpu.memref_squeeze %dma_wait3A_424 : memref<1x100x128xf32, #tpu.memory_space<vmem>> -> memref<100x128xf32, #tpu.memory_space<vmem>>
      %dma_wait3A_426 = arith.constant 0 : i32
      %dma_wait3A_427 = tpu.memref_slice %arg8[%add3A_409, %dma_wait3A_426] : memref<64x100xi32, #tpu.memory_space<vmem>> -> memref<1x100xi32, #tpu.memory_space<vmem>>
      %dma_wait3A_428 = tpu.memref_squeeze %dma_wait3A_427 : memref<1x100xi32, #tpu.memory_space<vmem>> -> memref<100xi32, #tpu.memory_space<vmem>>
      %dma_wait3A_429 = arith.constant 0 : i32
      %dma_wait3A_430 = arith.constant 0 : i32
      %dma_wait3A_431 = tpu.memref_slice %arg5[%dma_wait3A_429, %dma_wait3A_430] : memref<100000x128xf32, #tpu.memory_space<hbm>> -> memref<100000x128xf32, #tpu.memory_space<hbm>>
      tpu.wait_indirect_dma semaphore(%arg14 : memref<!tpu.dma_semaphore, #tpu.memory_space<semaphore_mem>>) src(%dma_wait3A_431 : memref<100000x128xf32, #tpu.memory_space<hbm>>) dst(%dma_wait3A_425 : memref<100x128xf32, #tpu.memory_space<vmem>>)
      %broadcast_in_dim3A_432 = arith.constant 0.000000e+00 : f32
      %broadcast_in_dim3A_433 = vector.broadcast %broadcast_in_dim3A_432 : f32 to vector<16xf32>
      %broadcast_in_dim3A_434 = arith.constant 0.000000e+00 : f32
      %broadcast_in_dim3A_435 = vector.broadcast %broadcast_in_dim3A_434 : f32 to vector<16xf32>
      %broadcast_in_dim3A_436 = arith.constant 0.000000e+00 : f32
      %broadcast_in_dim3A_437 = vector.broadcast %broadcast_in_dim3A_436 : f32 to vector<16xf32>
      %broadcast_in_dim3A_438 = arith.constant 0.000000e+00 : f32
      %broadcast_in_dim3A_439 = vector.broadcast %broadcast_in_dim3A_438 : f32 to vector<16xf32>
      %broadcast_in_dim3A_440 = arith.constant 0.000000e+00 : f32
      %broadcast_in_dim3A_441 = vector.broadcast %broadcast_in_dim3A_440 : f32 to vector<16xf32>
      %broadcast_in_dim3A_442 = arith.constant 0.000000e+00 : f32
      %broadcast_in_dim3A_443 = vector.broadcast %broadcast_in_dim3A_442 : f32 to vector<16xf32>
      %broadcast_in_dim3A_444 = arith.constant 0.000000e+00 : f32
      %broadcast_in_dim3A_445 = vector.broadcast %broadcast_in_dim3A_444 : f32 to vector<16xf32>
      %broadcast_in_dim3A_446 = arith.constant 0.000000e+00 : f32
      %broadcast_in_dim3A_447 = vector.broadcast %broadcast_in_dim3A_446 : f32 to vector<16xf32>
      %scan3A_448 = arith.constant 0 : i32
      %scan3A_449 = arith.constant 50 : i32
      %scan3A_450 = arith.addi %scan3A_448, %scan3A_449 : i32
      %scan3A_451 = arith.constant 2 : i32
      %scan3A_452:8 = scf.for %scan3A_740 = %scan3A_448 to %scan3A_450 step %scan3A_451 iter_args(%scan3A_741 = %broadcast_in_dim3A_433, %scan3A_742 = %broadcast_in_dim3A_435, %scan3A_743 = %broadcast_in_dim3A_437, %scan3A_744 = %broadcast_in_dim3A_439, %scan3A_745 = %broadcast_in_dim3A_441, %scan3A_746 = %broadcast_in_dim3A_443, %scan3A_747 = %broadcast_in_dim3A_445, %scan3A_748 = %broadcast_in_dim3A_447) -> (vector<16xf32>, vector<16xf32>, vector<16xf32>, vector<16xf32>, vector<16xf32>, vector<16xf32>, vector<16xf32>, vector<16xf32>)  : i32 {
        %add3A_749 = arith.constant 0 : i32
        %add3A_750 = arith.addi %add3A_749, %scan3A_740 : i32
        %get3A = arith.constant 2 : i32
        %get3A_751 = arith.index_cast %get3A : i32 to index
        %get3A_752 = arith.index_cast %add3A_750 : i32 to index
        %get3A_753 = arith.constant 0 : index
        %get3A_754 = tpu.vector_load %arg9[%get3A_751, %get3A_752, %get3A_753] {strides = array<i32>} : memref<4x100x128xf32, #tpu.memory_space<vmem>>, vector<16xf32>,
        %add3A_755 = arith.constant 0 : i32
        %add3A_756 = arith.addi %add3A_755, %scan3A_740 : i32
        %get3A_757 = arith.constant 2 : i32
        %get3A_758 = arith.index_cast %get3A_757 : i32 to index
        %get3A_759 = arith.index_cast %add3A_756 : i32 to index
        %get3A_760 = arith.constant 0 : index
        %get3A_761 = tpu.vector_load %arg10[%get3A_758, %get3A_759, %get3A_760] {strides = array<i32>} : memref<4x100x128xf32, #tpu.memory_space<vmem>>, vector<16xf32>,
        %mul3A_762 = arith.mulf %get3A_754, %get3A_761 : vector<16xf32>
        %add3A_763 = arith.addf %scan3A_741, %mul3A_762 : vector<16xf32>
        %add3A_764 = arith.constant 0 : i32
        %add3A_765 = arith.addi %add3A_764, %scan3A_740 : i32
        %get3A_766 = arith.constant 2 : i32
        %get3A_767 = arith.index_cast %get3A_766 : i32 to index
        %get3A_768 = arith.index_cast %add3A_765 : i32 to index
        %get3A_769 = arith.constant 16 : index
        %get3A_770 = tpu.vector_load %arg9[%get3A_767, %get3A_768, %get3A_769] {strides = array<i32>} : memref<4x100x128xf32, #tpu.memory_space<vmem>>, vector<16xf32>,
        %add3A_771 = arith.constant 0 : i32
        %add3A_772 = arith.addi %add3A_771, %scan3A_740 : i32
        %get3A_773 = arith.constant 2 : i32
        %get3A_774 = arith.index_cast %get3A_773 : i32 to index
        %get3A_775 = arith.index_cast %add3A_772 : i32 to index
        %get3A_776 = arith.constant 16 : index
        %get3A_777 = tpu.vector_load %arg10[%get3A_774, %get3A_775, %get3A_776] {strides = array<i32>} : memref<4x100x128xf32, #tpu.memory_space<vmem>>, vector<16xf32>,
        %mul3A_778 = arith.mulf %get3A_770, %get3A_777 : vector<16xf32>
        %add3A_779 = arith.addf %scan3A_742, %mul3A_778 : vector<16xf32>
        %add3A_780 = arith.constant 0 : i32
        %add3A_781 = arith.addi %add3A_780, %scan3A_740 : i32
        %get3A_782 = arith.constant 2 : i32
        %get3A_783 = arith.index_cast %get3A_782 : i32 to index
        %get3A_784 = arith.index_cast %add3A_781 : i32 to index
        %get3A_785 = arith.constant 32 : index
        %get3A_786 = tpu.vector_load %arg9[%get3A_783, %get3A_784, %get3A_785] {strides = array<i32>} : memref<4x100x128xf32, #tpu.memory_space<vmem>>, vector<16xf32>,
        %add3A_787 = arith.constant 0 : i32
        %add3A_788 = arith.addi %add3A_787, %scan3A_740 : i32
        %get3A_789 = arith.constant 2 : i32
        %get3A_790 = arith.index_cast %get3A_789 : i32 to index
        %get3A_791 = arith.index_cast %add3A_788 : i32 to index
        %get3A_792 = arith.constant 32 : index
        %get3A_793 = tpu.vector_load %arg10[%get3A_790, %get3A_791, %get3A_792] {strides = array<i32>} : memref<4x100x128xf32, #tpu.memory_space<vmem>>, vector<16xf32>,
        %mul3A_794 = arith.mulf %get3A_786, %get3A_793 : vector<16xf32>
        %add3A_795 = arith.addf %scan3A_743, %mul3A_794 : vector<16xf32>
        %add3A_796 = arith.constant 0 : i32
        %add3A_797 = arith.addi %add3A_796, %scan3A_740 : i32
        %get3A_798 = arith.constant 2 : i32
        %get3A_799 = arith.index_cast %get3A_798 : i32 to index
        %get3A_800 = arith.index_cast %add3A_797 : i32 to index
        %get3A_801 = arith.constant 48 : index
        %get3A_802 = tpu.vector_load %arg9[%get3A_799, %get3A_800, %get3A_801] {strides = array<i32>} : memref<4x100x128xf32, #tpu.memory_space<vmem>>, vector<16xf32>,
        %add3A_803 = arith.constant 0 : i32
        %add3A_804 = arith.addi %add3A_803, %scan3A_740 : i32
        %get3A_805 = arith.constant 2 : i32
        %get3A_806 = arith.index_cast %get3A_805 : i32 to index
        %get3A_807 = arith.index_cast %add3A_804 : i32 to index
        %get3A_808 = arith.constant 48 : index
        %get3A_809 = tpu.vector_load %arg10[%get3A_806, %get3A_807, %get3A_808] {strides = array<i32>} : memref<4x100x128xf32, #tpu.memory_space<vmem>>, vector<16xf32>,
        %mul3A_810 = arith.mulf %get3A_802, %get3A_809 : vector<16xf32>
        %add3A_811 = arith.addf %scan3A_744, %mul3A_810 : vector<16xf32>
        %add3A_812 = arith.constant 0 : i32
        %add3A_813 = arith.addi %add3A_812, %scan3A_740 : i32
        %get3A_814 = arith.constant 2 : i32
        %get3A_815 = arith.index_cast %get3A_814 : i32 to index
        %get3A_816 = arith.index_cast %add3A_813 : i32 to index
        %get3A_817 = arith.constant 64 : index
        %get3A_818 = tpu.vector_load %arg9[%get3A_815, %get3A_816, %get3A_817] {strides = array<i32>} : memref<4x100x128xf32, #tpu.memory_space<vmem>>, vector<16xf32>,
        %add3A_819 = arith.constant 0 : i32
        %add3A_820 = arith.addi %add3A_819, %scan3A_740 : i32
        %get3A_821 = arith.constant 2 : i32
        %get3A_822 = arith.index_cast %get3A_821 : i32 to index
        %get3A_823 = arith.index_cast %add3A_820 : i32 to index
        %get3A_824 = arith.constant 64 : index
        %get3A_825 = tpu.vector_load %arg10[%get3A_822, %get3A_823, %get3A_824] {strides = array<i32>} : memref<4x100x128xf32, #tpu.memory_space<vmem>>, vector<16xf32>,
        %mul3A_826 = arith.mulf %get3A_818, %get3A_825 : vector<16xf32>
        %add3A_827 = arith.addf %scan3A_745, %mul3A_826 : vector<16xf32>
        %add3A_828 = arith.constant 0 : i32
        %add3A_829 = arith.addi %add3A_828, %scan3A_740 : i32
        %get3A_830 = arith.constant 2 : i32
        %get3A_831 = arith.index_cast %get3A_830 : i32 to index
        %get3A_832 = arith.index_cast %add3A_829 : i32 to index
        %get3A_833 = arith.constant 80 : index
        %get3A_834 = tpu.vector_load %arg9[%get3A_831, %get3A_832, %get3A_833] {strides = array<i32>} : memref<4x100x128xf32, #tpu.memory_space<vmem>>, vector<16xf32>,
        %add3A_835 = arith.constant 0 : i32
        %add3A_836 = arith.addi %add3A_835, %scan3A_740 : i32
        %get3A_837 = arith.constant 2 : i32
        %get3A_838 = arith.index_cast %get3A_837 : i32 to index
        %get3A_839 = arith.index_cast %add3A_836 : i32 to index
        %get3A_840 = arith.constant 80 : index
        %get3A_841 = tpu.vector_load %arg10[%get3A_838, %get3A_839, %get3A_840] {strides = array<i32>} : memref<4x100x128xf32, #tpu.memory_space<vmem>>, vector<16xf32>,
        %mul3A_842 = arith.mulf %get3A_834, %get3A_841 : vector<16xf32>
        %add3A_843 = arith.addf %scan3A_746, %mul3A_842 : vector<16xf32>
        %add3A_844 = arith.constant 0 : i32
        %add3A_845 = arith.addi %add3A_844, %scan3A_740 : i32
        %get3A_846 = arith.constant 2 : i32
        %get3A_847 = arith.index_cast %get3A_846 : i32 to index
        %get3A_848 = arith.index_cast %add3A_845 : i32 to index
        %get3A_849 = arith.constant 96 : index
        %get3A_850 = tpu.vector_load %arg9[%get3A_847, %get3A_848, %get3A_849] {strides = array<i32>} : memref<4x100x128xf32, #tpu.memory_space<vmem>>, vector<16xf32>,
        %add3A_851 = arith.constant 0 : i32
        %add3A_852 = arith.addi %add3A_851, %scan3A_740 : i32
        %get3A_853 = arith.constant 2 : i32
        %get3A_854 = arith.index_cast %get3A_853 : i32 to index
        %get3A_855 = arith.index_cast %add3A_852 : i32 to index
        %get3A_856 = arith.constant 96 : index
        %get3A_857 = tpu.vector_load %arg10[%get3A_854, %get3A_855, %get3A_856] {strides = array<i32>} : memref<4x100x128xf32, #tpu.memory_space<vmem>>, vector<16xf32>,
        %mul3A_858 = arith.mulf %get3A_850, %get3A_857 : vector<16xf32>
        %add3A_859 = arith.addf %scan3A_747, %mul3A_858 : vector<16xf32>
        %add3A_860 = arith.constant 0 : i32
        %add3A_861 = arith.addi %add3A_860, %scan3A_740 : i32
        %get3A_862 = arith.constant 2 : i32
        %get3A_863 = arith.index_cast %get3A_862 : i32 to index
        %get3A_864 = arith.index_cast %add3A_861 : i32 to index
        %get3A_865 = arith.constant 112 : index
        %get3A_866 = tpu.vector_load %arg9[%get3A_863, %get3A_864, %get3A_865] {strides = array<i32>} : memref<4x100x128xf32, #tpu.memory_space<vmem>>, vector<16xf32>,
        %add3A_867 = arith.constant 0 : i32
        %add3A_868 = arith.addi %add3A_867, %scan3A_740 : i32
        %get3A_869 = arith.constant 2 : i32
        %get3A_870 = arith.index_cast %get3A_869 : i32 to index
        %get3A_871 = arith.index_cast %add3A_868 : i32 to index
        %get3A_872 = arith.constant 112 : index
        %get3A_873 = tpu.vector_load %arg10[%get3A_870, %get3A_871, %get3A_872] {strides = array<i32>} : memref<4x100x128xf32, #tpu.memory_space<vmem>>, vector<16xf32>,
        %mul3A_874 = arith.mulf %get3A_866, %get3A_873 : vector<16xf32>
        %add3A_875 = arith.addf %scan3A_748, %mul3A_874 : vector<16xf32>
        %scan3A_876 = arith.constant 1 : i32
        %scan3A_877 = arith.addi %scan3A_740, %scan3A_876 : i32
        %add3A_878 = arith.constant 0 : i32
        %add3A_879 = arith.addi %add3A_878, %scan3A_877 : i32
        %get3A_880 = arith.constant 2 : i32
        %get3A_881 = arith.index_cast %get3A_880 : i32 to index
        %get3A_882 = arith.index_cast %add3A_879 : i32 to index
        %get3A_883 = arith.constant 0 : index
        %get3A_884 = tpu.vector_load %arg9[%get3A_881, %get3A_882, %get3A_883] {strides = array<i32>} : memref<4x100x128xf32, #tpu.memory_space<vmem>>, vector<16xf32>,
        %add3A_885 = arith.constant 0 : i32
        %add3A_886 = arith.addi %add3A_885, %scan3A_877 : i32
        %get3A_887 = arith.constant 2 : i32
        %get3A_888 = arith.index_cast %get3A_887 : i32 to index
        %get3A_889 = arith.index_cast %add3A_886 : i32 to index
        %get3A_890 = arith.constant 0 : index
        %get3A_891 = tpu.vector_load %arg10[%get3A_888, %get3A_889, %get3A_890] {strides = array<i32>} : memref<4x100x128xf32, #tpu.memory_space<vmem>>, vector<16xf32>,
        %mul3A_892 = arith.mulf %get3A_884, %get3A_891 : vector<16xf32>
        %add3A_893 = arith.addf %add3A_763, %mul3A_892 : vector<16xf32>
        %add3A_894 = arith.constant 0 : i32
        %add3A_895 = arith.addi %add3A_894, %scan3A_877 : i32
        %get3A_896 = arith.constant 2 : i32
        %get3A_897 = arith.index_cast %get3A_896 : i32 to index
        %get3A_898 = arith.index_cast %add3A_895 : i32 to index
        %get3A_899 = arith.constant 16 : index
        %get3A_900 = tpu.vector_load %arg9[%get3A_897, %get3A_898, %get3A_899] {strides = array<i32>} : memref<4x100x128xf32, #tpu.memory_space<vmem>>, vector<16xf32>,
        %add3A_901 = arith.constant 0 : i32
        %add3A_902 = arith.addi %add3A_901, %scan3A_877 : i32
        %get3A_903 = arith.constant 2 : i32
        %get3A_904 = arith.index_cast %get3A_903 : i32 to index
        %get3A_905 = arith.index_cast %add3A_902 : i32 to index
        %get3A_906 = arith.constant 16 : index
        %get3A_907 = tpu.vector_load %arg10[%get3A_904, %get3A_905, %get3A_906] {strides = array<i32>} : memref<4x100x128xf32, #tpu.memory_space<vmem>>, vector<16xf32>,
        %mul3A_908 = arith.mulf %get3A_900, %get3A_907 : vector<16xf32>
        %add3A_909 = arith.addf %add3A_779, %mul3A_908 : vector<16xf32>
        %add3A_910 = arith.constant 0 : i32
        %add3A_911 = arith.addi %add3A_910, %scan3A_877 : i32
        %get3A_912 = arith.constant 2 : i32
        %get3A_913 = arith.index_cast %get3A_912 : i32 to index
        %get3A_914 = arith.index_cast %add3A_911 : i32 to index
        %get3A_915 = arith.constant 32 : index
        %get3A_916 = tpu.vector_load %arg9[%get3A_913, %get3A_914, %get3A_915] {strides = array<i32>} : memref<4x100x128xf32, #tpu.memory_space<vmem>>, vector<16xf32>,
        %add3A_917 = arith.constant 0 : i32
        %add3A_918 = arith.addi %add3A_917, %scan3A_877 : i32
        %get3A_919 = arith.constant 2 : i32
        %get3A_920 = arith.index_cast %get3A_919 : i32 to index
        %get3A_921 = arith.index_cast %add3A_918 : i32 to index
        %get3A_922 = arith.constant 32 : index
        %get3A_923 = tpu.vector_load %arg10[%get3A_920, %get3A_921, %get3A_922] {strides = array<i32>} : memref<4x100x128xf32, #tpu.memory_space<vmem>>, vector<16xf32>,
        %mul3A_924 = arith.mulf %get3A_916, %get3A_923 : vector<16xf32>
        %add3A_925 = arith.addf %add3A_795, %mul3A_924 : vector<16xf32>
        %add3A_926 = arith.constant 0 : i32
        %add3A_927 = arith.addi %add3A_926, %scan3A_877 : i32
        %get3A_928 = arith.constant 2 : i32
        %get3A_929 = arith.index_cast %get3A_928 : i32 to index
        %get3A_930 = arith.index_cast %add3A_927 : i32 to index
        %get3A_931 = arith.constant 48 : index
        %get3A_932 = tpu.vector_load %arg9[%get3A_929, %get3A_930, %get3A_931] {strides = array<i32>} : memref<4x100x128xf32, #tpu.memory_space<vmem>>, vector<16xf32>,
        %add3A_933 = arith.constant 0 : i32
        %add3A_934 = arith.addi %add3A_933, %scan3A_877 : i32
        %get3A_935 = arith.constant 2 : i32
        %get3A_936 = arith.index_cast %get3A_935 : i32 to index
        %get3A_937 = arith.index_cast %add3A_934 : i32 to index
        %get3A_938 = arith.constant 48 : index
        %get3A_939 = tpu.vector_load %arg10[%get3A_936, %get3A_937, %get3A_938] {strides = array<i32>} : memref<4x100x128xf32, #tpu.memory_space<vmem>>, vector<16xf32>,
        %mul3A_940 = arith.mulf %get3A_932, %get3A_939 : vector<16xf32>
        %add3A_941 = arith.addf %add3A_811, %mul3A_940 : vector<16xf32>
        %add3A_942 = arith.constant 0 : i32
        %add3A_943 = arith.addi %add3A_942, %scan3A_877 : i32
        %get3A_944 = arith.constant 2 : i32
        %get3A_945 = arith.index_cast %get3A_944 : i32 to index
        %get3A_946 = arith.index_cast %add3A_943 : i32 to index
        %get3A_947 = arith.constant 64 : index
        %get3A_948 = tpu.vector_load %arg9[%get3A_945, %get3A_946, %get3A_947] {strides = array<i32>} : memref<4x100x128xf32, #tpu.memory_space<vmem>>, vector<16xf32>,
        %add3A_949 = arith.constant 0 : i32
        %add3A_950 = arith.addi %add3A_949, %scan3A_877 : i32
        %get3A_951 = arith.constant 2 : i32
        %get3A_952 = arith.index_cast %get3A_951 : i32 to index
        %get3A_953 = arith.index_cast %add3A_950 : i32 to index
        %get3A_954 = arith.constant 64 : index
        %get3A_955 = tpu.vector_load %arg10[%get3A_952, %get3A_953, %get3A_954] {strides = array<i32>} : memref<4x100x128xf32, #tpu.memory_space<vmem>>, vector<16xf32>,
        %mul3A_956 = arith.mulf %get3A_948, %get3A_955 : vector<16xf32>
        %add3A_957 = arith.addf %add3A_827, %mul3A_956 : vector<16xf32>
        %add3A_958 = arith.constant 0 : i32
        %add3A_959 = arith.addi %add3A_958, %scan3A_877 : i32
        %get3A_960 = arith.constant 2 : i32
        %get3A_961 = arith.index_cast %get3A_960 : i32 to index
        %get3A_962 = arith.index_cast %add3A_959 : i32 to index
        %get3A_963 = arith.constant 80 : index
        %get3A_964 = tpu.vector_load %arg9[%get3A_961, %get3A_962, %get3A_963] {strides = array<i32>} : memref<4x100x128xf32, #tpu.memory_space<vmem>>, vector<16xf32>,
        %add3A_965 = arith.constant 0 : i32
        %add3A_966 = arith.addi %add3A_965, %scan3A_877 : i32
        %get3A_967 = arith.constant 2 : i32
        %get3A_968 = arith.index_cast %get3A_967 : i32 to index
        %get3A_969 = arith.index_cast %add3A_966 : i32 to index
        %get3A_970 = arith.constant 80 : index
        %get3A_971 = tpu.vector_load %arg10[%get3A_968, %get3A_969, %get3A_970] {strides = array<i32>} : memref<4x100x128xf32, #tpu.memory_space<vmem>>, vector<16xf32>,
        %mul3A_972 = arith.mulf %get3A_964, %get3A_971 : vector<16xf32>
        %add3A_973 = arith.addf %add3A_843, %mul3A_972 : vector<16xf32>
        %add3A_974 = arith.constant 0 : i32
        %add3A_975 = arith.addi %add3A_974, %scan3A_877 : i32
        %get3A_976 = arith.constant 2 : i32
        %get3A_977 = arith.index_cast %get3A_976 : i32 to index
        %get3A_978 = arith.index_cast %add3A_975 : i32 to index
        %get3A_979 = arith.constant 96 : index
        %get3A_980 = tpu.vector_load %arg9[%get3A_977, %get3A_978, %get3A_979] {strides = array<i32>} : memref<4x100x128xf32, #tpu.memory_space<vmem>>, vector<16xf32>,
        %add3A_981 = arith.constant 0 : i32
        %add3A_982 = arith.addi %add3A_981, %scan3A_877 : i32
        %get3A_983 = arith.constant 2 : i32
        %get3A_984 = arith.index_cast %get3A_983 : i32 to index
        %get3A_985 = arith.index_cast %add3A_982 : i32 to index
        %get3A_986 = arith.constant 96 : index
        %get3A_987 = tpu.vector_load %arg10[%get3A_984, %get3A_985, %get3A_986] {strides = array<i32>} : memref<4x100x128xf32, #tpu.memory_space<vmem>>, vector<16xf32>,
        %mul3A_988 = arith.mulf %get3A_980, %get3A_987 : vector<16xf32>
        %add3A_989 = arith.addf %add3A_859, %mul3A_988 : vector<16xf32>
        %add3A_990 = arith.constant 0 : i32
        %add3A_991 = arith.addi %add3A_990, %scan3A_877 : i32
        %get3A_992 = arith.constant 2 : i32
        %get3A_993 = arith.index_cast %get3A_992 : i32 to index
        %get3A_994 = arith.index_cast %add3A_991 : i32 to index
        %get3A_995 = arith.constant 112 : index
        %get3A_996 = tpu.vector_load %arg9[%get3A_993, %get3A_994, %get3A_995] {strides = array<i32>} : memref<4x100x128xf32, #tpu.memory_space<vmem>>, vector<16xf32>,
        %add3A_997 = arith.constant 0 : i32
        %add3A_998 = arith.addi %add3A_997, %scan3A_877 : i32
        %get3A_999 = arith.constant 2 : i32
        %get3A_1000 = arith.index_cast %get3A_999 : i32 to index
        %get3A_1001 = arith.index_cast %add3A_998 : i32 to index
        %get3A_1002 = arith.constant 112 : index
        %get3A_1003 = tpu.vector_load %arg10[%get3A_1000, %get3A_1001, %get3A_1002] {strides = array<i32>} : memref<4x100x128xf32, #tpu.memory_space<vmem>>, vector<16xf32>,
        %mul3A_1004 = arith.mulf %get3A_996, %get3A_1003 : vector<16xf32>
        %add3A_1005 = arith.addf %add3A_875, %mul3A_1004 : vector<16xf32>
        scf.yield %add3A_893, %add3A_909, %add3A_925, %add3A_941, %add3A_957, %add3A_973, %add3A_989, %add3A_1005 : vector<16xf32>, vector<16xf32>, vector<16xf32>, vector<16xf32>, vector<16xf32>, vector<16xf32>, vector<16xf32>, vector<16xf32>
      }
      %scan3A_453 = arith.constant 50 : i32
      %add3A_454 = arith.addf %scan3A_452#0, %scan3A_452#1 : vector<16xf32>
      %add3A_455 = arith.addf %scan3A_452#2, %scan3A_452#3 : vector<16xf32>
      %add3A_456 = arith.addf %add3A_454, %add3A_455 : vector<16xf32>
      %add3A_457 = arith.addf %scan3A_452#4, %scan3A_452#5 : vector<16xf32>
      %add3A_458 = arith.addf %scan3A_452#6, %scan3A_452#7 : vector<16xf32>
      %add3A_459 = arith.addf %add3A_457, %add3A_458 : vector<16xf32>
      %add3A_460 = arith.addf %add3A_456, %add3A_459 : vector<16xf32>
      %iota3A_461 = tpu.iota {dimensions = array<i32: 0>} : vector<16xi32>
      %xor3A_462 = arith.constant 1 : i32
      %xor3A_463 = vector.broadcast %xor3A_462 : i32 to vector<16xi32>
      %xor3A_464 = arith.xori %iota3A_461, %xor3A_463 : vector<16xi32>
      %broadcast_in_dim3A_465 = vector.shape_cast %xor3A_464 : vector<16xi32> to vector<16x1xi32>
      %gather3A_466 = vector.shape_cast %broadcast_in_dim3A_465 : vector<16x1xi32> to vector<16xi32>
      %gather3A_467 = tpu.dynamic_gather %add3A_460[%gather3A_466] in [0] : vector<16xf32>, vector<16xi32> -> vector<16xf32>
      %add3A_468 = arith.addf %add3A_460, %gather3A_467 : vector<16xf32>
      %xor3A_469 = arith.constant 2 : i32
      %xor3A_470 = vector.broadcast %xor3A_469 : i32 to vector<16xi32>
      %xor3A_471 = arith.xori %iota3A_461, %xor3A_470 : vector<16xi32>
      %broadcast_in_dim3A_472 = vector.shape_cast %xor3A_471 : vector<16xi32> to vector<16x1xi32>
      %gather3A_473 = vector.shape_cast %broadcast_in_dim3A_472 : vector<16x1xi32> to vector<16xi32>
      %gather3A_474 = tpu.dynamic_gather %add3A_468[%gather3A_473] in [0] : vector<16xf32>, vector<16xi32> -> vector<16xf32>
      %add3A_475 = arith.addf %add3A_468, %gather3A_474 : vector<16xf32>
      %xor3A_476 = arith.constant 4 : i32
      %xor3A_477 = vector.broadcast %xor3A_476 : i32 to vector<16xi32>
      %xor3A_478 = arith.xori %iota3A_461, %xor3A_477 : vector<16xi32>
      %broadcast_in_dim3A_479 = vector.shape_cast %xor3A_478 : vector<16xi32> to vector<16x1xi32>
      %gather3A_480 = vector.shape_cast %broadcast_in_dim3A_479 : vector<16x1xi32> to vector<16xi32>
      %gather3A_481 = tpu.dynamic_gather %add3A_475[%gather3A_480] in [0] : vector<16xf32>, vector<16xi32> -> vector<16xf32>
      %add3A_482 = arith.addf %add3A_475, %gather3A_481 : vector<16xf32>
      %xor3A_483 = arith.constant 8 : i32
      %xor3A_484 = vector.broadcast %xor3A_483 : i32 to vector<16xi32>
      %xor3A_485 = arith.xori %iota3A_461, %xor3A_484 : vector<16xi32>
      %broadcast_in_dim3A_486 = vector.shape_cast %xor3A_485 : vector<16xi32> to vector<16x1xi32>
      %gather3A_487 = vector.shape_cast %broadcast_in_dim3A_486 : vector<16x1xi32> to vector<16xi32>
      %gather3A_488 = tpu.dynamic_gather %add3A_482[%gather3A_487] in [0] : vector<16xf32>, vector<16xi32> -> vector<16xf32>
      %add3A_489 = arith.addf %add3A_482, %gather3A_488 : vector<16xf32>
      %mul3A_490 = arith.constant 2 : i32
      %mul3A_491 = arith.muli %mul3A_490, %add3A_409 : i32
      %add3A_492 = arith.constant 0 : i32
      %add3A_493 = arith.addi %mul3A_491, %add3A_492 : i32
      %broadcast_in_dim3A_494 = vector.broadcast %add3A_493 : i32 to vector<16xi32>
      %eq3A_495 = arith.constant 0 : i32
      %eq3A_496 = vector.broadcast %eq3A_495 : i32 to vector<16xi32>
      %eq3A_497 = arith.cmpi eq, %iota3A_461, %eq3A_496 : vector<16xi32>
      tpu.vector_store_idx %arg11[%broadcast_in_dim3A_494], %add3A_489 masked %eq3A_497 : memref<128xf32, #tpu.memory_space<vmem>>[vector<16xi32>], vector<16xf32>, vector<16xi1>
      %broadcast_in_dim3A_498 = arith.constant 0.000000e+00 : f32
      %broadcast_in_dim3A_499 = vector.broadcast %broadcast_in_dim3A_498 : f32 to vector<16xf32>
      %broadcast_in_dim3A_500 = arith.constant 0.000000e+00 : f32
      %broadcast_in_dim3A_501 = vector.broadcast %broadcast_in_dim3A_500 : f32 to vector<16xf32>
      %broadcast_in_dim3A_502 = arith.constant 0.000000e+00 : f32
      %broadcast_in_dim3A_503 = vector.broadcast %broadcast_in_dim3A_502 : f32 to vector<16xf32>
      %broadcast_in_dim3A_504 = arith.constant 0.000000e+00 : f32
      %broadcast_in_dim3A_505 = vector.broadcast %broadcast_in_dim3A_504 : f32 to vector<16xf32>
      %broadcast_in_dim3A_506 = arith.constant 0.000000e+00 : f32
      %broadcast_in_dim3A_507 = vector.broadcast %broadcast_in_dim3A_506 : f32 to vector<16xf32>
      %broadcast_in_dim3A_508 = arith.constant 0.000000e+00 : f32
      %broadcast_in_dim3A_509 = vector.broadcast %broadcast_in_dim3A_508 : f32 to vector<16xf32>
      %broadcast_in_dim3A_510 = arith.constant 0.000000e+00 : f32
      %broadcast_in_dim3A_511 = vector.broadcast %broadcast_in_dim3A_510 : f32 to vector<16xf32>
      %broadcast_in_dim3A_512 = arith.constant 0.000000e+00 : f32
      %broadcast_in_dim3A_513 = vector.broadcast %broadcast_in_dim3A_512 : f32 to vector<16xf32>
      %scan3A_514 = arith.constant 0 : i32
      %scan3A_515 = arith.constant 50 : i32
      %scan3A_516 = arith.addi %scan3A_514, %scan3A_515 : i32
      %scan3A_517 = arith.constant 2 : i32
      %scan3A_518:8 = scf.for %scan3A_740 = %scan3A_514 to %scan3A_516 step %scan3A_517 iter_args(%scan3A_741 = %broadcast_in_dim3A_499, %scan3A_742 = %broadcast_in_dim3A_501, %scan3A_743 = %broadcast_in_dim3A_503, %scan3A_744 = %broadcast_in_dim3A_505, %scan3A_745 = %broadcast_in_dim3A_507, %scan3A_746 = %broadcast_in_dim3A_509, %scan3A_747 = %broadcast_in_dim3A_511, %scan3A_748 = %broadcast_in_dim3A_513) -> (vector<16xf32>, vector<16xf32>, vector<16xf32>, vector<16xf32>, vector<16xf32>, vector<16xf32>, vector<16xf32>, vector<16xf32>)  : i32 {
        %add3A_749 = arith.constant 50 : i32
        %add3A_750 = arith.addi %add3A_749, %scan3A_740 : i32
        %get3A = arith.constant 2 : i32
        %get3A_751 = arith.index_cast %get3A : i32 to index
        %get3A_752 = arith.index_cast %add3A_750 : i32 to index
        %get3A_753 = arith.constant 0 : index
        %get3A_754 = tpu.vector_load %arg9[%get3A_751, %get3A_752, %get3A_753] {strides = array<i32>} : memref<4x100x128xf32, #tpu.memory_space<vmem>>, vector<16xf32>,
        %add3A_755 = arith.constant 50 : i32
        %add3A_756 = arith.addi %add3A_755, %scan3A_740 : i32
        %get3A_757 = arith.constant 2 : i32
        %get3A_758 = arith.index_cast %get3A_757 : i32 to index
        %get3A_759 = arith.index_cast %add3A_756 : i32 to index
        %get3A_760 = arith.constant 0 : index
        %get3A_761 = tpu.vector_load %arg10[%get3A_758, %get3A_759, %get3A_760] {strides = array<i32>} : memref<4x100x128xf32, #tpu.memory_space<vmem>>, vector<16xf32>,
        %mul3A_762 = arith.mulf %get3A_754, %get3A_761 : vector<16xf32>
        %add3A_763 = arith.addf %scan3A_741, %mul3A_762 : vector<16xf32>
        %add3A_764 = arith.constant 50 : i32
        %add3A_765 = arith.addi %add3A_764, %scan3A_740 : i32
        %get3A_766 = arith.constant 2 : i32
        %get3A_767 = arith.index_cast %get3A_766 : i32 to index
        %get3A_768 = arith.index_cast %add3A_765 : i32 to index
        %get3A_769 = arith.constant 16 : index
        %get3A_770 = tpu.vector_load %arg9[%get3A_767, %get3A_768, %get3A_769] {strides = array<i32>} : memref<4x100x128xf32, #tpu.memory_space<vmem>>, vector<16xf32>,
        %add3A_771 = arith.constant 50 : i32
        %add3A_772 = arith.addi %add3A_771, %scan3A_740 : i32
        %get3A_773 = arith.constant 2 : i32
        %get3A_774 = arith.index_cast %get3A_773 : i32 to index
        %get3A_775 = arith.index_cast %add3A_772 : i32 to index
        %get3A_776 = arith.constant 16 : index
        %get3A_777 = tpu.vector_load %arg10[%get3A_774, %get3A_775, %get3A_776] {strides = array<i32>} : memref<4x100x128xf32, #tpu.memory_space<vmem>>, vector<16xf32>,
        %mul3A_778 = arith.mulf %get3A_770, %get3A_777 : vector<16xf32>
        %add3A_779 = arith.addf %scan3A_742, %mul3A_778 : vector<16xf32>
        %add3A_780 = arith.constant 50 : i32
        %add3A_781 = arith.addi %add3A_780, %scan3A_740 : i32
        %get3A_782 = arith.constant 2 : i32
        %get3A_783 = arith.index_cast %get3A_782 : i32 to index
        %get3A_784 = arith.index_cast %add3A_781 : i32 to index
        %get3A_785 = arith.constant 32 : index
        %get3A_786 = tpu.vector_load %arg9[%get3A_783, %get3A_784, %get3A_785] {strides = array<i32>} : memref<4x100x128xf32, #tpu.memory_space<vmem>>, vector<16xf32>,
        %add3A_787 = arith.constant 50 : i32
        %add3A_788 = arith.addi %add3A_787, %scan3A_740 : i32
        %get3A_789 = arith.constant 2 : i32
        %get3A_790 = arith.index_cast %get3A_789 : i32 to index
        %get3A_791 = arith.index_cast %add3A_788 : i32 to index
        %get3A_792 = arith.constant 32 : index
        %get3A_793 = tpu.vector_load %arg10[%get3A_790, %get3A_791, %get3A_792] {strides = array<i32>} : memref<4x100x128xf32, #tpu.memory_space<vmem>>, vector<16xf32>,
        %mul3A_794 = arith.mulf %get3A_786, %get3A_793 : vector<16xf32>
        %add3A_795 = arith.addf %scan3A_743, %mul3A_794 : vector<16xf32>
        %add3A_796 = arith.constant 50 : i32
        %add3A_797 = arith.addi %add3A_796, %scan3A_740 : i32
        %get3A_798 = arith.constant 2 : i32
        %get3A_799 = arith.index_cast %get3A_798 : i32 to index
        %get3A_800 = arith.index_cast %add3A_797 : i32 to index
        %get3A_801 = arith.constant 48 : index
        %get3A_802 = tpu.vector_load %arg9[%get3A_799, %get3A_800, %get3A_801] {strides = array<i32>} : memref<4x100x128xf32, #tpu.memory_space<vmem>>, vector<16xf32>,
        %add3A_803 = arith.constant 50 : i32
        %add3A_804 = arith.addi %add3A_803, %scan3A_740 : i32
        %get3A_805 = arith.constant 2 : i32
        %get3A_806 = arith.index_cast %get3A_805 : i32 to index
        %get3A_807 = arith.index_cast %add3A_804 : i32 to index
        %get3A_808 = arith.constant 48 : index
        %get3A_809 = tpu.vector_load %arg10[%get3A_806, %get3A_807, %get3A_808] {strides = array<i32>} : memref<4x100x128xf32, #tpu.memory_space<vmem>>, vector<16xf32>,
        %mul3A_810 = arith.mulf %get3A_802, %get3A_809 : vector<16xf32>
        %add3A_811 = arith.addf %scan3A_744, %mul3A_810 : vector<16xf32>
        %add3A_812 = arith.constant 50 : i32
        %add3A_813 = arith.addi %add3A_812, %scan3A_740 : i32
        %get3A_814 = arith.constant 2 : i32
        %get3A_815 = arith.index_cast %get3A_814 : i32 to index
        %get3A_816 = arith.index_cast %add3A_813 : i32 to index
        %get3A_817 = arith.constant 64 : index
        %get3A_818 = tpu.vector_load %arg9[%get3A_815, %get3A_816, %get3A_817] {strides = array<i32>} : memref<4x100x128xf32, #tpu.memory_space<vmem>>, vector<16xf32>,
        %add3A_819 = arith.constant 50 : i32
        %add3A_820 = arith.addi %add3A_819, %scan3A_740 : i32
        %get3A_821 = arith.constant 2 : i32
        %get3A_822 = arith.index_cast %get3A_821 : i32 to index
        %get3A_823 = arith.index_cast %add3A_820 : i32 to index
        %get3A_824 = arith.constant 64 : index
        %get3A_825 = tpu.vector_load %arg10[%get3A_822, %get3A_823, %get3A_824] {strides = array<i32>} : memref<4x100x128xf32, #tpu.memory_space<vmem>>, vector<16xf32>,
        %mul3A_826 = arith.mulf %get3A_818, %get3A_825 : vector<16xf32>
        %add3A_827 = arith.addf %scan3A_745, %mul3A_826 : vector<16xf32>
        %add3A_828 = arith.constant 50 : i32
        %add3A_829 = arith.addi %add3A_828, %scan3A_740 : i32
        %get3A_830 = arith.constant 2 : i32
        %get3A_831 = arith.index_cast %get3A_830 : i32 to index
        %get3A_832 = arith.index_cast %add3A_829 : i32 to index
        %get3A_833 = arith.constant 80 : index
        %get3A_834 = tpu.vector_load %arg9[%get3A_831, %get3A_832, %get3A_833] {strides = array<i32>} : memref<4x100x128xf32, #tpu.memory_space<vmem>>, vector<16xf32>,
        %add3A_835 = arith.constant 50 : i32
        %add3A_836 = arith.addi %add3A_835, %scan3A_740 : i32
        %get3A_837 = arith.constant 2 : i32
        %get3A_838 = arith.index_cast %get3A_837 : i32 to index
        %get3A_839 = arith.index_cast %add3A_836 : i32 to index
        %get3A_840 = arith.constant 80 : index
        %get3A_841 = tpu.vector_load %arg10[%get3A_838, %get3A_839, %get3A_840] {strides = array<i32>} : memref<4x100x128xf32, #tpu.memory_space<vmem>>, vector<16xf32>,
        %mul3A_842 = arith.mulf %get3A_834, %get3A_841 : vector<16xf32>
        %add3A_843 = arith.addf %scan3A_746, %mul3A_842 : vector<16xf32>
        %add3A_844 = arith.constant 50 : i32
        %add3A_845 = arith.addi %add3A_844, %scan3A_740 : i32
        %get3A_846 = arith.constant 2 : i32
        %get3A_847 = arith.index_cast %get3A_846 : i32 to index
        %get3A_848 = arith.index_cast %add3A_845 : i32 to index
        %get3A_849 = arith.constant 96 : index
        %get3A_850 = tpu.vector_load %arg9[%get3A_847, %get3A_848, %get3A_849] {strides = array<i32>} : memref<4x100x128xf32, #tpu.memory_space<vmem>>, vector<16xf32>,
        %add3A_851 = arith.constant 50 : i32
        %add3A_852 = arith.addi %add3A_851, %scan3A_740 : i32
        %get3A_853 = arith.constant 2 : i32
        %get3A_854 = arith.index_cast %get3A_853 : i32 to index
        %get3A_855 = arith.index_cast %add3A_852 : i32 to index
        %get3A_856 = arith.constant 96 : index
        %get3A_857 = tpu.vector_load %arg10[%get3A_854, %get3A_855, %get3A_856] {strides = array<i32>} : memref<4x100x128xf32, #tpu.memory_space<vmem>>, vector<16xf32>,
        %mul3A_858 = arith.mulf %get3A_850, %get3A_857 : vector<16xf32>
        %add3A_859 = arith.addf %scan3A_747, %mul3A_858 : vector<16xf32>
        %add3A_860 = arith.constant 50 : i32
        %add3A_861 = arith.addi %add3A_860, %scan3A_740 : i32
        %get3A_862 = arith.constant 2 : i32
        %get3A_863 = arith.index_cast %get3A_862 : i32 to index
        %get3A_864 = arith.index_cast %add3A_861 : i32 to index
        %get3A_865 = arith.constant 112 : index
        %get3A_866 = tpu.vector_load %arg9[%get3A_863, %get3A_864, %get3A_865] {strides = array<i32>} : memref<4x100x128xf32, #tpu.memory_space<vmem>>, vector<16xf32>,
        %add3A_867 = arith.constant 50 : i32
        %add3A_868 = arith.addi %add3A_867, %scan3A_740 : i32
        %get3A_869 = arith.constant 2 : i32
        %get3A_870 = arith.index_cast %get3A_869 : i32 to index
        %get3A_871 = arith.index_cast %add3A_868 : i32 to index
        %get3A_872 = arith.constant 112 : index
        %get3A_873 = tpu.vector_load %arg10[%get3A_870, %get3A_871, %get3A_872] {strides = array<i32>} : memref<4x100x128xf32, #tpu.memory_space<vmem>>, vector<16xf32>,
        %mul3A_874 = arith.mulf %get3A_866, %get3A_873 : vector<16xf32>
        %add3A_875 = arith.addf %scan3A_748, %mul3A_874 : vector<16xf32>
        %scan3A_876 = arith.constant 1 : i32
        %scan3A_877 = arith.addi %scan3A_740, %scan3A_876 : i32
        %add3A_878 = arith.constant 50 : i32
        %add3A_879 = arith.addi %add3A_878, %scan3A_877 : i32
        %get3A_880 = arith.constant 2 : i32
        %get3A_881 = arith.index_cast %get3A_880 : i32 to index
        %get3A_882 = arith.index_cast %add3A_879 : i32 to index
        %get3A_883 = arith.constant 0 : index
        %get3A_884 = tpu.vector_load %arg9[%get3A_881, %get3A_882, %get3A_883] {strides = array<i32>} : memref<4x100x128xf32, #tpu.memory_space<vmem>>, vector<16xf32>,
        %add3A_885 = arith.constant 50 : i32
        %add3A_886 = arith.addi %add3A_885, %scan3A_877 : i32
        %get3A_887 = arith.constant 2 : i32
        %get3A_888 = arith.index_cast %get3A_887 : i32 to index
        %get3A_889 = arith.index_cast %add3A_886 : i32 to index
        %get3A_890 = arith.constant 0 : index
        %get3A_891 = tpu.vector_load %arg10[%get3A_888, %get3A_889, %get3A_890] {strides = array<i32>} : memref<4x100x128xf32, #tpu.memory_space<vmem>>, vector<16xf32>,
        %mul3A_892 = arith.mulf %get3A_884, %get3A_891 : vector<16xf32>
        %add3A_893 = arith.addf %add3A_763, %mul3A_892 : vector<16xf32>
        %add3A_894 = arith.constant 50 : i32
        %add3A_895 = arith.addi %add3A_894, %scan3A_877 : i32
        %get3A_896 = arith.constant 2 : i32
        %get3A_897 = arith.index_cast %get3A_896 : i32 to index
        %get3A_898 = arith.index_cast %add3A_895 : i32 to index
        %get3A_899 = arith.constant 16 : index
        %get3A_900 = tpu.vector_load %arg9[%get3A_897, %get3A_898, %get3A_899] {strides = array<i32>} : memref<4x100x128xf32, #tpu.memory_space<vmem>>, vector<16xf32>,
        %add3A_901 = arith.constant 50 : i32
        %add3A_902 = arith.addi %add3A_901, %scan3A_877 : i32
        %get3A_903 = arith.constant 2 : i32
        %get3A_904 = arith.index_cast %get3A_903 : i32 to index
        %get3A_905 = arith.index_cast %add3A_902 : i32 to index
        %get3A_906 = arith.constant 16 : index
        %get3A_907 = tpu.vector_load %arg10[%get3A_904, %get3A_905, %get3A_906] {strides = array<i32>} : memref<4x100x128xf32, #tpu.memory_space<vmem>>, vector<16xf32>,
        %mul3A_908 = arith.mulf %get3A_900, %get3A_907 : vector<16xf32>
        %add3A_909 = arith.addf %add3A_779, %mul3A_908 : vector<16xf32>
        %add3A_910 = arith.constant 50 : i32
        %add3A_911 = arith.addi %add3A_910, %scan3A_877 : i32
        %get3A_912 = arith.constant 2 : i32
        %get3A_913 = arith.index_cast %get3A_912 : i32 to index
        %get3A_914 = arith.index_cast %add3A_911 : i32 to index
        %get3A_915 = arith.constant 32 : index
        %get3A_916 = tpu.vector_load %arg9[%get3A_913, %get3A_914, %get3A_915] {strides = array<i32>} : memref<4x100x128xf32, #tpu.memory_space<vmem>>, vector<16xf32>,
        %add3A_917 = arith.constant 50 : i32
        %add3A_918 = arith.addi %add3A_917, %scan3A_877 : i32
        %get3A_919 = arith.constant 2 : i32
        %get3A_920 = arith.index_cast %get3A_919 : i32 to index
        %get3A_921 = arith.index_cast %add3A_918 : i32 to index
        %get3A_922 = arith.constant 32 : index
        %get3A_923 = tpu.vector_load %arg10[%get3A_920, %get3A_921, %get3A_922] {strides = array<i32>} : memref<4x100x128xf32, #tpu.memory_space<vmem>>, vector<16xf32>,
        %mul3A_924 = arith.mulf %get3A_916, %get3A_923 : vector<16xf32>
        %add3A_925 = arith.addf %add3A_795, %mul3A_924 : vector<16xf32>
        %add3A_926 = arith.constant 50 : i32
        %add3A_927 = arith.addi %add3A_926, %scan3A_877 : i32
        %get3A_928 = arith.constant 2 : i32
        %get3A_929 = arith.index_cast %get3A_928 : i32 to index
        %get3A_930 = arith.index_cast %add3A_927 : i32 to index
        %get3A_931 = arith.constant 48 : index
        %get3A_932 = tpu.vector_load %arg9[%get3A_929, %get3A_930, %get3A_931] {strides = array<i32>} : memref<4x100x128xf32, #tpu.memory_space<vmem>>, vector<16xf32>,
        %add3A_933 = arith.constant 50 : i32
        %add3A_934 = arith.addi %add3A_933, %scan3A_877 : i32
        %get3A_935 = arith.constant 2 : i32
        %get3A_936 = arith.index_cast %get3A_935 : i32 to index
        %get3A_937 = arith.index_cast %add3A_934 : i32 to index
        %get3A_938 = arith.constant 48 : index
        %get3A_939 = tpu.vector_load %arg10[%get3A_936, %get3A_937, %get3A_938] {strides = array<i32>} : memref<4x100x128xf32, #tpu.memory_space<vmem>>, vector<16xf32>,
        %mul3A_940 = arith.mulf %get3A_932, %get3A_939 : vector<16xf32>
        %add3A_941 = arith.addf %add3A_811, %mul3A_940 : vector<16xf32>
        %add3A_942 = arith.constant 50 : i32
        %add3A_943 = arith.addi %add3A_942, %scan3A_877 : i32
        %get3A_944 = arith.constant 2 : i32
        %get3A_945 = arith.index_cast %get3A_944 : i32 to index
        %get3A_946 = arith.index_cast %add3A_943 : i32 to index
        %get3A_947 = arith.constant 64 : index
        %get3A_948 = tpu.vector_load %arg9[%get3A_945, %get3A_946, %get3A_947] {strides = array<i32>} : memref<4x100x128xf32, #tpu.memory_space<vmem>>, vector<16xf32>,
        %add3A_949 = arith.constant 50 : i32
        %add3A_950 = arith.addi %add3A_949, %scan3A_877 : i32
        %get3A_951 = arith.constant 2 : i32
        %get3A_952 = arith.index_cast %get3A_951 : i32 to index
        %get3A_953 = arith.index_cast %add3A_950 : i32 to index
        %get3A_954 = arith.constant 64 : index
        %get3A_955 = tpu.vector_load %arg10[%get3A_952, %get3A_953, %get3A_954] {strides = array<i32>} : memref<4x100x128xf32, #tpu.memory_space<vmem>>, vector<16xf32>,
        %mul3A_956 = arith.mulf %get3A_948, %get3A_955 : vector<16xf32>
        %add3A_957 = arith.addf %add3A_827, %mul3A_956 : vector<16xf32>
        %add3A_958 = arith.constant 50 : i32
        %add3A_959 = arith.addi %add3A_958, %scan3A_877 : i32
        %get3A_960 = arith.constant 2 : i32
        %get3A_961 = arith.index_cast %get3A_960 : i32 to index
        %get3A_962 = arith.index_cast %add3A_959 : i32 to index
        %get3A_963 = arith.constant 80 : index
        %get3A_964 = tpu.vector_load %arg9[%get3A_961, %get3A_962, %get3A_963] {strides = array<i32>} : memref<4x100x128xf32, #tpu.memory_space<vmem>>, vector<16xf32>,
        %add3A_965 = arith.constant 50 : i32
        %add3A_966 = arith.addi %add3A_965, %scan3A_877 : i32
        %get3A_967 = arith.constant 2 : i32
        %get3A_968 = arith.index_cast %get3A_967 : i32 to index
        %get3A_969 = arith.index_cast %add3A_966 : i32 to index
        %get3A_970 = arith.constant 80 : index
        %get3A_971 = tpu.vector_load %arg10[%get3A_968, %get3A_969, %get3A_970] {strides = array<i32>} : memref<4x100x128xf32, #tpu.memory_space<vmem>>, vector<16xf32>,
        %mul3A_972 = arith.mulf %get3A_964, %get3A_971 : vector<16xf32>
        %add3A_973 = arith.addf %add3A_843, %mul3A_972 : vector<16xf32>
        %add3A_974 = arith.constant 50 : i32
        %add3A_975 = arith.addi %add3A_974, %scan3A_877 : i32
        %get3A_976 = arith.constant 2 : i32
        %get3A_977 = arith.index_cast %get3A_976 : i32 to index
        %get3A_978 = arith.index_cast %add3A_975 : i32 to index
        %get3A_979 = arith.constant 96 : index
        %get3A_980 = tpu.vector_load %arg9[%get3A_977, %get3A_978, %get3A_979] {strides = array<i32>} : memref<4x100x128xf32, #tpu.memory_space<vmem>>, vector<16xf32>,
        %add3A_981 = arith.constant 50 : i32
        %add3A_982 = arith.addi %add3A_981, %scan3A_877 : i32
        %get3A_983 = arith.constant 2 : i32
        %get3A_984 = arith.index_cast %get3A_983 : i32 to index
        %get3A_985 = arith.index_cast %add3A_982 : i32 to index
        %get3A_986 = arith.constant 96 : index
        %get3A_987 = tpu.vector_load %arg10[%get3A_984, %get3A_985, %get3A_986] {strides = array<i32>} : memref<4x100x128xf32, #tpu.memory_space<vmem>>, vector<16xf32>,
        %mul3A_988 = arith.mulf %get3A_980, %get3A_987 : vector<16xf32>
        %add3A_989 = arith.addf %add3A_859, %mul3A_988 : vector<16xf32>
        %add3A_990 = arith.constant 50 : i32
        %add3A_991 = arith.addi %add3A_990, %scan3A_877 : i32
        %get3A_992 = arith.constant 2 : i32
        %get3A_993 = arith.index_cast %get3A_992 : i32 to index
        %get3A_994 = arith.index_cast %add3A_991 : i32 to index
        %get3A_995 = arith.constant 112 : index
        %get3A_996 = tpu.vector_load %arg9[%get3A_993, %get3A_994, %get3A_995] {strides = array<i32>} : memref<4x100x128xf32, #tpu.memory_space<vmem>>, vector<16xf32>,
        %add3A_997 = arith.constant 50 : i32
        %add3A_998 = arith.addi %add3A_997, %scan3A_877 : i32
        %get3A_999 = arith.constant 2 : i32
        %get3A_1000 = arith.index_cast %get3A_999 : i32 to index
        %get3A_1001 = arith.index_cast %add3A_998 : i32 to index
        %get3A_1002 = arith.constant 112 : index
        %get3A_1003 = tpu.vector_load %arg10[%get3A_1000, %get3A_1001, %get3A_1002] {strides = array<i32>} : memref<4x100x128xf32, #tpu.memory_space<vmem>>, vector<16xf32>,
        %mul3A_1004 = arith.mulf %get3A_996, %get3A_1003 : vector<16xf32>
        %add3A_1005 = arith.addf %add3A_875, %mul3A_1004 : vector<16xf32>
        scf.yield %add3A_893, %add3A_909, %add3A_925, %add3A_941, %add3A_957, %add3A_973, %add3A_989, %add3A_1005 : vector<16xf32>, vector<16xf32>, vector<16xf32>, vector<16xf32>, vector<16xf32>, vector<16xf32>, vector<16xf32>, vector<16xf32>
      }
      %scan3A_519 = arith.constant 50 : i32
      %add3A_520 = arith.addf %scan3A_518#0, %scan3A_518#1 : vector<16xf32>
      %add3A_521 = arith.addf %scan3A_518#2, %scan3A_518#3 : vector<16xf32>
      %add3A_522 = arith.addf %add3A_520, %add3A_521 : vector<16xf32>
      %add3A_523 = arith.addf %scan3A_518#4, %scan3A_518#5 : vector<16xf32>
      %add3A_524 = arith.addf %scan3A_518#6, %scan3A_518#7 : vector<16xf32>
      %add3A_525 = arith.addf %add3A_523, %add3A_524 : vector<16xf32>
      %add3A_526 = arith.addf %add3A_522, %add3A_525 : vector<16xf32>
      %iota3A_527 = tpu.iota {dimensions = array<i32: 0>} : vector<16xi32>
      %xor3A_528 = arith.constant 1 : i32
      %xor3A_529 = vector.broadcast %xor3A_528 : i32 to vector<16xi32>
      %xor3A_530 = arith.xori %iota3A_527, %xor3A_529 : vector<16xi32>
      %broadcast_in_dim3A_531 = vector.shape_cast %xor3A_530 : vector<16xi32> to vector<16x1xi32>
      %gather3A_532 = vector.shape_cast %broadcast_in_dim3A_531 : vector<16x1xi32> to vector<16xi32>
      %gather3A_533 = tpu.dynamic_gather %add3A_526[%gather3A_532] in [0] : vector<16xf32>, vector<16xi32> -> vector<16xf32>
      %add3A_534 = arith.addf %add3A_526, %gather3A_533 : vector<16xf32>
      %xor3A_535 = arith.constant 2 : i32
      %xor3A_536 = vector.broadcast %xor3A_535 : i32 to vector<16xi32>
      %xor3A_537 = arith.xori %iota3A_527, %xor3A_536 : vector<16xi32>
      %broadcast_in_dim3A_538 = vector.shape_cast %xor3A_537 : vector<16xi32> to vector<16x1xi32>
      %gather3A_539 = vector.shape_cast %broadcast_in_dim3A_538 : vector<16x1xi32> to vector<16xi32>
      %gather3A_540 = tpu.dynamic_gather %add3A_534[%gather3A_539] in [0] : vector<16xf32>, vector<16xi32> -> vector<16xf32>
      %add3A_541 = arith.addf %add3A_534, %gather3A_540 : vector<16xf32>
      %xor3A_542 = arith.constant 4 : i32
      %xor3A_543 = vector.broadcast %xor3A_542 : i32 to vector<16xi32>
      %xor3A_544 = arith.xori %iota3A_527, %xor3A_543 : vector<16xi32>
      %broadcast_in_dim3A_545 = vector.shape_cast %xor3A_544 : vector<16xi32> to vector<16x1xi32>
      %gather3A_546 = vector.shape_cast %broadcast_in_dim3A_545 : vector<16x1xi32> to vector<16xi32>
      %gather3A_547 = tpu.dynamic_gather %add3A_541[%gather3A_546] in [0] : vector<16xf32>, vector<16xi32> -> vector<16xf32>
      %add3A_548 = arith.addf %add3A_541, %gather3A_547 : vector<16xf32>
      %xor3A_549 = arith.constant 8 : i32
      %xor3A_550 = vector.broadcast %xor3A_549 : i32 to vector<16xi32>
      %xor3A_551 = arith.xori %iota3A_527, %xor3A_550 : vector<16xi32>
      %broadcast_in_dim3A_552 = vector.shape_cast %xor3A_551 : vector<16xi32> to vector<16x1xi32>
      %gather3A_553 = vector.shape_cast %broadcast_in_dim3A_552 : vector<16x1xi32> to vector<16xi32>
      %gather3A_554 = tpu.dynamic_gather %add3A_548[%gather3A_553] in [0] : vector<16xf32>, vector<16xi32> -> vector<16xf32>
      %add3A_555 = arith.addf %add3A_548, %gather3A_554 : vector<16xf32>
      %mul3A_556 = arith.constant 2 : i32
      %mul3A_557 = arith.muli %mul3A_556, %add3A_409 : i32
      %add3A_558 = arith.constant 1 : i32
      %add3A_559 = arith.addi %mul3A_557, %add3A_558 : i32
      %broadcast_in_dim3A_560 = vector.broadcast %add3A_559 : i32 to vector<16xi32>
      %eq3A_561 = arith.constant 0 : i32
      %eq3A_562 = vector.broadcast %eq3A_561 : i32 to vector<16xi32>
      %eq3A_563 = arith.cmpi eq, %iota3A_527, %eq3A_562 : vector<16xi32>
      tpu.vector_store_idx %arg11[%broadcast_in_dim3A_560], %add3A_555 masked %eq3A_563 : memref<128xf32, #tpu.memory_space<vmem>>[vector<16xi32>], vector<16xf32>, vector<16xi1>
      %add3A_564 = arith.constant 4 : i32
      %add3A_565 = arith.addi %add3A_409, %add3A_564 : i32
      %sub3A_566 = arith.constant 1 : i32
      %sub3A_567 = arith.subi %add3A_565, %sub3A_566 : i32
      %lt3A_568 = arith.constant 64 : i32
      %lt3A_569 = arith.cmpi slt, %sub3A_567, %lt3A_568 : i32
      %convert_element_type3A_570 = arith.extui %lt3A_569 : i1 to i32
      %cond3A_571 = arith.constant 0 : i32
      %cond3A_572 = arith.cmpi ne, %convert_element_type3A_570, %cond3A_571 : i32
      scf.if %cond3A_572 {
        %add3A_740 = arith.constant 4 : i32
        %add3A_741 = arith.addi %add3A_409, %add3A_740 : i32
        %sub3A_742 = arith.constant 1 : i32
        %sub3A_743 = arith.subi %add3A_741, %sub3A_742 : i32
        %dma_start3A_744 = arith.constant 1 : i32
        %dma_start3A_745 = arith.constant 0 : i32
        %dma_start3A_746 = arith.constant 0 : i32
        %dma_start3A_747 = tpu.memref_slice %arg9[%dma_start3A_744, %dma_start3A_745, %dma_start3A_746] : memref<4x100x128xf32, #tpu.memory_space<vmem>> -> memref<1x100x128xf32, #tpu.memory_space<vmem>>
        %dma_start3A_748 = tpu.memref_squeeze %dma_start3A_747 : memref<1x100x128xf32, #tpu.memory_space<vmem>> -> memref<100x128xf32, #tpu.memory_space<vmem>>
        %dma_start3A_749 = arith.constant 0 : i32
        %dma_start3A_750 = tpu.memref_slice %arg7[%sub3A_743, %dma_start3A_749] : memref<64x100xi32, #tpu.memory_space<vmem>> -> memref<1x100xi32, #tpu.memory_space<vmem>>
        %dma_start3A_751 = tpu.memref_squeeze %dma_start3A_750 : memref<1x100xi32, #tpu.memory_space<vmem>> -> memref<100xi32, #tpu.memory_space<vmem>>
        %dma_start3A_752 = arith.constant 0 : i32
        %dma_start3A_753 = arith.constant 0 : i32
        %dma_start3A_754 = tpu.memref_slice %arg4[%dma_start3A_752, %dma_start3A_753] : memref<100000x128xf32, #tpu.memory_space<hbm>> -> memref<100000x128xf32, #tpu.memory_space<hbm>>
        tpu.enqueue_indirect_dma source(%dma_start3A_754 : memref<100000x128xf32, #tpu.memory_space<hbm>>) target(%dma_start3A_748 : memref<100x128xf32, #tpu.memory_space<vmem>>) offsets(%dma_start3A_751 : memref<100xi32, #tpu.memory_space<vmem>>) semaphore(%arg13 : memref<!tpu.dma_semaphore, #tpu.memory_space<semaphore_mem>>)
        %dma_start3A_755 = arith.constant 1 : i32
        %dma_start3A_756 = arith.constant 0 : i32
        %dma_start3A_757 = arith.constant 0 : i32
        %dma_start3A_758 = tpu.memref_slice %arg10[%dma_start3A_755, %dma_start3A_756, %dma_start3A_757] : memref<4x100x128xf32, #tpu.memory_space<vmem>> -> memref<1x100x128xf32, #tpu.memory_space<vmem>>
        %dma_start3A_759 = tpu.memref_squeeze %dma_start3A_758 : memref<1x100x128xf32, #tpu.memory_space<vmem>> -> memref<100x128xf32, #tpu.memory_space<vmem>>
        %dma_start3A_760 = arith.constant 0 : i32
        %dma_start3A_761 = tpu.memref_slice %arg8[%sub3A_743, %dma_start3A_760] : memref<64x100xi32, #tpu.memory_space<vmem>> -> memref<1x100xi32, #tpu.memory_space<vmem>>
        %dma_start3A_762 = tpu.memref_squeeze %dma_start3A_761 : memref<1x100xi32, #tpu.memory_space<vmem>> -> memref<100xi32, #tpu.memory_space<vmem>>
        %dma_start3A_763 = arith.constant 0 : i32
        %dma_start3A_764 = arith.constant 0 : i32
        %dma_start3A_765 = tpu.memref_slice %arg5[%dma_start3A_763, %dma_start3A_764] : memref<100000x128xf32, #tpu.memory_space<hbm>> -> memref<100000x128xf32, #tpu.memory_space<hbm>>
        tpu.enqueue_indirect_dma source(%dma_start3A_765 : memref<100000x128xf32, #tpu.memory_space<hbm>>) target(%dma_start3A_759 : memref<100x128xf32, #tpu.memory_space<vmem>>) offsets(%dma_start3A_762 : memref<100xi32, #tpu.memory_space<vmem>>) semaphore(%arg13 : memref<!tpu.dma_semaphore, #tpu.memory_space<semaphore_mem>>)
      } else {
      }
      %mul3A_573 = arith.constant 4 : i32
      %mul3A_574 = arith.muli %mul3A_573, %scan3A_81 : i32
      %add3A_575 = arith.constant 3 : i32
      %add3A_576 = arith.addi %mul3A_574, %add3A_575 : i32
      %dma_wait3A_577 = arith.constant 3 : i32
      %dma_wait3A_578 = arith.constant 0 : i32
      %dma_wait3A_579 = arith.constant 0 : i32
      %dma_wait3A_580 = tpu.memref_slice %arg9[%dma_wait3A_577, %dma_wait3A_578, %dma_wait3A_579] : memref<4x100x128xf32, #tpu.memory_space<vmem>> -> memref<1x100x128xf32, #tpu.memory_space<vmem>>
      %dma_wait3A_581 = tpu.memref_squeeze %dma_wait3A_580 : memref<1x100x128xf32, #tpu.memory_space<vmem>> -> memref<100x128xf32, #tpu.memory_space<vmem>>
      %dma_wait3A_582 = arith.constant 0 : i32
      %dma_wait3A_583 = tpu.memref_slice %arg7[%add3A_576, %dma_wait3A_582] : memref<64x100xi32, #tpu.memory_space<vmem>> -> memref<1x100xi32, #tpu.memory_space<vmem>>
      %dma_wait3A_584 = tpu.memref_squeeze %dma_wait3A_583 : memref<1x100xi32, #tpu.memory_space<vmem>> -> memref<100xi32, #tpu.memory_space<vmem>>
      %dma_wait3A_585 = arith.constant 0 : i32
      %dma_wait3A_586 = arith.constant 0 : i32
      %dma_wait3A_587 = tpu.memref_slice %arg4[%dma_wait3A_585, %dma_wait3A_586] : memref<100000x128xf32, #tpu.memory_space<hbm>> -> memref<100000x128xf32, #tpu.memory_space<hbm>>
      tpu.wait_indirect_dma semaphore(%arg15 : memref<!tpu.dma_semaphore, #tpu.memory_space<semaphore_mem>>) src(%dma_wait3A_587 : memref<100000x128xf32, #tpu.memory_space<hbm>>) dst(%dma_wait3A_581 : memref<100x128xf32, #tpu.memory_space<vmem>>)
      %dma_wait3A_588 = arith.constant 3 : i32
      %dma_wait3A_589 = arith.constant 0 : i32
      %dma_wait3A_590 = arith.constant 0 : i32
      %dma_wait3A_591 = tpu.memref_slice %arg10[%dma_wait3A_588, %dma_wait3A_589, %dma_wait3A_590] : memref<4x100x128xf32, #tpu.memory_space<vmem>> -> memref<1x100x128xf32, #tpu.memory_space<vmem>>
      %dma_wait3A_592 = tpu.memref_squeeze %dma_wait3A_591 : memref<1x100x128xf32, #tpu.memory_space<vmem>> -> memref<100x128xf32, #tpu.memory_space<vmem>>
      %dma_wait3A_593 = arith.constant 0 : i32
      %dma_wait3A_594 = tpu.memref_slice %arg8[%add3A_576, %dma_wait3A_593] : memref<64x100xi32, #tpu.memory_space<vmem>> -> memref<1x100xi32, #tpu.memory_space<vmem>>
      %dma_wait3A_595 = tpu.memref_squeeze %dma_wait3A_594 : memref<1x100xi32, #tpu.memory_space<vmem>> -> memref<100xi32, #tpu.memory_space<vmem>>
      %dma_wait3A_596 = arith.constant 0 : i32
      %dma_wait3A_597 = arith.constant 0 : i32
      %dma_wait3A_598 = tpu.memref_slice %arg5[%dma_wait3A_596, %dma_wait3A_597] : memref<100000x128xf32, #tpu.memory_space<hbm>> -> memref<100000x128xf32, #tpu.memory_space<hbm>>
      tpu.wait_indirect_dma semaphore(%arg15 : memref<!tpu.dma_semaphore, #tpu.memory_space<semaphore_mem>>) src(%dma_wait3A_598 : memref<100000x128xf32, #tpu.memory_space<hbm>>) dst(%dma_wait3A_592 : memref<100x128xf32, #tpu.memory_space<vmem>>)
      %broadcast_in_dim3A_599 = arith.constant 0.000000e+00 : f32
      %broadcast_in_dim3A_600 = vector.broadcast %broadcast_in_dim3A_599 : f32 to vector<16xf32>
      %broadcast_in_dim3A_601 = arith.constant 0.000000e+00 : f32
      %broadcast_in_dim3A_602 = vector.broadcast %broadcast_in_dim3A_601 : f32 to vector<16xf32>
      %broadcast_in_dim3A_603 = arith.constant 0.000000e+00 : f32
      %broadcast_in_dim3A_604 = vector.broadcast %broadcast_in_dim3A_603 : f32 to vector<16xf32>
      %broadcast_in_dim3A_605 = arith.constant 0.000000e+00 : f32
      %broadcast_in_dim3A_606 = vector.broadcast %broadcast_in_dim3A_605 : f32 to vector<16xf32>
      %broadcast_in_dim3A_607 = arith.constant 0.000000e+00 : f32
      %broadcast_in_dim3A_608 = vector.broadcast %broadcast_in_dim3A_607 : f32 to vector<16xf32>
      %broadcast_in_dim3A_609 = arith.constant 0.000000e+00 : f32
      %broadcast_in_dim3A_610 = vector.broadcast %broadcast_in_dim3A_609 : f32 to vector<16xf32>
      %broadcast_in_dim3A_611 = arith.constant 0.000000e+00 : f32
      %broadcast_in_dim3A_612 = vector.broadcast %broadcast_in_dim3A_611 : f32 to vector<16xf32>
      %broadcast_in_dim3A_613 = arith.constant 0.000000e+00 : f32
      %broadcast_in_dim3A_614 = vector.broadcast %broadcast_in_dim3A_613 : f32 to vector<16xf32>
      %scan3A_615 = arith.constant 0 : i32
      %scan3A_616 = arith.constant 50 : i32
      %scan3A_617 = arith.addi %scan3A_615, %scan3A_616 : i32
      %scan3A_618 = arith.constant 2 : i32
      %scan3A_619:8 = scf.for %scan3A_740 = %scan3A_615 to %scan3A_617 step %scan3A_618 iter_args(%scan3A_741 = %broadcast_in_dim3A_600, %scan3A_742 = %broadcast_in_dim3A_602, %scan3A_743 = %broadcast_in_dim3A_604, %scan3A_744 = %broadcast_in_dim3A_606, %scan3A_745 = %broadcast_in_dim3A_608, %scan3A_746 = %broadcast_in_dim3A_610, %scan3A_747 = %broadcast_in_dim3A_612, %scan3A_748 = %broadcast_in_dim3A_614) -> (vector<16xf32>, vector<16xf32>, vector<16xf32>, vector<16xf32>, vector<16xf32>, vector<16xf32>, vector<16xf32>, vector<16xf32>)  : i32 {
        %add3A_749 = arith.constant 0 : i32
        %add3A_750 = arith.addi %add3A_749, %scan3A_740 : i32
        %get3A = arith.constant 3 : i32
        %get3A_751 = arith.index_cast %get3A : i32 to index
        %get3A_752 = arith.index_cast %add3A_750 : i32 to index
        %get3A_753 = arith.constant 0 : index
        %get3A_754 = tpu.vector_load %arg9[%get3A_751, %get3A_752, %get3A_753] {strides = array<i32>} : memref<4x100x128xf32, #tpu.memory_space<vmem>>, vector<16xf32>,
        %add3A_755 = arith.constant 0 : i32
        %add3A_756 = arith.addi %add3A_755, %scan3A_740 : i32
        %get3A_757 = arith.constant 3 : i32
        %get3A_758 = arith.index_cast %get3A_757 : i32 to index
        %get3A_759 = arith.index_cast %add3A_756 : i32 to index
        %get3A_760 = arith.constant 0 : index
        %get3A_761 = tpu.vector_load %arg10[%get3A_758, %get3A_759, %get3A_760] {strides = array<i32>} : memref<4x100x128xf32, #tpu.memory_space<vmem>>, vector<16xf32>,
        %mul3A_762 = arith.mulf %get3A_754, %get3A_761 : vector<16xf32>
        %add3A_763 = arith.addf %scan3A_741, %mul3A_762 : vector<16xf32>
        %add3A_764 = arith.constant 0 : i32
        %add3A_765 = arith.addi %add3A_764, %scan3A_740 : i32
        %get3A_766 = arith.constant 3 : i32
        %get3A_767 = arith.index_cast %get3A_766 : i32 to index
        %get3A_768 = arith.index_cast %add3A_765 : i32 to index
        %get3A_769 = arith.constant 16 : index
        %get3A_770 = tpu.vector_load %arg9[%get3A_767, %get3A_768, %get3A_769] {strides = array<i32>} : memref<4x100x128xf32, #tpu.memory_space<vmem>>, vector<16xf32>,
        %add3A_771 = arith.constant 0 : i32
        %add3A_772 = arith.addi %add3A_771, %scan3A_740 : i32
        %get3A_773 = arith.constant 3 : i32
        %get3A_774 = arith.index_cast %get3A_773 : i32 to index
        %get3A_775 = arith.index_cast %add3A_772 : i32 to index
        %get3A_776 = arith.constant 16 : index
        %get3A_777 = tpu.vector_load %arg10[%get3A_774, %get3A_775, %get3A_776] {strides = array<i32>} : memref<4x100x128xf32, #tpu.memory_space<vmem>>, vector<16xf32>,
        %mul3A_778 = arith.mulf %get3A_770, %get3A_777 : vector<16xf32>
        %add3A_779 = arith.addf %scan3A_742, %mul3A_778 : vector<16xf32>
        %add3A_780 = arith.constant 0 : i32
        %add3A_781 = arith.addi %add3A_780, %scan3A_740 : i32
        %get3A_782 = arith.constant 3 : i32
        %get3A_783 = arith.index_cast %get3A_782 : i32 to index
        %get3A_784 = arith.index_cast %add3A_781 : i32 to index
        %get3A_785 = arith.constant 32 : index
        %get3A_786 = tpu.vector_load %arg9[%get3A_783, %get3A_784, %get3A_785] {strides = array<i32>} : memref<4x100x128xf32, #tpu.memory_space<vmem>>, vector<16xf32>,
        %add3A_787 = arith.constant 0 : i32
        %add3A_788 = arith.addi %add3A_787, %scan3A_740 : i32
        %get3A_789 = arith.constant 3 : i32
        %get3A_790 = arith.index_cast %get3A_789 : i32 to index
        %get3A_791 = arith.index_cast %add3A_788 : i32 to index
        %get3A_792 = arith.constant 32 : index
        %get3A_793 = tpu.vector_load %arg10[%get3A_790, %get3A_791, %get3A_792] {strides = array<i32>} : memref<4x100x128xf32, #tpu.memory_space<vmem>>, vector<16xf32>,
        %mul3A_794 = arith.mulf %get3A_786, %get3A_793 : vector<16xf32>
        %add3A_795 = arith.addf %scan3A_743, %mul3A_794 : vector<16xf32>
        %add3A_796 = arith.constant 0 : i32
        %add3A_797 = arith.addi %add3A_796, %scan3A_740 : i32
        %get3A_798 = arith.constant 3 : i32
        %get3A_799 = arith.index_cast %get3A_798 : i32 to index
        %get3A_800 = arith.index_cast %add3A_797 : i32 to index
        %get3A_801 = arith.constant 48 : index
        %get3A_802 = tpu.vector_load %arg9[%get3A_799, %get3A_800, %get3A_801] {strides = array<i32>} : memref<4x100x128xf32, #tpu.memory_space<vmem>>, vector<16xf32>,
        %add3A_803 = arith.constant 0 : i32
        %add3A_804 = arith.addi %add3A_803, %scan3A_740 : i32
        %get3A_805 = arith.constant 3 : i32
        %get3A_806 = arith.index_cast %get3A_805 : i32 to index
        %get3A_807 = arith.index_cast %add3A_804 : i32 to index
        %get3A_808 = arith.constant 48 : index
        %get3A_809 = tpu.vector_load %arg10[%get3A_806, %get3A_807, %get3A_808] {strides = array<i32>} : memref<4x100x128xf32, #tpu.memory_space<vmem>>, vector<16xf32>,
        %mul3A_810 = arith.mulf %get3A_802, %get3A_809 : vector<16xf32>
        %add3A_811 = arith.addf %scan3A_744, %mul3A_810 : vector<16xf32>
        %add3A_812 = arith.constant 0 : i32
        %add3A_813 = arith.addi %add3A_812, %scan3A_740 : i32
        %get3A_814 = arith.constant 3 : i32
        %get3A_815 = arith.index_cast %get3A_814 : i32 to index
        %get3A_816 = arith.index_cast %add3A_813 : i32 to index
        %get3A_817 = arith.constant 64 : index
        %get3A_818 = tpu.vector_load %arg9[%get3A_815, %get3A_816, %get3A_817] {strides = array<i32>} : memref<4x100x128xf32, #tpu.memory_space<vmem>>, vector<16xf32>,
        %add3A_819 = arith.constant 0 : i32
        %add3A_820 = arith.addi %add3A_819, %scan3A_740 : i32
        %get3A_821 = arith.constant 3 : i32
        %get3A_822 = arith.index_cast %get3A_821 : i32 to index
        %get3A_823 = arith.index_cast %add3A_820 : i32 to index
        %get3A_824 = arith.constant 64 : index
        %get3A_825 = tpu.vector_load %arg10[%get3A_822, %get3A_823, %get3A_824] {strides = array<i32>} : memref<4x100x128xf32, #tpu.memory_space<vmem>>, vector<16xf32>,
        %mul3A_826 = arith.mulf %get3A_818, %get3A_825 : vector<16xf32>
        %add3A_827 = arith.addf %scan3A_745, %mul3A_826 : vector<16xf32>
        %add3A_828 = arith.constant 0 : i32
        %add3A_829 = arith.addi %add3A_828, %scan3A_740 : i32
        %get3A_830 = arith.constant 3 : i32
        %get3A_831 = arith.index_cast %get3A_830 : i32 to index
        %get3A_832 = arith.index_cast %add3A_829 : i32 to index
        %get3A_833 = arith.constant 80 : index
        %get3A_834 = tpu.vector_load %arg9[%get3A_831, %get3A_832, %get3A_833] {strides = array<i32>} : memref<4x100x128xf32, #tpu.memory_space<vmem>>, vector<16xf32>,
        %add3A_835 = arith.constant 0 : i32
        %add3A_836 = arith.addi %add3A_835, %scan3A_740 : i32
        %get3A_837 = arith.constant 3 : i32
        %get3A_838 = arith.index_cast %get3A_837 : i32 to index
        %get3A_839 = arith.index_cast %add3A_836 : i32 to index
        %get3A_840 = arith.constant 80 : index
        %get3A_841 = tpu.vector_load %arg10[%get3A_838, %get3A_839, %get3A_840] {strides = array<i32>} : memref<4x100x128xf32, #tpu.memory_space<vmem>>, vector<16xf32>,
        %mul3A_842 = arith.mulf %get3A_834, %get3A_841 : vector<16xf32>
        %add3A_843 = arith.addf %scan3A_746, %mul3A_842 : vector<16xf32>
        %add3A_844 = arith.constant 0 : i32
        %add3A_845 = arith.addi %add3A_844, %scan3A_740 : i32
        %get3A_846 = arith.constant 3 : i32
        %get3A_847 = arith.index_cast %get3A_846 : i32 to index
        %get3A_848 = arith.index_cast %add3A_845 : i32 to index
        %get3A_849 = arith.constant 96 : index
        %get3A_850 = tpu.vector_load %arg9[%get3A_847, %get3A_848, %get3A_849] {strides = array<i32>} : memref<4x100x128xf32, #tpu.memory_space<vmem>>, vector<16xf32>,
        %add3A_851 = arith.constant 0 : i32
        %add3A_852 = arith.addi %add3A_851, %scan3A_740 : i32
        %get3A_853 = arith.constant 3 : i32
        %get3A_854 = arith.index_cast %get3A_853 : i32 to index
        %get3A_855 = arith.index_cast %add3A_852 : i32 to index
        %get3A_856 = arith.constant 96 : index
        %get3A_857 = tpu.vector_load %arg10[%get3A_854, %get3A_855, %get3A_856] {strides = array<i32>} : memref<4x100x128xf32, #tpu.memory_space<vmem>>, vector<16xf32>,
        %mul3A_858 = arith.mulf %get3A_850, %get3A_857 : vector<16xf32>
        %add3A_859 = arith.addf %scan3A_747, %mul3A_858 : vector<16xf32>
        %add3A_860 = arith.constant 0 : i32
        %add3A_861 = arith.addi %add3A_860, %scan3A_740 : i32
        %get3A_862 = arith.constant 3 : i32
        %get3A_863 = arith.index_cast %get3A_862 : i32 to index
        %get3A_864 = arith.index_cast %add3A_861 : i32 to index
        %get3A_865 = arith.constant 112 : index
        %get3A_866 = tpu.vector_load %arg9[%get3A_863, %get3A_864, %get3A_865] {strides = array<i32>} : memref<4x100x128xf32, #tpu.memory_space<vmem>>, vector<16xf32>,
        %add3A_867 = arith.constant 0 : i32
        %add3A_868 = arith.addi %add3A_867, %scan3A_740 : i32
        %get3A_869 = arith.constant 3 : i32
        %get3A_870 = arith.index_cast %get3A_869 : i32 to index
        %get3A_871 = arith.index_cast %add3A_868 : i32 to index
        %get3A_872 = arith.constant 112 : index
        %get3A_873 = tpu.vector_load %arg10[%get3A_870, %get3A_871, %get3A_872] {strides = array<i32>} : memref<4x100x128xf32, #tpu.memory_space<vmem>>, vector<16xf32>,
        %mul3A_874 = arith.mulf %get3A_866, %get3A_873 : vector<16xf32>
        %add3A_875 = arith.addf %scan3A_748, %mul3A_874 : vector<16xf32>
        %scan3A_876 = arith.constant 1 : i32
        %scan3A_877 = arith.addi %scan3A_740, %scan3A_876 : i32
        %add3A_878 = arith.constant 0 : i32
        %add3A_879 = arith.addi %add3A_878, %scan3A_877 : i32
        %get3A_880 = arith.constant 3 : i32
        %get3A_881 = arith.index_cast %get3A_880 : i32 to index
        %get3A_882 = arith.index_cast %add3A_879 : i32 to index
        %get3A_883 = arith.constant 0 : index
        %get3A_884 = tpu.vector_load %arg9[%get3A_881, %get3A_882, %get3A_883] {strides = array<i32>} : memref<4x100x128xf32, #tpu.memory_space<vmem>>, vector<16xf32>,
        %add3A_885 = arith.constant 0 : i32
        %add3A_886 = arith.addi %add3A_885, %scan3A_877 : i32
        %get3A_887 = arith.constant 3 : i32
        %get3A_888 = arith.index_cast %get3A_887 : i32 to index
        %get3A_889 = arith.index_cast %add3A_886 : i32 to index
        %get3A_890 = arith.constant 0 : index
        %get3A_891 = tpu.vector_load %arg10[%get3A_888, %get3A_889, %get3A_890] {strides = array<i32>} : memref<4x100x128xf32, #tpu.memory_space<vmem>>, vector<16xf32>,
        %mul3A_892 = arith.mulf %get3A_884, %get3A_891 : vector<16xf32>
        %add3A_893 = arith.addf %add3A_763, %mul3A_892 : vector<16xf32>
        %add3A_894 = arith.constant 0 : i32
        %add3A_895 = arith.addi %add3A_894, %scan3A_877 : i32
        %get3A_896 = arith.constant 3 : i32
        %get3A_897 = arith.index_cast %get3A_896 : i32 to index
        %get3A_898 = arith.index_cast %add3A_895 : i32 to index
        %get3A_899 = arith.constant 16 : index
        %get3A_900 = tpu.vector_load %arg9[%get3A_897, %get3A_898, %get3A_899] {strides = array<i32>} : memref<4x100x128xf32, #tpu.memory_space<vmem>>, vector<16xf32>,
        %add3A_901 = arith.constant 0 : i32
        %add3A_902 = arith.addi %add3A_901, %scan3A_877 : i32
        %get3A_903 = arith.constant 3 : i32
        %get3A_904 = arith.index_cast %get3A_903 : i32 to index
        %get3A_905 = arith.index_cast %add3A_902 : i32 to index
        %get3A_906 = arith.constant 16 : index
        %get3A_907 = tpu.vector_load %arg10[%get3A_904, %get3A_905, %get3A_906] {strides = array<i32>} : memref<4x100x128xf32, #tpu.memory_space<vmem>>, vector<16xf32>,
        %mul3A_908 = arith.mulf %get3A_900, %get3A_907 : vector<16xf32>
        %add3A_909 = arith.addf %add3A_779, %mul3A_908 : vector<16xf32>
        %add3A_910 = arith.constant 0 : i32
        %add3A_911 = arith.addi %add3A_910, %scan3A_877 : i32
        %get3A_912 = arith.constant 3 : i32
        %get3A_913 = arith.index_cast %get3A_912 : i32 to index
        %get3A_914 = arith.index_cast %add3A_911 : i32 to index
        %get3A_915 = arith.constant 32 : index
        %get3A_916 = tpu.vector_load %arg9[%get3A_913, %get3A_914, %get3A_915] {strides = array<i32>} : memref<4x100x128xf32, #tpu.memory_space<vmem>>, vector<16xf32>,
        %add3A_917 = arith.constant 0 : i32
        %add3A_918 = arith.addi %add3A_917, %scan3A_877 : i32
        %get3A_919 = arith.constant 3 : i32
        %get3A_920 = arith.index_cast %get3A_919 : i32 to index
        %get3A_921 = arith.index_cast %add3A_918 : i32 to index
        %get3A_922 = arith.constant 32 : index
        %get3A_923 = tpu.vector_load %arg10[%get3A_920, %get3A_921, %get3A_922] {strides = array<i32>} : memref<4x100x128xf32, #tpu.memory_space<vmem>>, vector<16xf32>,
        %mul3A_924 = arith.mulf %get3A_916, %get3A_923 : vector<16xf32>
        %add3A_925 = arith.addf %add3A_795, %mul3A_924 : vector<16xf32>
        %add3A_926 = arith.constant 0 : i32
        %add3A_927 = arith.addi %add3A_926, %scan3A_877 : i32
        %get3A_928 = arith.constant 3 : i32
        %get3A_929 = arith.index_cast %get3A_928 : i32 to index
        %get3A_930 = arith.index_cast %add3A_927 : i32 to index
        %get3A_931 = arith.constant 48 : index
        %get3A_932 = tpu.vector_load %arg9[%get3A_929, %get3A_930, %get3A_931] {strides = array<i32>} : memref<4x100x128xf32, #tpu.memory_space<vmem>>, vector<16xf32>,
        %add3A_933 = arith.constant 0 : i32
        %add3A_934 = arith.addi %add3A_933, %scan3A_877 : i32
        %get3A_935 = arith.constant 3 : i32
        %get3A_936 = arith.index_cast %get3A_935 : i32 to index
        %get3A_937 = arith.index_cast %add3A_934 : i32 to index
        %get3A_938 = arith.constant 48 : index
        %get3A_939 = tpu.vector_load %arg10[%get3A_936, %get3A_937, %get3A_938] {strides = array<i32>} : memref<4x100x128xf32, #tpu.memory_space<vmem>>, vector<16xf32>,
        %mul3A_940 = arith.mulf %get3A_932, %get3A_939 : vector<16xf32>
        %add3A_941 = arith.addf %add3A_811, %mul3A_940 : vector<16xf32>
        %add3A_942 = arith.constant 0 : i32
        %add3A_943 = arith.addi %add3A_942, %scan3A_877 : i32
        %get3A_944 = arith.constant 3 : i32
        %get3A_945 = arith.index_cast %get3A_944 : i32 to index
        %get3A_946 = arith.index_cast %add3A_943 : i32 to index
        %get3A_947 = arith.constant 64 : index
        %get3A_948 = tpu.vector_load %arg9[%get3A_945, %get3A_946, %get3A_947] {strides = array<i32>} : memref<4x100x128xf32, #tpu.memory_space<vmem>>, vector<16xf32>,
        %add3A_949 = arith.constant 0 : i32
        %add3A_950 = arith.addi %add3A_949, %scan3A_877 : i32
        %get3A_951 = arith.constant 3 : i32
        %get3A_952 = arith.index_cast %get3A_951 : i32 to index
        %get3A_953 = arith.index_cast %add3A_950 : i32 to index
        %get3A_954 = arith.constant 64 : index
        %get3A_955 = tpu.vector_load %arg10[%get3A_952, %get3A_953, %get3A_954] {strides = array<i32>} : memref<4x100x128xf32, #tpu.memory_space<vmem>>, vector<16xf32>,
        %mul3A_956 = arith.mulf %get3A_948, %get3A_955 : vector<16xf32>
        %add3A_957 = arith.addf %add3A_827, %mul3A_956 : vector<16xf32>
        %add3A_958 = arith.constant 0 : i32
        %add3A_959 = arith.addi %add3A_958, %scan3A_877 : i32
        %get3A_960 = arith.constant 3 : i32
        %get3A_961 = arith.index_cast %get3A_960 : i32 to index
        %get3A_962 = arith.index_cast %add3A_959 : i32 to index
        %get3A_963 = arith.constant 80 : index
        %get3A_964 = tpu.vector_load %arg9[%get3A_961, %get3A_962, %get3A_963] {strides = array<i32>} : memref<4x100x128xf32, #tpu.memory_space<vmem>>, vector<16xf32>,
        %add3A_965 = arith.constant 0 : i32
        %add3A_966 = arith.addi %add3A_965, %scan3A_877 : i32
        %get3A_967 = arith.constant 3 : i32
        %get3A_968 = arith.index_cast %get3A_967 : i32 to index
        %get3A_969 = arith.index_cast %add3A_966 : i32 to index
        %get3A_970 = arith.constant 80 : index
        %get3A_971 = tpu.vector_load %arg10[%get3A_968, %get3A_969, %get3A_970] {strides = array<i32>} : memref<4x100x128xf32, #tpu.memory_space<vmem>>, vector<16xf32>,
        %mul3A_972 = arith.mulf %get3A_964, %get3A_971 : vector<16xf32>
        %add3A_973 = arith.addf %add3A_843, %mul3A_972 : vector<16xf32>
        %add3A_974 = arith.constant 0 : i32
        %add3A_975 = arith.addi %add3A_974, %scan3A_877 : i32
        %get3A_976 = arith.constant 3 : i32
        %get3A_977 = arith.index_cast %get3A_976 : i32 to index
        %get3A_978 = arith.index_cast %add3A_975 : i32 to index
        %get3A_979 = arith.constant 96 : index
        %get3A_980 = tpu.vector_load %arg9[%get3A_977, %get3A_978, %get3A_979] {strides = array<i32>} : memref<4x100x128xf32, #tpu.memory_space<vmem>>, vector<16xf32>,
        %add3A_981 = arith.constant 0 : i32
        %add3A_982 = arith.addi %add3A_981, %scan3A_877 : i32
        %get3A_983 = arith.constant 3 : i32
        %get3A_984 = arith.index_cast %get3A_983 : i32 to index
        %get3A_985 = arith.index_cast %add3A_982 : i32 to index
        %get3A_986 = arith.constant 96 : index
        %get3A_987 = tpu.vector_load %arg10[%get3A_984, %get3A_985, %get3A_986] {strides = array<i32>} : memref<4x100x128xf32, #tpu.memory_space<vmem>>, vector<16xf32>,
        %mul3A_988 = arith.mulf %get3A_980, %get3A_987 : vector<16xf32>
        %add3A_989 = arith.addf %add3A_859, %mul3A_988 : vector<16xf32>
        %add3A_990 = arith.constant 0 : i32
        %add3A_991 = arith.addi %add3A_990, %scan3A_877 : i32
        %get3A_992 = arith.constant 3 : i32
        %get3A_993 = arith.index_cast %get3A_992 : i32 to index
        %get3A_994 = arith.index_cast %add3A_991 : i32 to index
        %get3A_995 = arith.constant 112 : index
        %get3A_996 = tpu.vector_load %arg9[%get3A_993, %get3A_994, %get3A_995] {strides = array<i32>} : memref<4x100x128xf32, #tpu.memory_space<vmem>>, vector<16xf32>,
        %add3A_997 = arith.constant 0 : i32
        %add3A_998 = arith.addi %add3A_997, %scan3A_877 : i32
        %get3A_999 = arith.constant 3 : i32
        %get3A_1000 = arith.index_cast %get3A_999 : i32 to index
        %get3A_1001 = arith.index_cast %add3A_998 : i32 to index
        %get3A_1002 = arith.constant 112 : index
        %get3A_1003 = tpu.vector_load %arg10[%get3A_1000, %get3A_1001, %get3A_1002] {strides = array<i32>} : memref<4x100x128xf32, #tpu.memory_space<vmem>>, vector<16xf32>,
        %mul3A_1004 = arith.mulf %get3A_996, %get3A_1003 : vector<16xf32>
        %add3A_1005 = arith.addf %add3A_875, %mul3A_1004 : vector<16xf32>
        scf.yield %add3A_893, %add3A_909, %add3A_925, %add3A_941, %add3A_957, %add3A_973, %add3A_989, %add3A_1005 : vector<16xf32>, vector<16xf32>, vector<16xf32>, vector<16xf32>, vector<16xf32>, vector<16xf32>, vector<16xf32>, vector<16xf32>
      }
      %scan3A_620 = arith.constant 50 : i32
      %add3A_621 = arith.addf %scan3A_619#0, %scan3A_619#1 : vector<16xf32>
      %add3A_622 = arith.addf %scan3A_619#2, %scan3A_619#3 : vector<16xf32>
      %add3A_623 = arith.addf %add3A_621, %add3A_622 : vector<16xf32>
      %add3A_624 = arith.addf %scan3A_619#4, %scan3A_619#5 : vector<16xf32>
      %add3A_625 = arith.addf %scan3A_619#6, %scan3A_619#7 : vector<16xf32>
      %add3A_626 = arith.addf %add3A_624, %add3A_625 : vector<16xf32>
      %add3A_627 = arith.addf %add3A_623, %add3A_626 : vector<16xf32>
      %iota3A_628 = tpu.iota {dimensions = array<i32: 0>} : vector<16xi32>
      %xor3A_629 = arith.constant 1 : i32
      %xor3A_630 = vector.broadcast %xor3A_629 : i32 to vector<16xi32>
      %xor3A_631 = arith.xori %iota3A_628, %xor3A_630 : vector<16xi32>
      %broadcast_in_dim3A_632 = vector.shape_cast %xor3A_631 : vector<16xi32> to vector<16x1xi32>
      %gather3A_633 = vector.shape_cast %broadcast_in_dim3A_632 : vector<16x1xi32> to vector<16xi32>
      %gather3A_634 = tpu.dynamic_gather %add3A_627[%gather3A_633] in [0] : vector<16xf32>, vector<16xi32> -> vector<16xf32>
      %add3A_635 = arith.addf %add3A_627, %gather3A_634 : vector<16xf32>
      %xor3A_636 = arith.constant 2 : i32
      %xor3A_637 = vector.broadcast %xor3A_636 : i32 to vector<16xi32>
      %xor3A_638 = arith.xori %iota3A_628, %xor3A_637 : vector<16xi32>
      %broadcast_in_dim3A_639 = vector.shape_cast %xor3A_638 : vector<16xi32> to vector<16x1xi32>
      %gather3A_640 = vector.shape_cast %broadcast_in_dim3A_639 : vector<16x1xi32> to vector<16xi32>
      %gather3A_641 = tpu.dynamic_gather %add3A_635[%gather3A_640] in [0] : vector<16xf32>, vector<16xi32> -> vector<16xf32>
      %add3A_642 = arith.addf %add3A_635, %gather3A_641 : vector<16xf32>
      %xor3A_643 = arith.constant 4 : i32
      %xor3A_644 = vector.broadcast %xor3A_643 : i32 to vector<16xi32>
      %xor3A_645 = arith.xori %iota3A_628, %xor3A_644 : vector<16xi32>
      %broadcast_in_dim3A_646 = vector.shape_cast %xor3A_645 : vector<16xi32> to vector<16x1xi32>
      %gather3A_647 = vector.shape_cast %broadcast_in_dim3A_646 : vector<16x1xi32> to vector<16xi32>
      %gather3A_648 = tpu.dynamic_gather %add3A_642[%gather3A_647] in [0] : vector<16xf32>, vector<16xi32> -> vector<16xf32>
      %add3A_649 = arith.addf %add3A_642, %gather3A_648 : vector<16xf32>
      %xor3A_650 = arith.constant 8 : i32
      %xor3A_651 = vector.broadcast %xor3A_650 : i32 to vector<16xi32>
      %xor3A_652 = arith.xori %iota3A_628, %xor3A_651 : vector<16xi32>
      %broadcast_in_dim3A_653 = vector.shape_cast %xor3A_652 : vector<16xi32> to vector<16x1xi32>
      %gather3A_654 = vector.shape_cast %broadcast_in_dim3A_653 : vector<16x1xi32> to vector<16xi32>
      %gather3A_655 = tpu.dynamic_gather %add3A_649[%gather3A_654] in [0] : vector<16xf32>, vector<16xi32> -> vector<16xf32>
      %add3A_656 = arith.addf %add3A_649, %gather3A_655 : vector<16xf32>
      %mul3A_657 = arith.constant 2 : i32
      %mul3A_658 = arith.muli %mul3A_657, %add3A_576 : i32
      %add3A_659 = arith.constant 0 : i32
      %add3A_660 = arith.addi %mul3A_658, %add3A_659 : i32
      %broadcast_in_dim3A_661 = vector.broadcast %add3A_660 : i32 to vector<16xi32>
      %eq3A_662 = arith.constant 0 : i32
      %eq3A_663 = vector.broadcast %eq3A_662 : i32 to vector<16xi32>
      %eq3A_664 = arith.cmpi eq, %iota3A_628, %eq3A_663 : vector<16xi32>
      tpu.vector_store_idx %arg11[%broadcast_in_dim3A_661], %add3A_656 masked %eq3A_664 : memref<128xf32, #tpu.memory_space<vmem>>[vector<16xi32>], vector<16xf32>, vector<16xi1>
      %broadcast_in_dim3A_665 = arith.constant 0.000000e+00 : f32
      %broadcast_in_dim3A_666 = vector.broadcast %broadcast_in_dim3A_665 : f32 to vector<16xf32>
      %broadcast_in_dim3A_667 = arith.constant 0.000000e+00 : f32
      %broadcast_in_dim3A_668 = vector.broadcast %broadcast_in_dim3A_667 : f32 to vector<16xf32>
      %broadcast_in_dim3A_669 = arith.constant 0.000000e+00 : f32
      %broadcast_in_dim3A_670 = vector.broadcast %broadcast_in_dim3A_669 : f32 to vector<16xf32>
      %broadcast_in_dim3A_671 = arith.constant 0.000000e+00 : f32
      %broadcast_in_dim3A_672 = vector.broadcast %broadcast_in_dim3A_671 : f32 to vector<16xf32>
      %broadcast_in_dim3A_673 = arith.constant 0.000000e+00 : f32
      %broadcast_in_dim3A_674 = vector.broadcast %broadcast_in_dim3A_673 : f32 to vector<16xf32>
      %broadcast_in_dim3A_675 = arith.constant 0.000000e+00 : f32
      %broadcast_in_dim3A_676 = vector.broadcast %broadcast_in_dim3A_675 : f32 to vector<16xf32>
      %broadcast_in_dim3A_677 = arith.constant 0.000000e+00 : f32
      %broadcast_in_dim3A_678 = vector.broadcast %broadcast_in_dim3A_677 : f32 to vector<16xf32>
      %broadcast_in_dim3A_679 = arith.constant 0.000000e+00 : f32
      %broadcast_in_dim3A_680 = vector.broadcast %broadcast_in_dim3A_679 : f32 to vector<16xf32>
      %scan3A_681 = arith.constant 0 : i32
      %scan3A_682 = arith.constant 50 : i32
      %scan3A_683 = arith.addi %scan3A_681, %scan3A_682 : i32
      %scan3A_684 = arith.constant 2 : i32
      %scan3A_685:8 = scf.for %scan3A_740 = %scan3A_681 to %scan3A_683 step %scan3A_684 iter_args(%scan3A_741 = %broadcast_in_dim3A_666, %scan3A_742 = %broadcast_in_dim3A_668, %scan3A_743 = %broadcast_in_dim3A_670, %scan3A_744 = %broadcast_in_dim3A_672, %scan3A_745 = %broadcast_in_dim3A_674, %scan3A_746 = %broadcast_in_dim3A_676, %scan3A_747 = %broadcast_in_dim3A_678, %scan3A_748 = %broadcast_in_dim3A_680) -> (vector<16xf32>, vector<16xf32>, vector<16xf32>, vector<16xf32>, vector<16xf32>, vector<16xf32>, vector<16xf32>, vector<16xf32>)  : i32 {
        %add3A_749 = arith.constant 50 : i32
        %add3A_750 = arith.addi %add3A_749, %scan3A_740 : i32
        %get3A = arith.constant 3 : i32
        %get3A_751 = arith.index_cast %get3A : i32 to index
        %get3A_752 = arith.index_cast %add3A_750 : i32 to index
        %get3A_753 = arith.constant 0 : index
        %get3A_754 = tpu.vector_load %arg9[%get3A_751, %get3A_752, %get3A_753] {strides = array<i32>} : memref<4x100x128xf32, #tpu.memory_space<vmem>>, vector<16xf32>,
        %add3A_755 = arith.constant 50 : i32
        %add3A_756 = arith.addi %add3A_755, %scan3A_740 : i32
        %get3A_757 = arith.constant 3 : i32
        %get3A_758 = arith.index_cast %get3A_757 : i32 to index
        %get3A_759 = arith.index_cast %add3A_756 : i32 to index
        %get3A_760 = arith.constant 0 : index
        %get3A_761 = tpu.vector_load %arg10[%get3A_758, %get3A_759, %get3A_760] {strides = array<i32>} : memref<4x100x128xf32, #tpu.memory_space<vmem>>, vector<16xf32>,
        %mul3A_762 = arith.mulf %get3A_754, %get3A_761 : vector<16xf32>
        %add3A_763 = arith.addf %scan3A_741, %mul3A_762 : vector<16xf32>
        %add3A_764 = arith.constant 50 : i32
        %add3A_765 = arith.addi %add3A_764, %scan3A_740 : i32
        %get3A_766 = arith.constant 3 : i32
        %get3A_767 = arith.index_cast %get3A_766 : i32 to index
        %get3A_768 = arith.index_cast %add3A_765 : i32 to index
        %get3A_769 = arith.constant 16 : index
        %get3A_770 = tpu.vector_load %arg9[%get3A_767, %get3A_768, %get3A_769] {strides = array<i32>} : memref<4x100x128xf32, #tpu.memory_space<vmem>>, vector<16xf32>,
        %add3A_771 = arith.constant 50 : i32
        %add3A_772 = arith.addi %add3A_771, %scan3A_740 : i32
        %get3A_773 = arith.constant 3 : i32
        %get3A_774 = arith.index_cast %get3A_773 : i32 to index
        %get3A_775 = arith.index_cast %add3A_772 : i32 to index
        %get3A_776 = arith.constant 16 : index
        %get3A_777 = tpu.vector_load %arg10[%get3A_774, %get3A_775, %get3A_776] {strides = array<i32>} : memref<4x100x128xf32, #tpu.memory_space<vmem>>, vector<16xf32>,
        %mul3A_778 = arith.mulf %get3A_770, %get3A_777 : vector<16xf32>
        %add3A_779 = arith.addf %scan3A_742, %mul3A_778 : vector<16xf32>
        %add3A_780 = arith.constant 50 : i32
        %add3A_781 = arith.addi %add3A_780, %scan3A_740 : i32
        %get3A_782 = arith.constant 3 : i32
        %get3A_783 = arith.index_cast %get3A_782 : i32 to index
        %get3A_784 = arith.index_cast %add3A_781 : i32 to index
        %get3A_785 = arith.constant 32 : index
        %get3A_786 = tpu.vector_load %arg9[%get3A_783, %get3A_784, %get3A_785] {strides = array<i32>} : memref<4x100x128xf32, #tpu.memory_space<vmem>>, vector<16xf32>,
        %add3A_787 = arith.constant 50 : i32
        %add3A_788 = arith.addi %add3A_787, %scan3A_740 : i32
        %get3A_789 = arith.constant 3 : i32
        %get3A_790 = arith.index_cast %get3A_789 : i32 to index
        %get3A_791 = arith.index_cast %add3A_788 : i32 to index
        %get3A_792 = arith.constant 32 : index
        %get3A_793 = tpu.vector_load %arg10[%get3A_790, %get3A_791, %get3A_792] {strides = array<i32>} : memref<4x100x128xf32, #tpu.memory_space<vmem>>, vector<16xf32>,
        %mul3A_794 = arith.mulf %get3A_786, %get3A_793 : vector<16xf32>
        %add3A_795 = arith.addf %scan3A_743, %mul3A_794 : vector<16xf32>
        %add3A_796 = arith.constant 50 : i32
        %add3A_797 = arith.addi %add3A_796, %scan3A_740 : i32
        %get3A_798 = arith.constant 3 : i32
        %get3A_799 = arith.index_cast %get3A_798 : i32 to index
        %get3A_800 = arith.index_cast %add3A_797 : i32 to index
        %get3A_801 = arith.constant 48 : index
        %get3A_802 = tpu.vector_load %arg9[%get3A_799, %get3A_800, %get3A_801] {strides = array<i32>} : memref<4x100x128xf32, #tpu.memory_space<vmem>>, vector<16xf32>,
        %add3A_803 = arith.constant 50 : i32
        %add3A_804 = arith.addi %add3A_803, %scan3A_740 : i32
        %get3A_805 = arith.constant 3 : i32
        %get3A_806 = arith.index_cast %get3A_805 : i32 to index
        %get3A_807 = arith.index_cast %add3A_804 : i32 to index
        %get3A_808 = arith.constant 48 : index
        %get3A_809 = tpu.vector_load %arg10[%get3A_806, %get3A_807, %get3A_808] {strides = array<i32>} : memref<4x100x128xf32, #tpu.memory_space<vmem>>, vector<16xf32>,
        %mul3A_810 = arith.mulf %get3A_802, %get3A_809 : vector<16xf32>
        %add3A_811 = arith.addf %scan3A_744, %mul3A_810 : vector<16xf32>
        %add3A_812 = arith.constant 50 : i32
        %add3A_813 = arith.addi %add3A_812, %scan3A_740 : i32
        %get3A_814 = arith.constant 3 : i32
        %get3A_815 = arith.index_cast %get3A_814 : i32 to index
        %get3A_816 = arith.index_cast %add3A_813 : i32 to index
        %get3A_817 = arith.constant 64 : index
        %get3A_818 = tpu.vector_load %arg9[%get3A_815, %get3A_816, %get3A_817] {strides = array<i32>} : memref<4x100x128xf32, #tpu.memory_space<vmem>>, vector<16xf32>,
        %add3A_819 = arith.constant 50 : i32
        %add3A_820 = arith.addi %add3A_819, %scan3A_740 : i32
        %get3A_821 = arith.constant 3 : i32
        %get3A_822 = arith.index_cast %get3A_821 : i32 to index
        %get3A_823 = arith.index_cast %add3A_820 : i32 to index
        %get3A_824 = arith.constant 64 : index
        %get3A_825 = tpu.vector_load %arg10[%get3A_822, %get3A_823, %get3A_824] {strides = array<i32>} : memref<4x100x128xf32, #tpu.memory_space<vmem>>, vector<16xf32>,
        %mul3A_826 = arith.mulf %get3A_818, %get3A_825 : vector<16xf32>
        %add3A_827 = arith.addf %scan3A_745, %mul3A_826 : vector<16xf32>
        %add3A_828 = arith.constant 50 : i32
        %add3A_829 = arith.addi %add3A_828, %scan3A_740 : i32
        %get3A_830 = arith.constant 3 : i32
        %get3A_831 = arith.index_cast %get3A_830 : i32 to index
        %get3A_832 = arith.index_cast %add3A_829 : i32 to index
        %get3A_833 = arith.constant 80 : index
        %get3A_834 = tpu.vector_load %arg9[%get3A_831, %get3A_832, %get3A_833] {strides = array<i32>} : memref<4x100x128xf32, #tpu.memory_space<vmem>>, vector<16xf32>,
        %add3A_835 = arith.constant 50 : i32
        %add3A_836 = arith.addi %add3A_835, %scan3A_740 : i32
        %get3A_837 = arith.constant 3 : i32
        %get3A_838 = arith.index_cast %get3A_837 : i32 to index
        %get3A_839 = arith.index_cast %add3A_836 : i32 to index
        %get3A_840 = arith.constant 80 : index
        %get3A_841 = tpu.vector_load %arg10[%get3A_838, %get3A_839, %get3A_840] {strides = array<i32>} : memref<4x100x128xf32, #tpu.memory_space<vmem>>, vector<16xf32>,
        %mul3A_842 = arith.mulf %get3A_834, %get3A_841 : vector<16xf32>
        %add3A_843 = arith.addf %scan3A_746, %mul3A_842 : vector<16xf32>
        %add3A_844 = arith.constant 50 : i32
        %add3A_845 = arith.addi %add3A_844, %scan3A_740 : i32
        %get3A_846 = arith.constant 3 : i32
        %get3A_847 = arith.index_cast %get3A_846 : i32 to index
        %get3A_848 = arith.index_cast %add3A_845 : i32 to index
        %get3A_849 = arith.constant 96 : index
        %get3A_850 = tpu.vector_load %arg9[%get3A_847, %get3A_848, %get3A_849] {strides = array<i32>} : memref<4x100x128xf32, #tpu.memory_space<vmem>>, vector<16xf32>,
        %add3A_851 = arith.constant 50 : i32
        %add3A_852 = arith.addi %add3A_851, %scan3A_740 : i32
        %get3A_853 = arith.constant 3 : i32
        %get3A_854 = arith.index_cast %get3A_853 : i32 to index
        %get3A_855 = arith.index_cast %add3A_852 : i32 to index
        %get3A_856 = arith.constant 96 : index
        %get3A_857 = tpu.vector_load %arg10[%get3A_854, %get3A_855, %get3A_856] {strides = array<i32>} : memref<4x100x128xf32, #tpu.memory_space<vmem>>, vector<16xf32>,
        %mul3A_858 = arith.mulf %get3A_850, %get3A_857 : vector<16xf32>
        %add3A_859 = arith.addf %scan3A_747, %mul3A_858 : vector<16xf32>
        %add3A_860 = arith.constant 50 : i32
        %add3A_861 = arith.addi %add3A_860, %scan3A_740 : i32
        %get3A_862 = arith.constant 3 : i32
        %get3A_863 = arith.index_cast %get3A_862 : i32 to index
        %get3A_864 = arith.index_cast %add3A_861 : i32 to index
        %get3A_865 = arith.constant 112 : index
        %get3A_866 = tpu.vector_load %arg9[%get3A_863, %get3A_864, %get3A_865] {strides = array<i32>} : memref<4x100x128xf32, #tpu.memory_space<vmem>>, vector<16xf32>,
        %add3A_867 = arith.constant 50 : i32
        %add3A_868 = arith.addi %add3A_867, %scan3A_740 : i32
        %get3A_869 = arith.constant 3 : i32
        %get3A_870 = arith.index_cast %get3A_869 : i32 to index
        %get3A_871 = arith.index_cast %add3A_868 : i32 to index
        %get3A_872 = arith.constant 112 : index
        %get3A_873 = tpu.vector_load %arg10[%get3A_870, %get3A_871, %get3A_872] {strides = array<i32>} : memref<4x100x128xf32, #tpu.memory_space<vmem>>, vector<16xf32>,
        %mul3A_874 = arith.mulf %get3A_866, %get3A_873 : vector<16xf32>
        %add3A_875 = arith.addf %scan3A_748, %mul3A_874 : vector<16xf32>
        %scan3A_876 = arith.constant 1 : i32
        %scan3A_877 = arith.addi %scan3A_740, %scan3A_876 : i32
        %add3A_878 = arith.constant 50 : i32
        %add3A_879 = arith.addi %add3A_878, %scan3A_877 : i32
        %get3A_880 = arith.constant 3 : i32
        %get3A_881 = arith.index_cast %get3A_880 : i32 to index
        %get3A_882 = arith.index_cast %add3A_879 : i32 to index
        %get3A_883 = arith.constant 0 : index
        %get3A_884 = tpu.vector_load %arg9[%get3A_881, %get3A_882, %get3A_883] {strides = array<i32>} : memref<4x100x128xf32, #tpu.memory_space<vmem>>, vector<16xf32>,
        %add3A_885 = arith.constant 50 : i32
        %add3A_886 = arith.addi %add3A_885, %scan3A_877 : i32
        %get3A_887 = arith.constant 3 : i32
        %get3A_888 = arith.index_cast %get3A_887 : i32 to index
        %get3A_889 = arith.index_cast %add3A_886 : i32 to index
        %get3A_890 = arith.constant 0 : index
        %get3A_891 = tpu.vector_load %arg10[%get3A_888, %get3A_889, %get3A_890] {strides = array<i32>} : memref<4x100x128xf32, #tpu.memory_space<vmem>>, vector<16xf32>,
        %mul3A_892 = arith.mulf %get3A_884, %get3A_891 : vector<16xf32>
        %add3A_893 = arith.addf %add3A_763, %mul3A_892 : vector<16xf32>
        %add3A_894 = arith.constant 50 : i32
        %add3A_895 = arith.addi %add3A_894, %scan3A_877 : i32
        %get3A_896 = arith.constant 3 : i32
        %get3A_897 = arith.index_cast %get3A_896 : i32 to index
        %get3A_898 = arith.index_cast %add3A_895 : i32 to index
        %get3A_899 = arith.constant 16 : index
        %get3A_900 = tpu.vector_load %arg9[%get3A_897, %get3A_898, %get3A_899] {strides = array<i32>} : memref<4x100x128xf32, #tpu.memory_space<vmem>>, vector<16xf32>,
        %add3A_901 = arith.constant 50 : i32
        %add3A_902 = arith.addi %add3A_901, %scan3A_877 : i32
        %get3A_903 = arith.constant 3 : i32
        %get3A_904 = arith.index_cast %get3A_903 : i32 to index
        %get3A_905 = arith.index_cast %add3A_902 : i32 to index
        %get3A_906 = arith.constant 16 : index
        %get3A_907 = tpu.vector_load %arg10[%get3A_904, %get3A_905, %get3A_906] {strides = array<i32>} : memref<4x100x128xf32, #tpu.memory_space<vmem>>, vector<16xf32>,
        %mul3A_908 = arith.mulf %get3A_900, %get3A_907 : vector<16xf32>
        %add3A_909 = arith.addf %add3A_779, %mul3A_908 : vector<16xf32>
        %add3A_910 = arith.constant 50 : i32
        %add3A_911 = arith.addi %add3A_910, %scan3A_877 : i32
        %get3A_912 = arith.constant 3 : i32
        %get3A_913 = arith.index_cast %get3A_912 : i32 to index
        %get3A_914 = arith.index_cast %add3A_911 : i32 to index
        %get3A_915 = arith.constant 32 : index
        %get3A_916 = tpu.vector_load %arg9[%get3A_913, %get3A_914, %get3A_915] {strides = array<i32>} : memref<4x100x128xf32, #tpu.memory_space<vmem>>, vector<16xf32>,
        %add3A_917 = arith.constant 50 : i32
        %add3A_918 = arith.addi %add3A_917, %scan3A_877 : i32
        %get3A_919 = arith.constant 3 : i32
        %get3A_920 = arith.index_cast %get3A_919 : i32 to index
        %get3A_921 = arith.index_cast %add3A_918 : i32 to index
        %get3A_922 = arith.constant 32 : index
        %get3A_923 = tpu.vector_load %arg10[%get3A_920, %get3A_921, %get3A_922] {strides = array<i32>} : memref<4x100x128xf32, #tpu.memory_space<vmem>>, vector<16xf32>,
        %mul3A_924 = arith.mulf %get3A_916, %get3A_923 : vector<16xf32>
        %add3A_925 = arith.addf %add3A_795, %mul3A_924 : vector<16xf32>
        %add3A_926 = arith.constant 50 : i32
        %add3A_927 = arith.addi %add3A_926, %scan3A_877 : i32
        %get3A_928 = arith.constant 3 : i32
        %get3A_929 = arith.index_cast %get3A_928 : i32 to index
        %get3A_930 = arith.index_cast %add3A_927 : i32 to index
        %get3A_931 = arith.constant 48 : index
        %get3A_932 = tpu.vector_load %arg9[%get3A_929, %get3A_930, %get3A_931] {strides = array<i32>} : memref<4x100x128xf32, #tpu.memory_space<vmem>>, vector<16xf32>,
        %add3A_933 = arith.constant 50 : i32
        %add3A_934 = arith.addi %add3A_933, %scan3A_877 : i32
        %get3A_935 = arith.constant 3 : i32
        %get3A_936 = arith.index_cast %get3A_935 : i32 to index
        %get3A_937 = arith.index_cast %add3A_934 : i32 to index
        %get3A_938 = arith.constant 48 : index
        %get3A_939 = tpu.vector_load %arg10[%get3A_936, %get3A_937, %get3A_938] {strides = array<i32>} : memref<4x100x128xf32, #tpu.memory_space<vmem>>, vector<16xf32>,
        %mul3A_940 = arith.mulf %get3A_932, %get3A_939 : vector<16xf32>
        %add3A_941 = arith.addf %add3A_811, %mul3A_940 : vector<16xf32>
        %add3A_942 = arith.constant 50 : i32
        %add3A_943 = arith.addi %add3A_942, %scan3A_877 : i32
        %get3A_944 = arith.constant 3 : i32
        %get3A_945 = arith.index_cast %get3A_944 : i32 to index
        %get3A_946 = arith.index_cast %add3A_943 : i32 to index
        %get3A_947 = arith.constant 64 : index
        %get3A_948 = tpu.vector_load %arg9[%get3A_945, %get3A_946, %get3A_947] {strides = array<i32>} : memref<4x100x128xf32, #tpu.memory_space<vmem>>, vector<16xf32>,
        %add3A_949 = arith.constant 50 : i32
        %add3A_950 = arith.addi %add3A_949, %scan3A_877 : i32
        %get3A_951 = arith.constant 3 : i32
        %get3A_952 = arith.index_cast %get3A_951 : i32 to index
        %get3A_953 = arith.index_cast %add3A_950 : i32 to index
        %get3A_954 = arith.constant 64 : index
        %get3A_955 = tpu.vector_load %arg10[%get3A_952, %get3A_953, %get3A_954] {strides = array<i32>} : memref<4x100x128xf32, #tpu.memory_space<vmem>>, vector<16xf32>,
        %mul3A_956 = arith.mulf %get3A_948, %get3A_955 : vector<16xf32>
        %add3A_957 = arith.addf %add3A_827, %mul3A_956 : vector<16xf32>
        %add3A_958 = arith.constant 50 : i32
        %add3A_959 = arith.addi %add3A_958, %scan3A_877 : i32
        %get3A_960 = arith.constant 3 : i32
        %get3A_961 = arith.index_cast %get3A_960 : i32 to index
        %get3A_962 = arith.index_cast %add3A_959 : i32 to index
        %get3A_963 = arith.constant 80 : index
        %get3A_964 = tpu.vector_load %arg9[%get3A_961, %get3A_962, %get3A_963] {strides = array<i32>} : memref<4x100x128xf32, #tpu.memory_space<vmem>>, vector<16xf32>,
        %add3A_965 = arith.constant 50 : i32
        %add3A_966 = arith.addi %add3A_965, %scan3A_877 : i32
        %get3A_967 = arith.constant 3 : i32
        %get3A_968 = arith.index_cast %get3A_967 : i32 to index
        %get3A_969 = arith.index_cast %add3A_966 : i32 to index
        %get3A_970 = arith.constant 80 : index
        %get3A_971 = tpu.vector_load %arg10[%get3A_968, %get3A_969, %get3A_970] {strides = array<i32>} : memref<4x100x128xf32, #tpu.memory_space<vmem>>, vector<16xf32>,
        %mul3A_972 = arith.mulf %get3A_964, %get3A_971 : vector<16xf32>
        %add3A_973 = arith.addf %add3A_843, %mul3A_972 : vector<16xf32>
        %add3A_974 = arith.constant 50 : i32
        %add3A_975 = arith.addi %add3A_974, %scan3A_877 : i32
        %get3A_976 = arith.constant 3 : i32
        %get3A_977 = arith.index_cast %get3A_976 : i32 to index
        %get3A_978 = arith.index_cast %add3A_975 : i32 to index
        %get3A_979 = arith.constant 96 : index
        %get3A_980 = tpu.vector_load %arg9[%get3A_977, %get3A_978, %get3A_979] {strides = array<i32>} : memref<4x100x128xf32, #tpu.memory_space<vmem>>, vector<16xf32>,
        %add3A_981 = arith.constant 50 : i32
        %add3A_982 = arith.addi %add3A_981, %scan3A_877 : i32
        %get3A_983 = arith.constant 3 : i32
        %get3A_984 = arith.index_cast %get3A_983 : i32 to index
        %get3A_985 = arith.index_cast %add3A_982 : i32 to index
        %get3A_986 = arith.constant 96 : index
        %get3A_987 = tpu.vector_load %arg10[%get3A_984, %get3A_985, %get3A_986] {strides = array<i32>} : memref<4x100x128xf32, #tpu.memory_space<vmem>>, vector<16xf32>,
        %mul3A_988 = arith.mulf %get3A_980, %get3A_987 : vector<16xf32>
        %add3A_989 = arith.addf %add3A_859, %mul3A_988 : vector<16xf32>
        %add3A_990 = arith.constant 50 : i32
        %add3A_991 = arith.addi %add3A_990, %scan3A_877 : i32
        %get3A_992 = arith.constant 3 : i32
        %get3A_993 = arith.index_cast %get3A_992 : i32 to index
        %get3A_994 = arith.index_cast %add3A_991 : i32 to index
        %get3A_995 = arith.constant 112 : index
        %get3A_996 = tpu.vector_load %arg9[%get3A_993, %get3A_994, %get3A_995] {strides = array<i32>} : memref<4x100x128xf32, #tpu.memory_space<vmem>>, vector<16xf32>,
        %add3A_997 = arith.constant 50 : i32
        %add3A_998 = arith.addi %add3A_997, %scan3A_877 : i32
        %get3A_999 = arith.constant 3 : i32
        %get3A_1000 = arith.index_cast %get3A_999 : i32 to index
        %get3A_1001 = arith.index_cast %add3A_998 : i32 to index
        %get3A_1002 = arith.constant 112 : index
        %get3A_1003 = tpu.vector_load %arg10[%get3A_1000, %get3A_1001, %get3A_1002] {strides = array<i32>} : memref<4x100x128xf32, #tpu.memory_space<vmem>>, vector<16xf32>,
        %mul3A_1004 = arith.mulf %get3A_996, %get3A_1003 : vector<16xf32>
        %add3A_1005 = arith.addf %add3A_875, %mul3A_1004 : vector<16xf32>
        scf.yield %add3A_893, %add3A_909, %add3A_925, %add3A_941, %add3A_957, %add3A_973, %add3A_989, %add3A_1005 : vector<16xf32>, vector<16xf32>, vector<16xf32>, vector<16xf32>, vector<16xf32>, vector<16xf32>, vector<16xf32>, vector<16xf32>
      }
      %scan3A_686 = arith.constant 50 : i32
      %add3A_687 = arith.addf %scan3A_685#0, %scan3A_685#1 : vector<16xf32>
      %add3A_688 = arith.addf %scan3A_685#2, %scan3A_685#3 : vector<16xf32>
      %add3A_689 = arith.addf %add3A_687, %add3A_688 : vector<16xf32>
      %add3A_690 = arith.addf %scan3A_685#4, %scan3A_685#5 : vector<16xf32>
      %add3A_691 = arith.addf %scan3A_685#6, %scan3A_685#7 : vector<16xf32>
      %add3A_692 = arith.addf %add3A_690, %add3A_691 : vector<16xf32>
      %add3A_693 = arith.addf %add3A_689, %add3A_692 : vector<16xf32>
      %iota3A_694 = tpu.iota {dimensions = array<i32: 0>} : vector<16xi32>
      %xor3A_695 = arith.constant 1 : i32
      %xor3A_696 = vector.broadcast %xor3A_695 : i32 to vector<16xi32>
      %xor3A_697 = arith.xori %iota3A_694, %xor3A_696 : vector<16xi32>
      %broadcast_in_dim3A_698 = vector.shape_cast %xor3A_697 : vector<16xi32> to vector<16x1xi32>
      %gather3A_699 = vector.shape_cast %broadcast_in_dim3A_698 : vector<16x1xi32> to vector<16xi32>
      %gather3A_700 = tpu.dynamic_gather %add3A_693[%gather3A_699] in [0] : vector<16xf32>, vector<16xi32> -> vector<16xf32>
      %add3A_701 = arith.addf %add3A_693, %gather3A_700 : vector<16xf32>
      %xor3A_702 = arith.constant 2 : i32
      %xor3A_703 = vector.broadcast %xor3A_702 : i32 to vector<16xi32>
      %xor3A_704 = arith.xori %iota3A_694, %xor3A_703 : vector<16xi32>
      %broadcast_in_dim3A_705 = vector.shape_cast %xor3A_704 : vector<16xi32> to vector<16x1xi32>
      %gather3A_706 = vector.shape_cast %broadcast_in_dim3A_705 : vector<16x1xi32> to vector<16xi32>
      %gather3A_707 = tpu.dynamic_gather %add3A_701[%gather3A_706] in [0] : vector<16xf32>, vector<16xi32> -> vector<16xf32>
      %add3A_708 = arith.addf %add3A_701, %gather3A_707 : vector<16xf32>
      %xor3A_709 = arith.constant 4 : i32
      %xor3A_710 = vector.broadcast %xor3A_709 : i32 to vector<16xi32>
      %xor3A_711 = arith.xori %iota3A_694, %xor3A_710 : vector<16xi32>
      %broadcast_in_dim3A_712 = vector.shape_cast %xor3A_711 : vector<16xi32> to vector<16x1xi32>
      %gather3A_713 = vector.shape_cast %broadcast_in_dim3A_712 : vector<16x1xi32> to vector<16xi32>
      %gather3A_714 = tpu.dynamic_gather %add3A_708[%gather3A_713] in [0] : vector<16xf32>, vector<16xi32> -> vector<16xf32>
      %add3A_715 = arith.addf %add3A_708, %gather3A_714 : vector<16xf32>
      %xor3A_716 = arith.constant 8 : i32
      %xor3A_717 = vector.broadcast %xor3A_716 : i32 to vector<16xi32>
      %xor3A_718 = arith.xori %iota3A_694, %xor3A_717 : vector<16xi32>
      %broadcast_in_dim3A_719 = vector.shape_cast %xor3A_718 : vector<16xi32> to vector<16x1xi32>
      %gather3A_720 = vector.shape_cast %broadcast_in_dim3A_719 : vector<16x1xi32> to vector<16xi32>
      %gather3A_721 = tpu.dynamic_gather %add3A_715[%gather3A_720] in [0] : vector<16xf32>, vector<16xi32> -> vector<16xf32>
      %add3A_722 = arith.addf %add3A_715, %gather3A_721 : vector<16xf32>
      %mul3A_723 = arith.constant 2 : i32
      %mul3A_724 = arith.muli %mul3A_723, %add3A_576 : i32
      %add3A_725 = arith.constant 1 : i32
      %add3A_726 = arith.addi %mul3A_724, %add3A_725 : i32
      %broadcast_in_dim3A_727 = vector.broadcast %add3A_726 : i32 to vector<16xi32>
      %eq3A_728 = arith.constant 0 : i32
      %eq3A_729 = vector.broadcast %eq3A_728 : i32 to vector<16xi32>
      %eq3A_730 = arith.cmpi eq, %iota3A_694, %eq3A_729 : vector<16xi32>
      tpu.vector_store_idx %arg11[%broadcast_in_dim3A_727], %add3A_722 masked %eq3A_730 : memref<128xf32, #tpu.memory_space<vmem>>[vector<16xi32>], vector<16xf32>, vector<16xi1>
      %add3A_731 = arith.constant 4 : i32
      %add3A_732 = arith.addi %add3A_576, %add3A_731 : i32
      %sub3A_733 = arith.constant 1 : i32
      %sub3A_734 = arith.subi %add3A_732, %sub3A_733 : i32
      %lt3A_735 = arith.constant 64 : i32
      %lt3A_736 = arith.cmpi slt, %sub3A_734, %lt3A_735 : i32
      %convert_element_type3A_737 = arith.extui %lt3A_736 : i1 to i32
      %cond3A_738 = arith.constant 0 : i32
      %cond3A_739 = arith.cmpi ne, %convert_element_type3A_737, %cond3A_738 : i32
      scf.if %cond3A_739 {
        %add3A_740 = arith.constant 4 : i32
        %add3A_741 = arith.addi %add3A_576, %add3A_740 : i32
        %sub3A_742 = arith.constant 1 : i32
        %sub3A_743 = arith.subi %add3A_741, %sub3A_742 : i32
        %dma_start3A_744 = arith.constant 2 : i32
        %dma_start3A_745 = arith.constant 0 : i32
        %dma_start3A_746 = arith.constant 0 : i32
        %dma_start3A_747 = tpu.memref_slice %arg9[%dma_start3A_744, %dma_start3A_745, %dma_start3A_746] : memref<4x100x128xf32, #tpu.memory_space<vmem>> -> memref<1x100x128xf32, #tpu.memory_space<vmem>>
        %dma_start3A_748 = tpu.memref_squeeze %dma_start3A_747 : memref<1x100x128xf32, #tpu.memory_space<vmem>> -> memref<100x128xf32, #tpu.memory_space<vmem>>
        %dma_start3A_749 = arith.constant 0 : i32
        %dma_start3A_750 = tpu.memref_slice %arg7[%sub3A_743, %dma_start3A_749] : memref<64x100xi32, #tpu.memory_space<vmem>> -> memref<1x100xi32, #tpu.memory_space<vmem>>
        %dma_start3A_751 = tpu.memref_squeeze %dma_start3A_750 : memref<1x100xi32, #tpu.memory_space<vmem>> -> memref<100xi32, #tpu.memory_space<vmem>>
        %dma_start3A_752 = arith.constant 0 : i32
        %dma_start3A_753 = arith.constant 0 : i32
        %dma_start3A_754 = tpu.memref_slice %arg4[%dma_start3A_752, %dma_start3A_753] : memref<100000x128xf32, #tpu.memory_space<hbm>> -> memref<100000x128xf32, #tpu.memory_space<hbm>>
        tpu.enqueue_indirect_dma source(%dma_start3A_754 : memref<100000x128xf32, #tpu.memory_space<hbm>>) target(%dma_start3A_748 : memref<100x128xf32, #tpu.memory_space<vmem>>) offsets(%dma_start3A_751 : memref<100xi32, #tpu.memory_space<vmem>>) semaphore(%arg14 : memref<!tpu.dma_semaphore, #tpu.memory_space<semaphore_mem>>)
        %dma_start3A_755 = arith.constant 2 : i32
        %dma_start3A_756 = arith.constant 0 : i32
        %dma_start3A_757 = arith.constant 0 : i32
        %dma_start3A_758 = tpu.memref_slice %arg10[%dma_start3A_755, %dma_start3A_756, %dma_start3A_757] : memref<4x100x128xf32, #tpu.memory_space<vmem>> -> memref<1x100x128xf32, #tpu.memory_space<vmem>>
        %dma_start3A_759 = tpu.memref_squeeze %dma_start3A_758 : memref<1x100x128xf32, #tpu.memory_space<vmem>> -> memref<100x128xf32, #tpu.memory_space<vmem>>
        %dma_start3A_760 = arith.constant 0 : i32
        %dma_start3A_761 = tpu.memref_slice %arg8[%sub3A_743, %dma_start3A_760] : memref<64x100xi32, #tpu.memory_space<vmem>> -> memref<1x100xi32, #tpu.memory_space<vmem>>
        %dma_start3A_762 = tpu.memref_squeeze %dma_start3A_761 : memref<1x100xi32, #tpu.memory_space<vmem>> -> memref<100xi32, #tpu.memory_space<vmem>>
        %dma_start3A_763 = arith.constant 0 : i32
        %dma_start3A_764 = arith.constant 0 : i32
        %dma_start3A_765 = tpu.memref_slice %arg5[%dma_start3A_763, %dma_start3A_764] : memref<100000x128xf32, #tpu.memory_space<hbm>> -> memref<100000x128xf32, #tpu.memory_space<hbm>>
        tpu.enqueue_indirect_dma source(%dma_start3A_765 : memref<100000x128xf32, #tpu.memory_space<hbm>>) target(%dma_start3A_759 : memref<100x128xf32, #tpu.memory_space<vmem>>) offsets(%dma_start3A_762 : memref<100xi32, #tpu.memory_space<vmem>>) semaphore(%arg14 : memref<!tpu.dma_semaphore, #tpu.memory_space<semaphore_mem>>)
      } else {
      }
    }
    %scan3A_80 = arith.constant 16 : i32
    "tpu.region"() ({
      %run_scoped3A = tpu.sem_alloc : memref<!tpu.dma_semaphore, #tpu.memory_space<semaphore_mem>>
      %dma_start3A_81 = tpu.memref_slice %arg6[%mul3A_2] : memref<4096xf32, #tpu.memory_space<hbm>> -> memref<128xf32, #tpu.memory_space<hbm>>
      %dma_start3A_82 = tpu.memref_slice %arg6[%mul3A_2] : memref<4096xf32, #tpu.memory_space<hbm>> -> memref<128xf32, #tpu.memory_space<hbm>>
      tpu.enqueue_dma source(%arg11 : memref<128xf32, #tpu.memory_space<vmem>>) target(%dma_start3A_82 : memref<128xf32, #tpu.memory_space<hbm>>) target_semaphore(%run_scoped3A : memref<!tpu.dma_semaphore, #tpu.memory_space<semaphore_mem>>)
      %dma_wait3A = tpu.memref_slice %arg6[%mul3A_2] : memref<4096xf32, #tpu.memory_space<hbm>> -> memref<128xf32, #tpu.memory_space<hbm>>
      %dma_wait3A_83 = tpu.memref_slice %arg6[%mul3A_2] : memref<4096xf32, #tpu.memory_space<hbm>> -> memref<128xf32, #tpu.memory_space<hbm>>
      tpu.wait_dma2 semaphore(%run_scoped3A : memref<!tpu.dma_semaphore, #tpu.memory_space<semaphore_mem>>) src(%arg11 : memref<128xf32, #tpu.memory_space<vmem>>) dst(%dma_wait3A_83 : memref<128xf32, #tpu.memory_space<hbm>>)
      tpu.yield
    }) : () -> ()
    return
  }
}

</mosaic_0001>

<sc_bundles>
// kernel: _mf.3.cloned.1.call-start
scs
__scs_entry_jumppad:
0x0: {  	(pc) =	sbr.rel $0x88, $3  }
0x1: {  	(tag) =	ssettag $0x0;
	lr =	simm.s32 $0x1  }
0x2: {  	[smem:$0x3F9D] =	sst lr;
	_ =	strace $0xD0000000  }
0x3: {  	_ = 	snop  }
0x4: {  	_ = 	snop  }
0x5: {  	_ = 	snop  }
0x6: {  	_ = 	snop  }
0x7: {  	_ = 	snop  }
__scs_overlays_trampoline_lowered:
0x8: {  	[smem:$0x3FAC] =	sst s0  }
0x9: {  	[smem:$0x3FAD] =	sst s1  }
0xa: {  	[smem:$0x3FAE] =	sst s2  }
0xb: {  	[smem:$0x3FAF] =	sst s3  }
0xc: {  	[smem:$0x3FB0] =	sst s4  }
0xd: {  	[smem:$0x3FB1] =	sst s5  }
0xe: {  	[smem:$0x3FB2] =	sst s6  }
0xf: {  	[smem:$0x3FB3] =	sst s7  }
0x10: {  	[smem:$0x3FB4] =	sst s8  }
0x11: {  	[smem:$0x3FB5] =	sst s9;
	s0 =	simm.s32 @!p0 $0x0  }
0x12: {  	s1 =	sld [smem:$0x3F9B];
	s0 =	simm.s32 @p0 $0x1  }
0x13: {  	[smem:$0x3FB6] =	sst s0;
	s0 =	simm.s32 @!p1 $0x0  }
0x14: {  	s2 =	sld [smem:$0x3F9A];
	s0 =	simm.s32 @p1 $0x1  }
0x15: {  	[smem:$0x3FB7] =	sst s0;
	s0 =	simm.s32 @!p2 $0x0  }
0x16: {  	s3 =	sld [smem:$0x3FDB];
	s0 =	simm.s32 @p2 $0x1  }
0x17: {  	s4 =	simm.s32 $0x1BF5;
	[smem:$0x3FB9] =	sst s0  }
0x18: {  	s0 =	sld [smem:$0x3F9C];
	_ =	swait.ge [sflag:s4], $0x0  }
0x19: {  	s7 =	sld [smem:$0x3F9D]  }
0x1a: {  	s8 =	sadd.s32 $0xFFFFE003, lr  }
0x1b: {  	s9 =	sadd.s32 $0xFFFFFEF7, lr;
	s5 =	simm.s32 $0xFFFFFFFF;
	p2 =	slt.u32 s8, $0xFFFFF086  }
0x1c: {  	p1 =	slt.u32 s9, $0xF7A;
	s5 =	simm.s32 @!p2 $0x0  }
0x1d: {  	s5 =	simm.s32 @p1 $0x1;
	p0 =	seq.s32 s7, s2  }
0x1e: {  	s7 =	smul.u32 @!p0 $0xF7A, s2;
	p2 =	seq.s32 @!p0 s5, $0x0  }
0x1f: {  	s9 =	smul.u32 $0xF7A, s1;
	s8 =	simm.s32 @!p0 $0x1BF5;
	p2 =	por !p2, p0  }
0x20: {  	[sflag:s8] =	ssyncset.s32 @!p0 $0xFFFFF086;
	s6 =	sadd.s32 @!p0 s3, s7;
	s7 =	simm.s32 @!p0 $0x108  }
0x21: {  	s3 =	sadd.s32 s3, s9;
	s6 =	sadd.s32 @!p0 $0x88, s6;
	s7 =	simm.s32 @p2 $0x1082  }
0x22: {  	[simem:s7], [sflag:s8] =	dma.local @!p0 [hbm:s6], $0xF7A  }
0x23: {  	s9 =	sor.u32 $0xD0000000, s2;
	s6 =	simm.s32 $0x108;
	_ =	swait.ge @!p0 [sflag:s8], $0x0  }
0x24: {  	s3 =	sadd.s32 $0x88, s3;
	s6 =	simm.s32 @!p1 $0x1082;
	[sflag:s4] =	ssyncset.s32 $0xFFFFF086  }
0x25: {  	[simem:s6], [sflag:s4] =	dma.local [hbm:s3], $0xF7A  }
0x26: {  	[smem:$0x3F9D] =	sst s1;
	(tag) =	ssettag s2;
	_ =	strace s9  }
0x27: {  	s1 =	sld [smem:$0x3FAD]  }
0x28: {  	s2 =	sld [smem:$0x3FAE]  }
0x29: {  	s4 =	sld [smem:$0x3FB0]  }
0x2a: {  	p0 =	seq.s32 s5, $0x0;
	s5 =	sld [smem:$0x3FB1]  }
0x2b: {  	s6 =	sld [smem:$0x3FB2]  }
0x2c: {  	s7 =	sld [smem:$0x3FB3]  }
0x2d: {  	s3 =	simm.s32 $0x108;
	s8 =	sld [smem:$0x3FB4]  }
0x2e: {  	s3 =	simm.s32 @!p0 $0x1082;
	s9 =	sld [smem:$0x3FB5]  }
0x2f: {  	lr =	sadd.s32 s0, s3;
	s0 =	sld [smem:$0x3FAC]  }
0x30: {  	s3 =	sld [smem:$0x3FAF]  }
0x31: {  	[smem:$0x3FB8] =	sst s10  }
0x32: {  	s10 =	sld [smem:$0x3FB6];
	_ =	sdelay $0x3  }
0x33: {  	p0 =	seq.s32 s10, $0x1;
	s10 =	sld [smem:$0x3FB8];
	_ =	sdelay $0x3  }
0x34: {  	[smem:$0x3FB8] =	sst s10  }
0x35: {  	s10 =	sld [smem:$0x3FB7];
	_ =	sdelay $0x3  }
0x36: {  	p1 =	seq.s32 s10, $0x1;
	s10 =	sld [smem:$0x3FB8];
	_ =	sdelay $0x3  }
0x37: {  	[smem:$0x3FB8] =	sst s10  }
0x38: {  	s10 =	sld [smem:$0x3FB9]  }
0x39: {  	_ = 	snop;
	(pc) =	sbr.ind lr, $3  }
0x3a: {  	_ = 	snop  }
0x3b: {  	_ = 	snop  }
0x3c: {  	p2 =	seq.s32 s10, $0x1;
	s10 =	sld [smem:$0x3FB8]  }
0x3d: {  	_ =	shalt  }
0x3e: {  	_ =	shalt  }
0x3f: {  	_ =	shalt  }
0x40: {  	_ =	shalt  }
0x41: {  	_ =	shalt  }
0x42: {  	_ =	shalt  }
0x43: {  	_ =	shalt  }
0x44: {  	_ =	shalt  }
0x45: {  	_ =	shalt  }
0x46: {  	_ =	shalt  }
0x47: {  	_ =	shalt  }
0x48: {  	_ =	shalt  }
0x49: {  	_ =	shalt  }
0x4a: {  	_ =	shalt  }
0x4b: {  	_ =	shalt  }
0x4c: {  	_ =	shalt  }
0x4d: {  	_ =	shalt  }
0x4e: {  	_ =	shalt  }
0x4f: {  	_ =	shalt  }
0x50: {  	_ =	shalt  }
0x51: {  	_ =	shalt  }
0x52: {  	_ =	shalt  }
0x53: {  	_ =	shalt  }
0x54: {  	_ =	shalt  }
0x55: {  	_ =	shalt  }
0x56: {  	_ =	shalt  }
0x57: {  	_ =	shalt  }
0x58: {  	_ =	shalt  }
0x59: {  	_ =	shalt  }
0x5a: {  	_ =	shalt  }
0x5b: {  	_ =	shalt  }
0x5c: {  	_ =	shalt  }
0x5d: {  	_ =	shalt  }
0x5e: {  	_ =	shalt  }
0x5f: {  	_ =	shalt  }
0x60: {  	_ =	shalt  }
0x61: {  	_ =	shalt  }
0x62: {  	_ =	shalt  }
0x63: {  	_ =	shalt  }
0x64: {  	_ =	shalt  }
0x65: {  	_ =	shalt  }
0x66: {  	_ =	shalt  }
0x67: {  	_ =	shalt  }
0x68: {  	_ =	shalt  }
0x69: {  	_ =	shalt  }
0x6a: {  	_ =	shalt  }
0x6b: {  	_ =	shalt  }
0x6c: {  	_ =	shalt  }
0x6d: {  	_ =	shalt  }
0x6e: {  	_ =	shalt  }
0x6f: {  	_ =	shalt  }
0x70: {  	_ =	shalt  }
0x71: {  	_ =	shalt  }
0x72: {  	_ =	shalt  }
0x73: {  	_ =	shalt  }
0x74: {  	_ =	shalt  }
0x75: {  	_ =	shalt  }
0x76: {  	_ =	shalt  }
0x77: {  	_ =	shalt  }
0x78: {  	_ =	shalt  }
0x79: {  	_ =	shalt  }
0x7a: {  	_ =	shalt  }
0x7b: {  	_ =	shalt  }
0x7c: {  	_ =	shalt  }
0x7d: {  	_ =	shalt  }
0x7e: {  	_ =	shalt  }
0x7f: {  	_ =	shalt  }
0x80: {  	_ =	shalt  }
0x81: {  	_ =	shalt  }
0x82: {  	_ =	shalt  }
0x83: {  	_ =	shalt  }
0x84: {  	_ =	shalt  }
0x85: {  	_ =	shalt  }
0x86: {  	_ =	shalt  }
0x87: {  	_ =	shalt  }
.Lfunc_end0:
.L_simem_size_0:
called_computation_lowered:
.L_overlay_start_0:
0x88: {  	s2 =	sld [smem:$0x3FD9]  }
0x89: {  	s3 =	sld [smem:$0x3FFE];
	_ =	sdelay $0x1  }
0x8a: {  	s1 =	srdreg.scid  }
0x8b: {  	s0 =	sand.u32 $0x1, s1  }
0x8c: {  	s17 =	sshll.u32 s0, $0xA;
	s2 =	sadd.s32 s3, s2  }
0x8d: {  	s2 =	sadd.s32 s2, s17  }
0x8e: {  	[smem:$0x3FC4] =	sst s2  }
0x8f: {  	_ = 	snop  }
0x90: {  	s2 =	sld [smem:$0x3FC7]  }
0x91: {  	s18 =	sld [smem:$0x3FC6]  }
0x92: {  	s4 =	sld [smem:$0x3FD0];
	(tm) =	ssettm $0x1  }
0x93: {  	s5 =	sld [smem:$0x3FFB];
	_ =	sdelay $0x3  }
0x94: {  	_ =	strace s5  }
0x95: {  	s5 =	sld [smem:$0x3FFC];
	_ =	sdelay $0x3  }
0x96: {  	_ =	strace s5  }
0x97: {  	s5 =	sld [smem:$0x3FFD];
	_ =	sdelay $0x3  }
0x98: {  	_ =	strace s5  }
0x99: {  	_ =	strace $0x8FFFFFFF  }
0x9a: {  	s19 =	sld [smem:$0x3FDB];
	_ =	sdelay $0x1  }
0x9b: {  	s6 =	simm.s32 $_scs_section_size  }
0x9c: {  	s7 =	simm.s32 $_size__tile_overlayer_lowered;
	s8 =	simm.s32 $_tile_overlayer_lowered  }
0x9d: {  	s22 =	simm.s32 $0x1BFF;
	s21 =	sshll.u32 s8, $0x1;
	s5 =	sadd.s32 s6, s19  }
0x9e: {  	s9 =	simm.s32 $0x0;
	s20 =	sshll.u32 s7, $0x1;
	s7 =	sadd.s32 s21, s5  }
0x9f: {  	[timem:s9], [sflag:s22] =	dma.local [hbm:s7], s20  }
0xa0: {  	_ =	swait.ge [sflag:s22], s20  }
0xa1: {  	s6 =	ssub.s32 $0x0, s20;
	[sflag:s22] =	ssyncset.done $0x0  }
0xa2: {  	[sflag:s22] =	ssyncadd.s32 s6;
	_ =	sdelay $0x1  }
0xa3: {  	s23 =	simm.s32 $0x1B8B  }
0xa4: {  	_ =	swait.ge [sflag:s23], $0x1  }
0xa5: {  	[sflag:s23] =	ssyncset.done $0x0  }
0xa6: {  	s25 =	simm.s32 $0x1B8E;
	s24 =	sld [smem:$0x3FFE];
	[sflag:s23] =	ssyncadd.s32 $0xFFFFFFFF  }
0xa7: {  	s26 =	simm.s32 $execute0_lowered;
	[smem:$0x3FD2] =	sst s25  }
0xa8: {  	s7 =	sshll.u32 s26, $0x1;
	_ =	strace $0x80000046;
	[dreg:$0x1] =	wrdreg $0xFFFFFFFF  }
0xa9: {  	s28 =	simm.s32 $_size_execute0_lowered;
	s5 =	sadd.s32 s5, s7;
	[dreg:$0x0] =	wrdreg $0x0  }
0xaa: {  	s7 =	sshll.u32 s28, $0x1;
	[dreg:$0x2] =	wrdreg s5  }
0xab: {  	[dreg:$0x3] =	wrdreg s7  }
0xac: {  	[dreg:$0x4] =	wrdreg $0xC0  }
0xad: {  	_ =	task [dreg:s9], $0x5FFFF  }
0xae: {  	[dreg:$0x1] =	wrdreg $0xFFFFFFFF  }
0xaf: {  	[dreg:$0x0] =	wrdreg $0x60  }
0xb0: {  	[dreg:$0x2] =	wrdreg s24  }
0xb1: {  	[dreg:$0x3] =	wrdreg s2  }
0xb2: {  	[dreg:$0x4] =	wrdreg s18  }
0xb3: {  	[dreg:$0x5] =	wrdreg s4  }
0xb4: {  	[dreg:$0x6] =	wrdreg $0x9  }
0xb5: {  	_ =	task.clear_ibuf [dreg:s9], $0x7FFFF;
	_ =	strace $0x90000046  }
0xb6: {  	s29 =	simm.s32 $0x9;
	_ =	strace $0x80000048  }
0xb7: {  	_ =	swait.ge [sflag:s29], $0x1  }
0xb8: {  	[sflag:s29] =	ssyncadd.s32 $0xFFFFFFFF  }
0xb9: {  	_ =	strace $0x90000048  }
0xba: {  	_ =	sfence  }
0xbb: {  	s30 =	sld [smem:$0x0];
	_ =	sdelay $0x2  }
0xbc: {  	s31 =	sshll.u32 s1, $0xD;
	s1 =	sshrl.u32 s1, $0x2  }
0xbd: {  	s3 =	sand.u32 $0x4000, s31;
	s1 =	sadd.s32 s1, s30  }
0xbe: {  	s0 =	sor.u32 s3, s0;
	s1 =	sshll.u32 s1, $0x11  }
0xbf: {  	s0 =	sor.u32 s1, s0  }
0xc0: {  	s0 =	sadd.s32 $0x8F2B, s0  }
0xc1: {  	[sflag:s0] =	ssyncadd.remote.s32 $0x1  }
0xc2: {  	_ =	sfence.sel $0xFFFF  }
0xc3: {  	[dreg:$0x0] =	wrdreg $0xFFFFFFFF;
	(pc) =	sbr.abs _section_cstart, $3  }
0xc4: {  	[dreg:$0x1] =	wrdreg $0xFFFFFFFF  }
0xc5: {  	_ =	task.clear_ibuf [dreg:s9], $0x2FFFF;
	_ =	strace $0x9FFFFFFF  }
0xc6: {  	(tm) =	ssettm $0x7FFFFFFF  }
0xc7: {  	_ =	shalt  }
tec
execute0_lowered:
.L_overlay_start_1:
0x0: {  	(tag) =	ssettag $0x1  }
0x1: {  	s0 =	rddreg [dreg:$0x0]  }
0x2: {  	s1 =	rddreg [dreg:$0x1];
	s2 =	srdreg.scid  }
0x3: {  	s4 =	stileid.u32;
	s3 =	rddreg [dreg:$0x2];
	v0 =	vimm.s32 $0xEFCDAB89  }
0x4: {  	s7 =	rddreg [dreg:$0x3];
	v1 =	vimm.s32 $0x67452301;
	v2 =	vimm.s32 $0xDCFE98BA;
	s10 =	simm.s32 $0x64;
	s12 =	simm.s32 $0x5  }
0x5: {  	v3 =	vimm.s32 $0x54761032;
	s15 =	simm.s32 $0x6600;
	s16 =	simm.s32 $0x1A68;
	s17 =	simm.s32 $0x12E00  }
0x6: {  	v4 =	vimm.s32 $0xBA98FEDC;
	s18 =	simm.s32 $0xD0;
	s19 =	simm.s32 $0x9800;
	s20 =	simm.s32 $0x1AD0  }
0x7: {  	v5 =	vimm.s32 $0xFEDCBA98;
	v6 =	vimm.s32 $0x32107654;
	s21 =	simm.s32 $0x16000;
	s22 =	simm.s32 $0x1;
	s23 =	simm.s32 $0x1C400;
	v0 =	vunpack.c.l.s4.s8 v0  }
0x8: {  	s24 =	simm.s32 $0xCA00;
	s25 =	simm.s32 $0x19200;
	s26 =	simm.s32 $0x2;
	v1 =	vunpack.c.l.s4.s8 v1;
	v2 =	vunpack.c.l.s4.s8 v2;
	v3 =	vunpack.c.l.s4.s8 v3  }
0x9: {  	v7 =	vimm.s32 $0x76543210;
	s28 =	simm.s32 $0x3;
	s2 =	sand.u32 $0x1, s2;
	s4 =	sshll.u32 s4, $0x1;
	v5 =	vunpack.c.l.s4.s8 v5;
	v0 =	vunpack.c.0.s8.s32 v0  }
0xa: {  	s29 =	simm.s32 $0x4;
	s30 =	simm.s32 $0x0;
	s6 =	sor.u32 s2, s4;
	v1 =	vunpack.c.0.s8.s32 v1;
	v2 =	vunpack.c.0.s8.s32 v2;
	v3 =	vunpack.c.0.s8.s32 v3  }
.Ltmp0:
0xb: {  	v4 =	vunpack.c.l.s4.s8 v4;
	v6 =	vunpack.c.l.s4.s8 v6;
	v7 =	vunpack.c.l.s4.s8 v7;
	s4 =	simm.s32 $0x0;
	s2 =	ssub.s32 $0x2, s2;
	(pc) =	sbr.rel .LBB2_1-.Ltmp0, $4  }
0xc: {  	s5 =	smul.u32 $0x340, s6;
	[smem:$0x7FF] =	sst s4;
	s31 =	sshrl.u32 s2, $0x1;
	v0 =	vcombine.low v1, v0;
	v1 =	vcombine.low v3, v2;
	v2 =	vunpack.c.0.s8.s32 v5  }
0xd: {  	s8 =	sshll.u32 s6, $0x4;
	_ =	strace $0x80000047;
	s2 =	ssub.s32 s2, s31;
	v3 =	vunpack.c.0.s8.s32 v4;
	v4 =	vunpack.c.0.s8.s32 v6;
	v5 =	vunpack.c.0.s8.s32 v7  }
0xe: {  	vm0 =	vcmask $0x300;
	s7 =	sadd.s32 s7, s8;
	s8 =	simm.s32 $0x1A00;
	s0 =	sadd.s32 s5, s0;
	v7 =	vimm.s32 $0x0;
	v6 =	vand.u32 $0xF, v2  }
0xf: {  	s9 =	smax.u32 s2, $0x1;
	s5 =	sadd.s32 $0x400, s0;
	s6 =	sadd.s32 $0x6C00, s0;
	v2 =	vcombine.low v4, v3;
	v4 =	vsel vm0, $0x3, v7;
	v3 =	vcombine.low v6, v5  }
.LBB2_20:
0x10: {  	s30 =	sadd.s32 $0x1, s30  }
0x11: {  	p0 =	sne.s32 s30, s9  }
.Ltmp1:
0x12: {  	_ = 	snop;
	(pc) =	sbr.rel @!p0 .LBB2_21-.Ltmp1, $4  }
0x13: {  	[hbm4b:s7+s4] =	stream.linear.scatter [tilespmem:s23], [sflag:$0x5], $0x80, $0x38;
	[tilespmem:$0x1C480] =	vst v63  }
0x14: {  	_ =	swait.ge [sflag:s12], $0x80  }
0x15: {  	[sflag:s12] =	ssyncset.done $0x0  }
0x16: {  	[sflag:s12] =	ssyncadd.s32 $0xFFFFFF80  }
.LBB2_1:
0x17: {  	[tilespmem:s4], [sflag:$0x5] =	stream.linear.gather [hbm4b:s5+s4], $0x1A00, $0x38;
	[tilespmem:$0x1C480] =	vst v63  }
0x18: {  	_ =	swait.ge [sflag:s12], $0x1A00  }
0x19: {  	[sflag:s12] =	ssyncset.done $0x0  }
0x1a: {  	[sflag:s12] =	ssyncadd.s32 $0xFFFFE600  }
0x1b: {  	[tilespmem:s8], [sflag:$0x5] =	stream.linear.gather [hbm4b:s6+s4], $0x1A00, $0x38;
	[tilespmem:$0x1C480] =	vst v63  }
0x1c: {  	_ =	swait.ge [sflag:s12], $0x1A00  }
0x1d: {  	[sflag:s12] =	ssyncset.done $0x0  }
0x1e: {  	s0 =	simm.s32 $0x3400;
	[sflag:s12] =	ssyncadd.s32 $0xFFFFE600  }
0x1f: {  	[tilespmem:s0], [sflag:$0x1] =	stream.indirect.gather [hbm4b:s1+s10], $0x80, s4, s10, $0xb8;
	[tilespmem:$0x1C480] =	vst v63  }
0x20: {  	s13 =	simm.s32 $0xFC00  }
0x21: {  	[tilespmem:s13], [sflag:$0x1] =	stream.indirect.gather [hbm4b:s3+s10], $0x80, s8, s10, $0xb8;
	[tilespmem:$0x1C480] =	vst v63  }
0x22: {  	s14 =	simm.s32 $0x68  }
0x23: {  	[tilespmem:s15], [sflag:$0x2] =	stream.indirect.gather [hbm4b:s1+s10], $0x80, s14, s10, $0xb8;
	[tilespmem:$0x1C480] =	vst v63  }
0x24: {  	_ = 	snop  }
0x25: {  	[tilespmem:s17], [sflag:$0x2] =	stream.indirect.gather [hbm4b:s3+s10], $0x80, s16, s10, $0xb8;
	[tilespmem:$0x1C480] =	vst v63  }
0x26: {  	_ = 	snop  }
0x27: {  	[tilespmem:s19], [sflag:$0x3] =	stream.indirect.gather [hbm4b:s1+s10], $0x80, s18, s10, $0xb8;
	[tilespmem:$0x1C480] =	vst v63  }
0x28: {  	s31 =	simm.s32 $0x0  }
0x29: {  	[tilespmem:s21], [sflag:$0x3] =	stream.indirect.gather [hbm4b:s3+s10], $0x80, s20, s10, $0xb8;
	[tilespmem:$0x1C480] =	vst v63  }
.LBB2_2:
0x2a: {  	_ =	swait.ge [sflag:s22], $0x3200  }
0x2b: {  	[sflag:s22] =	ssyncset.done $0x0  }
0x2c: {  	[sflag:s22] =	ssyncadd.s32 $0xFFFFCE00  }
0x2d: {  	_ =	swait.ge [sflag:s22], $0x3200  }
0x2e: {  	[sflag:s22] =	ssyncset.done $0x0  }
0x2f: {  	s2 =	simm.s32 $0x3480;
	[sflag:s22] =	ssyncadd.s32 $0xFFFFCE00  }
0x30: {  	s0 =	simm.s32 $0xFC80;
	v7 =	vld [tilespmem:s2+$0x0]  }
0x31: {  	v8 =	vld [tilespmem:s0+$0x0]  }
0x32: {  	v9 =	vld [tilespmem:s2+$0x10]  }
0x33: {  	v10 =	vld [tilespmem:s0+$0x10]  }
0x34: {  	v11 =	vld [tilespmem:s2+$0x20]  }
0x35: {  	v12 =	vld [tilespmem:s0+$0x20]  }
0x36: {  	v13 =	vld [tilespmem:s2+$0x30]  }
0x37: {  	v14 =	vld [tilespmem:s0+$0x30]  }
0x38: {  	v22 =	vld [tilespmem:s2+$0x40]  }
0x39: {  	v23 =	vld [tilespmem:s0+$0x40]  }
0x3a: {  	v25 =	vld [tilespmem:s2+$0x50]  }
0x3b: {  	v26 =	vld [tilespmem:s0+$0x50]  }
0x3c: {  	v5 =	vld [tilespmem:s2+$0x60]  }
0x3d: {  	v6 =	vld [tilespmem:s0+$0x60]  }
0x3e: {  	v24 =	vld [tilespmem:s2+$0xFFFFFF80]  }
0x3f: {  	v27 =	vld [tilespmem:s0+$0xFFFFFF80]  }
0x40: {  	v28 =	vld [tilespmem:s2+$0xFFFFFF90]  }
0x41: {  	v29 =	vld [tilespmem:s0+$0xFFFFFF90]  }
0x42: {  	v30 =	vld [tilespmem:s2+$0xFFFFFFA0]  }
0x43: {  	v31 =	vld [tilespmem:s0+$0xFFFFFFA0]  }
0x44: {  	v32 =	vld [tilespmem:s2+$0xFFFFFFB0]  }
0x45: {  	v33 =	vld [tilespmem:s0+$0xFFFFFFB0]  }
0x46: {  	v34 =	vld [tilespmem:s2+$0xFFFFFFC0]  }
0x47: {  	v35 =	vld [tilespmem:s0+$0xFFFFFFC0]  }
0x48: {  	v18 =	vld [tilespmem:s2+$0xFFFFFFD0];
	v16 =	vmul.f32 v8, v7  }
0x49: {  	v20 =	vld [tilespmem:s0+$0xFFFFFFD0];
	v19 =	vmul.f32 v10, v9;
	v15 =	vmul.f32 v12, v11  }
0x4a: {  	v21 =	vld [tilespmem:s2+$0xFFFFFFE0];
	v17 =	vmul.f32 v14, v13;
	v13 =	vmul.f32 v23, v22  }
0x4b: {  	v23 =	vld [tilespmem:s0+$0xFFFFFFE0];
	v8 =	vmul.f32 v27, v24;
	v9 =	vmul.f32 v29, v28  }
0x4c: {  	v7 =	vimm.f32 $0.0e+00;
	v24 =	vld [tilespmem:s2+$0xFFFFFFF0];
	v14 =	vmul.f32 v26, v25;
	v30 =	vmul.f32 v31, v30  }
0x4d: {  	v25 =	vld [tilespmem:s0+$0xFFFFFFF0];
	v31 =	vmul.f32 v33, v32;
	v27 =	vmul.f32 v35, v34;
	v12 =	vimm.f32 $0.0e+00  }
0x4e: {  	v22 =	vld [tilespmem:s2+$0x70];
	v11 =	vimm.f32 $0.0e+00;
	v10 =	vimm.f32 $0.0e+00;
	v28 =	vadd.f32 v8, v7  }
0x4f: {  	s11 =	simm.s32 $0x3580;
	s2 =	simm.s32 $0x0;
	v26 =	vld [tilespmem:s0+$0x70];
	v29 =	vadd.f32 v9, v7;
	v8 =	vimm.f32 $0.0e+00;
	v9 =	vimm.f32 $0.0e+00  }
.LBB2_3:
0x50: {  	v32 =	vld [tilespmem:s11+$0x0];
	v7 =	vadd.f32 v30, v7;
	v12 =	vadd.f32 v31, v12;
	v18 =	vmul.f32 v20, v18;
	s0 =	sadd.s32 $0x100, s0  }
0x51: {  	v20 =	vmul.f32 v23, v21;
	v30 =	vld [tilespmem:s0+$0x0];
	v28 =	vadd.f32 v16, v28;
	v29 =	vadd.f32 v19, v29  }
0x52: {  	v19 =	vld [tilespmem:s11+$0x10];
	v16 =	vmul.f32 v25, v24;
	v7 =	vadd.f32 v15, v7;
	v12 =	vadd.f32 v17, v12  }
0x53: {  	v5 =	vmul.f32 v6, v5;
	v8 =	vadd.f32 v27, v8;
	v11 =	vadd.f32 v18, v11;
	v15 =	vld [tilespmem:s0+$0x10]  }
0x54: {  	v6 =	vadd.f32 v20, v9;
	v17 =	vld [tilespmem:s11+$0x20];
	v10 =	vadd.f32 v16, v10;
	v16 =	vmul.f32 v26, v22  }
0x55: {  	v8 =	vadd.f32 v13, v8;
	v11 =	vadd.f32 v14, v11;
	v22 =	vld [tilespmem:s0+$0x20]  }
0x56: {  	v9 =	vadd.f32 v5, v6;
	v13 =	vld [tilespmem:s11+$0x30];
	v10 =	vadd.f32 v16, v10  }
0x57: {  	v14 =	vld [tilespmem:s0+$0x30]  }
0x58: {  	v25 =	vld [tilespmem:s11+$0x40]  }
0x59: {  	v26 =	vld [tilespmem:s0+$0x40]  }
0x5a: {  	v27 =	vld [tilespmem:s11+$0x50]  }
0x5b: {  	v31 =	vld [tilespmem:s0+$0x50]  }
0x5c: {  	v5 =	vld [tilespmem:s11+$0x60]  }
0x5d: {  	v6 =	vld [tilespmem:s0+$0x60]  }
0x5e: {  	v33 =	vld [tilespmem:s11+$0xFFFFFF80]  }
0x5f: {  	v34 =	vld [tilespmem:s0+$0xFFFFFF80]  }
0x60: {  	v35 =	vld [tilespmem:s11+$0xFFFFFF90]  }
0x61: {  	v36 =	vld [tilespmem:s0+$0xFFFFFF90]  }
0x62: {  	v37 =	vld [tilespmem:s11+$0xFFFFFFA0]  }
0x63: {  	v38 =	vld [tilespmem:s0+$0xFFFFFFA0]  }
0x64: {  	v39 =	vld [tilespmem:s11+$0xFFFFFFB0]  }
0x65: {  	v40 =	vld [tilespmem:s0+$0xFFFFFFB0]  }
0x66: {  	v41 =	vld [tilespmem:s11+$0xFFFFFFC0]  }
0x67: {  	v42 =	vld [tilespmem:s0+$0xFFFFFFC0]  }
0x68: {  	v18 =	vld [tilespmem:s11+$0xFFFFFFD0]  }
0x69: {  	s2 =	sadd.s32 $0x2, s2;
	v20 =	vld [tilespmem:s0+$0xFFFFFFD0]  }
0x6a: {  	p0 =	slt.u32 s2, $0x30;
	v16 =	vmul.f32 v30, v32;
	v19 =	vmul.f32 v15, v19;
	v21 =	vld [tilespmem:s11+$0xFFFFFFE0]  }
.Ltmp2:
0x6b: {  	v15 =	vmul.f32 v22, v17;
	v17 =	vmul.f32 v14, v13;
	v23 =	vld [tilespmem:s0+$0xFFFFFFE0];
	(pc) =	sbr.rel @p0 .LBB2_3-.Ltmp2, $4  }
0x6c: {  	v13 =	vmul.f32 v26, v25;
	v14 =	vmul.f32 v31, v27;
	v24 =	vld [tilespmem:s11+$0xFFFFFFF0]  }
0x6d: {  	v26 =	vmul.f32 v34, v33;
	v27 =	vmul.f32 v36, v35;
	v25 =	vld [tilespmem:s0+$0xFFFFFFF0]  }
0x6e: {  	v30 =	vmul.f32 v38, v37;
	v31 =	vmul.f32 v40, v39;
	v22 =	vld [tilespmem:s11+$0x70]  }
0x6f: {  	v28 =	vadd.f32 v26, v28;
	v29 =	vadd.f32 v27, v29;
	v27 =	vmul.f32 v42, v41;
	s11 =	sadd.s32 $0x100, s11;
	v26 =	vld [tilespmem:s0+$0x70]  }
0x70: {  	v7 =	vadd.f32 v30, v7;
	v12 =	vadd.f32 v31, v12;
	v18 =	vmul.f32 v20, v18  }
0x71: {  	v20 =	vmul.f32 v23, v21;
	v16 =	vadd.f32 v16, v28;
	v19 =	vadd.f32 v19, v29  }
0x72: {  	v8 =	vadd.f32 v27, v8;
	v21 =	vmul.f32 v25, v24;
	v7 =	vadd.f32 v15, v7  }
0x73: {  	v5 =	vmul.f32 v6, v5;
	v12 =	vadd.f32 v17, v12;
	v11 =	vadd.f32 v18, v11  }
0x74: {  	v6 =	vadd.f32 v20, v9;
	v9 =	vadd.f32 v21, v10;
	v10 =	vmul.f32 v26, v22  }
0x75: {  	v8 =	vadd.f32 v13, v8;
	v11 =	vadd.f32 v14, v11  }
0x76: {  	v5 =	vadd.f32 v5, v6;
	v6 =	vadd.f32 v10, v9  }
0x77: {  	v7 =	vadd.f32 v12, v7;
	v9 =	vadd.f32 v19, v16  }
0x78: {  	v8 =	vadd.f32 v11, v8;
	v5 =	vadd.f32 v6, v5;
	_ =	sdelay $0x1  }
0x79: {  	v6 =	vadd.f32 v7, v9;
	v5 =	vadd.f32 v5, v8;
	_ =	sdelay $0x1  }
0x7a: {  	v5 =	vadd.f32 v5, v6;
	_ =	sdelay $0x1  }
0x7b: {  	v6 =	vperm.xlane v5, v0;
	_ =	sdelay $0x1  }
0x7c: {  	v5 =	vadd.f32 v6, v5;
	_ =	sdelay $0x1  }
0x7d: {  	v6 =	vperm.xlane v5, v1;
	_ =	sdelay $0x1  }
0x7e: {  	s0 =	sshll.u32 s31, $0x3;
	v6 =	vadd.f32 v6, v5  }
0x7f: {  	v5 =	vmov s0  }
0x80: {  	v5 =	vshrl.u32 v5, $0x3;
	v7 =	vperm.xlane v6, v2  }
0x81: {  	v5 =	vshll.u32 v5, v4  }
0x82: {  	v6 =	vadd.f32 v7, v6;
	v7 =	vbroadcast v5, $0x0;
	_ =	sdelay $0x1  }
0x83: {  	v8 =	vperm.xlane v6, v3;
	_ =	sdelay $0x1  }
0x84: {  	v6 =	vadd.f32 v8, v6;
	_ =	sdelay $0x1  }
0x85: {  	s2 =	simm.s32 $0x4DF0;
	[tilespmem:v7+s23+$0x0] =	vst.idx.msk $0x1, v6  }
0x86: {  	s0 =	simm.s32 $0x115F0;
	v8 =	vld [tilespmem:s2+$0xFFFFFF90]  }
0x87: {  	v9 =	vld [tilespmem:s0+$0xFFFFFF90]  }
0x88: {  	v10 =	vld [tilespmem:s2+$0xFFFFFFA0]  }
0x89: {  	v11 =	vld [tilespmem:s0+$0xFFFFFFA0]  }
0x8a: {  	v12 =	vld [tilespmem:s2+$0xFFFFFFB0]  }
0x8b: {  	v13 =	vld [tilespmem:s0+$0xFFFFFFB0]  }
0x8c: {  	v14 =	vld [tilespmem:s2+$0xFFFFFFC0]  }
0x8d: {  	v15 =	vld [tilespmem:s0+$0xFFFFFFC0]  }
0x8e: {  	v23 =	vld [tilespmem:s2+$0xFFFFFFD0]  }
0x8f: {  	v24 =	vld [tilespmem:s0+$0xFFFFFFD0]  }
0x90: {  	v26 =	vld [tilespmem:s2+$0xFFFFFFE0]  }
0x91: {  	v27 =	vld [tilespmem:s0+$0xFFFFFFE0]  }
0x92: {  	v6 =	vld [tilespmem:s2+$0xFFFFFFF0]  }
0x93: {  	v7 =	vld [tilespmem:s0+$0xFFFFFFF0]  }
0x94: {  	v25 =	vld [tilespmem:s2+$0xFFFFFF10]  }
0x95: {  	v28 =	vld [tilespmem:s0+$0xFFFFFF10]  }
0x96: {  	v29 =	vld [tilespmem:s2+$0xFFFFFF20]  }
0x97: {  	v30 =	vld [tilespmem:s0+$0xFFFFFF20]  }
0x98: {  	v31 =	vld [tilespmem:s2+$0xFFFFFF30]  }
0x99: {  	v32 =	vld [tilespmem:s0+$0xFFFFFF30]  }
0x9a: {  	v33 =	vld [tilespmem:s2+$0xFFFFFF40]  }
0x9b: {  	v34 =	vld [tilespmem:s0+$0xFFFFFF40]  }
0x9c: {  	v35 =	vld [tilespmem:s2+$0xFFFFFF50]  }
0x9d: {  	v36 =	vld [tilespmem:s0+$0xFFFFFF50]  }
0x9e: {  	v19 =	vld [tilespmem:s2+$0xFFFFFF60];
	v17 =	vmul.f32 v9, v8  }
0x9f: {  	v21 =	vld [tilespmem:s0+$0xFFFFFF60];
	v20 =	vmul.f32 v11, v10;
	v16 =	vmul.f32 v13, v12  }
0xa0: {  	v22 =	vld [tilespmem:s2+$0xFFFFFF70];
	v18 =	vmul.f32 v15, v14;
	v14 =	vmul.f32 v24, v23  }
0xa1: {  	v24 =	vld [tilespmem:s0+$0xFFFFFF70];
	v9 =	vmul.f32 v28, v25;
	v10 =	vmul.f32 v30, v29  }
0xa2: {  	v8 =	vimm.f32 $0.0e+00;
	v25 =	vld [tilespmem:s2+$0xFFFFFF80];
	v15 =	vmul.f32 v27, v26;
	v31 =	vmul.f32 v32, v31  }
0xa3: {  	v26 =	vld [tilespmem:s0+$0xFFFFFF80];
	v32 =	vmul.f32 v34, v33;
	v28 =	vmul.f32 v36, v35;
	v13 =	vimm.f32 $0.0e+00  }
0xa4: {  	v23 =	vld [tilespmem:s2+$0x0];
	v12 =	vimm.f32 $0.0e+00;
	v11 =	vimm.f32 $0.0e+00;
	v29 =	vadd.f32 v9, v8  }
0xa5: {  	s11 =	simm.s32 $0x4EF0;
	s2 =	simm.s32 $0x0;
	v27 =	vld [tilespmem:s0+$0x0];
	v30 =	vadd.f32 v10, v8;
	v9 =	vimm.f32 $0.0e+00;
	v10 =	vimm.f32 $0.0e+00  }
.LBB2_5:
0xa6: {  	v33 =	vld [tilespmem:s11+$0xFFFFFF90];
	v8 =	vadd.f32 v31, v8;
	v13 =	vadd.f32 v32, v13;
	v19 =	vmul.f32 v21, v19;
	s0 =	sadd.s32 $0x100, s0  }
0xa7: {  	v21 =	vmul.f32 v24, v22;
	v31 =	vld [tilespmem:s0+$0xFFFFFF90];
	v29 =	vadd.f32 v17, v29;
	v30 =	vadd.f32 v20, v30  }
0xa8: {  	v20 =	vld [tilespmem:s11+$0xFFFFFFA0];
	v17 =	vmul.f32 v26, v25;
	v8 =	vadd.f32 v16, v8;
	v13 =	vadd.f32 v18, v13  }
0xa9: {  	v6 =	vmul.f32 v7, v6;
	v9 =	vadd.f32 v28, v9;
	v12 =	vadd.f32 v19, v12;
	v16 =	vld [tilespmem:s0+$0xFFFFFFA0]  }
0xaa: {  	v7 =	vadd.f32 v21, v10;
	v18 =	vld [tilespmem:s11+$0xFFFFFFB0];
	v11 =	vadd.f32 v17, v11;
	v17 =	vmul.f32 v27, v23  }
0xab: {  	v9 =	vadd.f32 v14, v9;
	v12 =	vadd.f32 v15, v12;
	v23 =	vld [tilespmem:s0+$0xFFFFFFB0]  }
0xac: {  	v10 =	vadd.f32 v6, v7;
	v14 =	vld [tilespmem:s11+$0xFFFFFFC0];
	v11 =	vadd.f32 v17, v11  }
0xad: {  	v15 =	vld [tilespmem:s0+$0xFFFFFFC0]  }
0xae: {  	v26 =	vld [tilespmem:s11+$0xFFFFFFD0]  }
0xaf: {  	v27 =	vld [tilespmem:s0+$0xFFFFFFD0]  }
0xb0: {  	v28 =	vld [tilespmem:s11+$0xFFFFFFE0]  }
0xb1: {  	v32 =	vld [tilespmem:s0+$0xFFFFFFE0]  }
0xb2: {  	v6 =	vld [tilespmem:s11+$0xFFFFFFF0]  }
0xb3: {  	v7 =	vld [tilespmem:s0+$0xFFFFFFF0]  }
0xb4: {  	v34 =	vld [tilespmem:s11+$0xFFFFFF10]  }
0xb5: {  	v35 =	vld [tilespmem:s0+$0xFFFFFF10]  }
0xb6: {  	v36 =	vld [tilespmem:s11+$0xFFFFFF20]  }
0xb7: {  	v37 =	vld [tilespmem:s0+$0xFFFFFF20]  }
0xb8: {  	v38 =	vld [tilespmem:s11+$0xFFFFFF30]  }
0xb9: {  	v39 =	vld [tilespmem:s0+$0xFFFFFF30]  }
0xba: {  	v40 =	vld [tilespmem:s11+$0xFFFFFF40]  }
0xbb: {  	v41 =	vld [tilespmem:s0+$0xFFFFFF40]  }
0xbc: {  	v42 =	vld [tilespmem:s11+$0xFFFFFF50]  }
0xbd: {  	v43 =	vld [tilespmem:s0+$0xFFFFFF50]  }
0xbe: {  	v19 =	vld [tilespmem:s11+$0xFFFFFF60]  }
0xbf: {  	s2 =	sadd.s32 $0x2, s2;
	v21 =	vld [tilespmem:s0+$0xFFFFFF60]  }
0xc0: {  	p0 =	slt.u32 s2, $0x30;
	v17 =	vmul.f32 v31, v33;
	v20 =	vmul.f32 v16, v20;
	v22 =	vld [tilespmem:s11+$0xFFFFFF70]  }
.Ltmp3:
0xc1: {  	v16 =	vmul.f32 v23, v18;
	v18 =	vmul.f32 v15, v14;
	v24 =	vld [tilespmem:s0+$0xFFFFFF70];
	(pc) =	sbr.rel @p0 .LBB2_5-.Ltmp3, $4  }
0xc2: {  	v14 =	vmul.f32 v27, v26;
	v15 =	vmul.f32 v32, v28;
	v25 =	vld [tilespmem:s11+$0xFFFFFF80]  }
0xc3: {  	v27 =	vmul.f32 v35, v34;
	v28 =	vmul.f32 v37, v36;
	v26 =	vld [tilespmem:s0+$0xFFFFFF80]  }
0xc4: {  	v31 =	vmul.f32 v39, v38;
	v32 =	vmul.f32 v41, v40;
	v23 =	vld [tilespmem:s11+$0x0]  }
0xc5: {  	v29 =	vadd.f32 v27, v29;
	v30 =	vadd.f32 v28, v30;
	v28 =	vmul.f32 v43, v42;
	s11 =	sadd.s32 $0x100, s11;
	v27 =	vld [tilespmem:s0+$0x0]  }
0xc6: {  	v8 =	vadd.f32 v31, v8;
	v13 =	vadd.f32 v32, v13;
	v19 =	vmul.f32 v21, v19  }
0xc7: {  	v21 =	vmul.f32 v24, v22;
	v17 =	vadd.f32 v17, v29;
	v20 =	vadd.f32 v20, v30  }
0xc8: {  	v9 =	vadd.f32 v28, v9;
	v22 =	vmul.f32 v26, v25;
	v8 =	vadd.f32 v16, v8  }
0xc9: {  	v6 =	vmul.f32 v7, v6;
	v13 =	vadd.f32 v18, v13;
	v12 =	vadd.f32 v19, v12  }
0xca: {  	v7 =	vadd.f32 v21, v10;
	v10 =	vadd.f32 v22, v11;
	v11 =	vmul.f32 v27, v23  }
0xcb: {  	v9 =	vadd.f32 v14, v9;
	v12 =	vadd.f32 v15, v12  }
0xcc: {  	v6 =	vadd.f32 v6, v7;
	v7 =	vadd.f32 v11, v10  }
0xcd: {  	v8 =	vadd.f32 v13, v8;
	v10 =	vadd.f32 v20, v17  }
0xce: {  	v9 =	vadd.f32 v12, v9;
	v6 =	vadd.f32 v7, v6;
	_ =	sdelay $0x1  }
0xcf: {  	v7 =	vadd.f32 v8, v10;
	v6 =	vadd.f32 v6, v9;
	_ =	sdelay $0x1  }
0xd0: {  	v6 =	vadd.f32 v6, v7;
	_ =	sdelay $0x1  }
0xd1: {  	v7 =	vperm.xlane v6, v0;
	_ =	sdelay $0x1  }
0xd2: {  	v6 =	vadd.f32 v7, v6;
	_ =	sdelay $0x1  }
0xd3: {  	v7 =	vperm.xlane v6, v1;
	_ =	sdelay $0x1  }
0xd4: {  	v6 =	vadd.f32 v7, v6;
	_ =	sdelay $0x1  }
0xd5: {  	v7 =	vperm.xlane v6, v2  }
0xd6: {  	v8 =	vadd.s32 $0x1, v5  }
0xd7: {  	v6 =	vadd.f32 v7, v6;
	v7 =	vbroadcast v8, $0x0;
	_ =	sdelay $0x1  }
0xd8: {  	v8 =	vperm.xlane v6, v3;
	_ =	sdelay $0x1  }
0xd9: {  	s2 =	sshllo.u32 s31, $0x2;
	v6 =	vadd.f32 v8, v6  }
0xda: {  	s0 =	smul.u32 $0x68, s2  }
0xdb: {  	[tilespmem:v7+s23+$0x0] =	vst.idx.msk $0x1, v6  }
0xdc: {  	[tilespmem:s24], [sflag:$0x4] =	stream.indirect.gather [hbm4b:s1+s10], $0x80, s0, s10, $0xb8;
	[tilespmem:$0x1C480] =	vst v63  }
0xdd: {  	s0 =	sadd.s32 $0x1A00, s0  }
0xde: {  	[tilespmem:s25], [sflag:$0x4] =	stream.indirect.gather [hbm4b:s3+s10], $0x80, s0, s10, $0xb8;
	[tilespmem:$0x1C480] =	vst v63  }
0xdf: {  	_ =	swait.ge [sflag:s26], $0x3200  }
0xe0: {  	[sflag:s26] =	ssyncset.done $0x0  }
0xe1: {  	[sflag:s26] =	ssyncadd.s32 $0xFFFFCE00  }
0xe2: {  	_ =	swait.ge [sflag:s26], $0x3200  }
0xe3: {  	[sflag:s26] =	ssyncset.done $0x0  }
0xe4: {  	s11 =	simm.s32 $0x66F0;
	[sflag:s26] =	ssyncadd.s32 $0xFFFFCE00  }
0xe5: {  	s0 =	simm.s32 $0x12EF0;
	v8 =	vld [tilespmem:s11+$0xFFFFFF90]  }
0xe6: {  	v9 =	vld [tilespmem:s0+$0xFFFFFF90]  }
0xe7: {  	v10 =	vld [tilespmem:s11+$0xFFFFFFA0]  }
0xe8: {  	v11 =	vld [tilespmem:s0+$0xFFFFFFA0]  }
0xe9: {  	v12 =	vld [tilespmem:s11+$0xFFFFFFB0]  }
0xea: {  	v13 =	vld [tilespmem:s0+$0xFFFFFFB0]  }
0xeb: {  	v14 =	vld [tilespmem:s11+$0xFFFFFFC0]  }
0xec: {  	v15 =	vld [tilespmem:s0+$0xFFFFFFC0]  }
0xed: {  	v23 =	vld [tilespmem:s11+$0xFFFFFFD0]  }
0xee: {  	v24 =	vld [tilespmem:s0+$0xFFFFFFD0]  }
0xef: {  	v26 =	vld [tilespmem:s11+$0xFFFFFFE0]  }
0xf0: {  	v27 =	vld [tilespmem:s0+$0xFFFFFFE0]  }
0xf1: {  	v6 =	vld [tilespmem:s11+$0xFFFFFFF0]  }
0xf2: {  	v7 =	vld [tilespmem:s0+$0xFFFFFFF0]  }
0xf3: {  	v25 =	vld [tilespmem:s11+$0xFFFFFF10]  }
0xf4: {  	v28 =	vld [tilespmem:s0+$0xFFFFFF10]  }
0xf5: {  	v29 =	vld [tilespmem:s11+$0xFFFFFF20]  }
0xf6: {  	v30 =	vld [tilespmem:s0+$0xFFFFFF20]  }
0xf7: {  	v31 =	vld [tilespmem:s11+$0xFFFFFF30]  }
0xf8: {  	v63 =	vld [tilespmem:s0+$0xFFFFFF30]  }
0xf9: {  	v33 =	vld [tilespmem:s11+$0xFFFFFF40]  }
0xfa: {  	v34 =	vld [tilespmem:s0+$0xFFFFFF40]  }
0xfb: {  	v35 =	vld [tilespmem:s11+$0xFFFFFF50]  }
0xfc: {  	v36 =	vld [tilespmem:s0+$0xFFFFFF50]  }
0xfd: {  	v19 =	vld [tilespmem:s11+$0xFFFFFF60];
	v17 =	vmul.f32 v9, v8  }
0xfe: {  	v21 =	vld [tilespmem:s0+$0xFFFFFF60];
	v20 =	vmul.f32 v11, v10;
	v16 =	vmul.f32 v13, v12  }
0xff: {  	v22 =	vld [tilespmem:s11+$0xFFFFFF70];
	v18 =	vmul.f32 v15, v14;
	v14 =	vmul.f32 v24, v23  }
0x100: {  	v24 =	vld [tilespmem:s0+$0xFFFFFF70];
	v9 =	vmul.f32 v28, v25;
	v10 =	vmul.f32 v30, v29  }
0x101: {  	v8 =	vimm.f32 $0.0e+00;
	v25 =	vld [tilespmem:s11+$0xFFFFFF80];
	v15 =	vmul.f32 v27, v26;
	v31 =	vmul.f32 v63, v31  }
0x102: {  	v26 =	vld [tilespmem:s0+$0xFFFFFF80];
	v32 =	vmul.f32 v34, v33;
	v28 =	vmul.f32 v36, v35;
	v13 =	vimm.f32 $0.0e+00  }
0x103: {  	v23 =	vld [tilespmem:s11+$0x0];
	v12 =	vimm.f32 $0.0e+00;
	v11 =	vimm.f32 $0.0e+00;
	v29 =	vadd.f32 v9, v8  }
0x104: {  	s13 =	simm.s32 $0x67F0;
	s11 =	simm.s32 $0x0;
	v27 =	vld [tilespmem:s0+$0x0];
	v30 =	vadd.f32 v10, v8;
	v9 =	vimm.f32 $0.0e+00;
	v10 =	vimm.f32 $0.0e+00  }
.LBB2_7:
0x105: {  	v33 =	vld [tilespmem:s13+$0xFFFFFF90];
	v8 =	vadd.f32 v31, v8;
	v13 =	vadd.f32 v32, v13;
	v19 =	vmul.f32 v21, v19;
	s0 =	sadd.s32 $0x100, s0  }
0x106: {  	v21 =	vmul.f32 v24, v22;
	v31 =	vld [tilespmem:s0+$0xFFFFFF90];
	v29 =	vadd.f32 v17, v29;
	v30 =	vadd.f32 v20, v30  }
0x107: {  	v20 =	vld [tilespmem:s13+$0xFFFFFFA0];
	v17 =	vmul.f32 v26, v25;
	v8 =	vadd.f32 v16, v8;
	v13 =	vadd.f32 v18, v13  }
0x108: {  	v6 =	vmul.f32 v7, v6;
	v9 =	vadd.f32 v28, v9;
	v12 =	vadd.f32 v19, v12;
	v16 =	vld [tilespmem:s0+$0xFFFFFFA0]  }
0x109: {  	v7 =	vadd.f32 v21, v10;
	v18 =	vld [tilespmem:s13+$0xFFFFFFB0];
	v11 =	vadd.f32 v17, v11;
	v17 =	vmul.f32 v27, v23  }
0x10a: {  	v9 =	vadd.f32 v14, v9;
	v12 =	vadd.f32 v15, v12;
	v23 =	vld [tilespmem:s0+$0xFFFFFFB0]  }
0x10b: {  	v10 =	vadd.f32 v6, v7;
	v14 =	vld [tilespmem:s13+$0xFFFFFFC0];
	v11 =	vadd.f32 v17, v11  }
0x10c: {  	v15 =	vld [tilespmem:s0+$0xFFFFFFC0]  }
0x10d: {  	v26 =	vld [tilespmem:s13+$0xFFFFFFD0]  }
0x10e: {  	v27 =	vld [tilespmem:s0+$0xFFFFFFD0]  }
0x10f: {  	v28 =	vld [tilespmem:s13+$0xFFFFFFE0]  }
0x110: {  	v32 =	vld [tilespmem:s0+$0xFFFFFFE0]  }
0x111: {  	v6 =	vld [tilespmem:s13+$0xFFFFFFF0]  }
0x112: {  	v7 =	vld [tilespmem:s0+$0xFFFFFFF0]  }
0x113: {  	v34 =	vld [tilespmem:s13+$0xFFFFFF10]  }
0x114: {  	v35 =	vld [tilespmem:s0+$0xFFFFFF10]  }
0x115: {  	v36 =	vld [tilespmem:s13+$0xFFFFFF20]  }
0x116: {  	v37 =	vld [tilespmem:s0+$0xFFFFFF20]  }
0x117: {  	v38 =	vld [tilespmem:s13+$0xFFFFFF30]  }
0x118: {  	v39 =	vld [tilespmem:s0+$0xFFFFFF30]  }
0x119: {  	v40 =	vld [tilespmem:s13+$0xFFFFFF40]  }
0x11a: {  	v41 =	vld [tilespmem:s0+$0xFFFFFF40]  }
0x11b: {  	v42 =	vld [tilespmem:s13+$0xFFFFFF50]  }
0x11c: {  	v43 =	vld [tilespmem:s0+$0xFFFFFF50]  }
0x11d: {  	v19 =	vld [tilespmem:s13+$0xFFFFFF60]  }
0x11e: {  	s11 =	sadd.s32 $0x2, s11;
	v21 =	vld [tilespmem:s0+$0xFFFFFF60]  }
0x11f: {  	p0 =	slt.u32 s11, $0x30;
	v17 =	vmul.f32 v31, v33;
	v20 =	vmul.f32 v16, v20;
	v22 =	vld [tilespmem:s13+$0xFFFFFF70]  }
.Ltmp4:
0x120: {  	v16 =	vmul.f32 v23, v18;
	v18 =	vmul.f32 v15, v14;
	v24 =	vld [tilespmem:s0+$0xFFFFFF70];
	(pc) =	sbr.rel @p0 .LBB2_7-.Ltmp4, $4  }
0x121: {  	v14 =	vmul.f32 v27, v26;
	v15 =	vmul.f32 v32, v28;
	v25 =	vld [tilespmem:s13+$0xFFFFFF80]  }
0x122: {  	v27 =	vmul.f32 v35, v34;
	v28 =	vmul.f32 v37, v36;
	v26 =	vld [tilespmem:s0+$0xFFFFFF80]  }
0x123: {  	v31 =	vmul.f32 v39, v38;
	v32 =	vmul.f32 v41, v40;
	v23 =	vld [tilespmem:s13+$0x0]  }
0x124: {  	v29 =	vadd.f32 v27, v29;
	v30 =	vadd.f32 v28, v30;
	v28 =	vmul.f32 v43, v42;
	s13 =	sadd.s32 $0x100, s13;
	v27 =	vld [tilespmem:s0+$0x0]  }
0x125: {  	v8 =	vadd.f32 v31, v8;
	v13 =	vadd.f32 v32, v13;
	v19 =	vmul.f32 v21, v19  }
0x126: {  	v21 =	vmul.f32 v24, v22;
	v17 =	vadd.f32 v17, v29;
	v20 =	vadd.f32 v20, v30  }
0x127: {  	v9 =	vadd.f32 v28, v9;
	v22 =	vmul.f32 v26, v25;
	v8 =	vadd.f32 v16, v8  }
0x128: {  	v6 =	vmul.f32 v7, v6;
	v13 =	vadd.f32 v18, v13;
	v12 =	vadd.f32 v19, v12  }
0x129: {  	v7 =	vadd.f32 v21, v10;
	v10 =	vadd.f32 v22, v11;
	v11 =	vmul.f32 v27, v23  }
0x12a: {  	v9 =	vadd.f32 v14, v9;
	v12 =	vadd.f32 v15, v12  }
0x12b: {  	v6 =	vadd.f32 v6, v7;
	v7 =	vadd.f32 v11, v10  }
0x12c: {  	v8 =	vadd.f32 v13, v8;
	v10 =	vadd.f32 v20, v17  }
0x12d: {  	v9 =	vadd.f32 v12, v9;
	v6 =	vadd.f32 v7, v6;
	_ =	sdelay $0x1  }
0x12e: {  	v7 =	vadd.f32 v8, v10;
	v6 =	vadd.f32 v6, v9;
	_ =	sdelay $0x1  }
0x12f: {  	v6 =	vadd.f32 v6, v7;
	_ =	sdelay $0x1  }
0x130: {  	v7 =	vperm.xlane v6, v0;
	_ =	sdelay $0x1  }
0x131: {  	v6 =	vadd.f32 v7, v6;
	_ =	sdelay $0x1  }
0x132: {  	v7 =	vperm.xlane v6, v1;
	_ =	sdelay $0x1  }
0x133: {  	v6 =	vadd.f32 v7, v6;
	_ =	sdelay $0x1  }
0x134: {  	v7 =	vperm.xlane v6, v2  }
0x135: {  	v8 =	vadd.s32 $0x2, v5  }
0x136: {  	v6 =	vadd.f32 v7, v6;
	v7 =	vbroadcast v8, $0x0;
	_ =	sdelay $0x1  }
0x137: {  	v8 =	vperm.xlane v6, v3;
	_ =	sdelay $0x1  }
0x138: {  	v6 =	vadd.f32 v8, v6;
	_ =	sdelay $0x1  }
0x139: {  	s0 =	simm.s32 $0x0;
	[tilespmem:v7+s23+$0x0] =	vst.idx.msk $0x1, v6  }
0x13a: {  	v8 =	vld [tilespmem:s0+$0x7F80]  }
0x13b: {  	v9 =	vld [tilespmem:s0+$0x14780]  }
0x13c: {  	v10 =	vld [tilespmem:s0+$0x7F90]  }
0x13d: {  	v11 =	vld [tilespmem:s0+$0x14790]  }
0x13e: {  	v12 =	vld [tilespmem:s0+$0x7FA0]  }
0x13f: {  	v13 =	vld [tilespmem:s0+$0x147A0]  }
0x140: {  	v14 =	vld [tilespmem:s0+$0x7FB0]  }
0x141: {  	v15 =	vld [tilespmem:s0+$0x147B0]  }
0x142: {  	v16 =	vld [tilespmem:s0+$0x7FC0]  }
0x143: {  	v17 =	vld [tilespmem:s0+$0x147C0]  }
0x144: {  	v27 =	vld [tilespmem:s0+$0x7FD0]  }
0x145: {  	v28 =	vld [tilespmem:s0+$0x147D0]  }
0x146: {  	v6 =	vld [tilespmem:s0+$0x7FE0]  }
0x147: {  	v7 =	vld [tilespmem:s0+$0x147E0]  }
0x148: {  	v29 =	vld [tilespmem:s0+$0x7F00]  }
0x149: {  	v30 =	vld [tilespmem:s0+$0x14700]  }
0x14a: {  	v31 =	vld [tilespmem:s0+$0x7F10]  }
0x14b: {  	v63 =	vld [tilespmem:s0+$0x14710]  }
0x14c: {  	v35 =	vld [tilespmem:s0+$0x7F20]  }
0x14d: {  	v36 =	vld [tilespmem:s0+$0x14720]  }
0x14e: {  	v37 =	vld [tilespmem:s0+$0x7F30]  }
0x14f: {  	v38 =	vld [tilespmem:s0+$0x14730]  }
0x150: {  	v23 =	vld [tilespmem:s0+$0x7F40]  }
0x151: {  	v26 =	vld [tilespmem:s0+$0x14740]  }
0x152: {  	v20 =	vld [tilespmem:s0+$0x7F50];
	v21 =	vmul.f32 v9, v8;
	v22 =	vmul.f32 v11, v10  }
0x153: {  	v24 =	vld [tilespmem:s0+$0x14750];
	v18 =	vmul.f32 v13, v12;
	v19 =	vmul.f32 v15, v14  }
0x154: {  	v25 =	vld [tilespmem:s0+$0x7F60];
	v16 =	vmul.f32 v17, v16;
	v17 =	vmul.f32 v28, v27  }
0x155: {  	v12 =	vimm.f32 $0.0e+00;
	v28 =	vld [tilespmem:s0+$0x14760];
	v33 =	vmul.f32 v30, v29;
	v34 =	vmul.f32 v63, v31  }
0x156: {  	v27 =	vld [tilespmem:s0+$0x7F70];
	v31 =	vmul.f32 v36, v35;
	v32 =	vmul.f32 v38, v37;
	v15 =	vimm.f32 $0.0e+00  }
0x157: {  	v30 =	vld [tilespmem:s0+$0x14770];
	v13 =	vimm.f32 $0.0e+00;
	v14 =	vimm.f32 $0.0e+00;
	v8 =	vimm.f32 $0.0e+00  }
0x158: {  	s11 =	simm.s32 $0x0;
	s13 =	simm.s32 $0x400;
	v29 =	vld [tilespmem:s0+$0x7FF0];
	v11 =	vimm.f32 $0.0e+00;
	v9 =	vimm.f32 $0.0e+00;
	v10 =	vimm.f32 $0.0e+00  }
.LBB2_9:
0x159: {  	v12 =	vadd.f32 v33, v12;
	v15 =	vadd.f32 v34, v15;
	v23 =	vmul.f32 v26, v23;
	v26 =	vld [tilespmem:s0+$0x147F0];
	s0 =	sshra.s32 s13, $0x2  }
0x15a: {  	v20 =	vmul.f32 v24, v20;
	v33 =	vld [tilespmem:s0+$0x7F80];
	v13 =	vadd.f32 v31, v13;
	v14 =	vadd.f32 v32, v14  }
0x15b: {  	v24 =	vmul.f32 v28, v25;
	v31 =	vld [tilespmem:s0+$0x14780];
	v12 =	vadd.f32 v21, v12;
	v15 =	vadd.f32 v22, v15  }
0x15c: {  	v22 =	vld [tilespmem:s0+$0x7F90];
	v21 =	vmul.f32 v30, v27;
	v13 =	vadd.f32 v18, v13;
	v14 =	vadd.f32 v19, v14  }
0x15d: {  	v6 =	vmul.f32 v7, v6;
	v8 =	vadd.f32 v23, v8;
	v11 =	vadd.f32 v20, v11;
	v18 =	vld [tilespmem:s0+$0x14790]  }
0x15e: {  	v7 =	vadd.f32 v24, v9;
	v19 =	vld [tilespmem:s0+$0x7FA0];
	v10 =	vadd.f32 v21, v10;
	v20 =	vmul.f32 v26, v29  }
0x15f: {  	v8 =	vadd.f32 v16, v8;
	v11 =	vadd.f32 v17, v11;
	v27 =	vld [tilespmem:s0+$0x147A0]  }
0x160: {  	v9 =	vadd.f32 v6, v7;
	v16 =	vld [tilespmem:s0+$0x7FB0];
	v10 =	vadd.f32 v20, v10  }
0x161: {  	v17 =	vld [tilespmem:s0+$0x147B0]  }
0x162: {  	v29 =	vld [tilespmem:s0+$0x7FC0]  }
0x163: {  	v30 =	vld [tilespmem:s0+$0x147C0]  }
0x164: {  	v32 =	vld [tilespmem:s0+$0x7FD0]  }
0x165: {  	v34 =	vld [tilespmem:s0+$0x147D0]  }
0x166: {  	v6 =	vld [tilespmem:s0+$0x7FE0]  }
0x167: {  	v7 =	vld [tilespmem:s0+$0x147E0]  }
0x168: {  	v35 =	vld [tilespmem:s0+$0x7F00]  }
0x169: {  	v36 =	vld [tilespmem:s0+$0x14700]  }
0x16a: {  	v37 =	vld [tilespmem:s0+$0x7F10]  }
0x16b: {  	v38 =	vld [tilespmem:s0+$0x14710]  }
0x16c: {  	v39 =	vld [tilespmem:s0+$0x7F20]  }
0x16d: {  	v40 =	vld [tilespmem:s0+$0x14720]  }
0x16e: {  	v41 =	vld [tilespmem:s0+$0x7F30]  }
0x16f: {  	v42 =	vld [tilespmem:s0+$0x14730]  }
0x170: {  	v23 =	vld [tilespmem:s0+$0x7F40]  }
0x171: {  	v26 =	vld [tilespmem:s0+$0x14740]  }
0x172: {  	s11 =	sadd.s32 $0x2, s11;
	v20 =	vld [tilespmem:s0+$0x7F50]  }
0x173: {  	p0 =	slt.u32 s11, $0x30;
	v24 =	vld [tilespmem:s0+$0x14750]  }
.Ltmp5:
0x174: {  	v21 =	vmul.f32 v31, v33;
	v22 =	vmul.f32 v18, v22;
	v25 =	vld [tilespmem:s0+$0x7F60];
	(pc) =	sbr.rel @p0 .LBB2_9-.Ltmp5, $4  }
0x175: {  	v18 =	vmul.f32 v27, v19;
	v19 =	vmul.f32 v17, v16;
	v28 =	vld [tilespmem:s0+$0x14760]  }
0x176: {  	v16 =	vmul.f32 v30, v29;
	v17 =	vmul.f32 v34, v32;
	v27 =	vld [tilespmem:s0+$0x7F70]  }
0x177: {  	v33 =	vmul.f32 v36, v35;
	v34 =	vmul.f32 v38, v37;
	v30 =	vld [tilespmem:s0+$0x14770]  }
0x178: {  	s13 =	sadd.s32 $0x400, s13;
	v31 =	vmul.f32 v40, v39;
	v32 =	vmul.f32 v42, v41;
	v29 =	vld [tilespmem:s0+$0x7FF0]  }
0x179: {  	v12 =	vadd.f32 v33, v12;
	v15 =	vadd.f32 v34, v15;
	v23 =	vmul.f32 v26, v23;
	v26 =	vld [tilespmem:s0+$0x147F0]  }
0x17a: {  	v20 =	vmul.f32 v24, v20;
	v13 =	vadd.f32 v31, v13;
	v14 =	vadd.f32 v32, v14  }
0x17b: {  	v24 =	vmul.f32 v28, v25;
	v12 =	vadd.f32 v21, v12;
	v15 =	vadd.f32 v22, v15  }
0x17c: {  	v8 =	vadd.f32 v23, v8;
	v11 =	vadd.f32 v20, v11;
	v21 =	vmul.f32 v30, v27  }
0x17d: {  	v6 =	vmul.f32 v7, v6;
	v13 =	vadd.f32 v18, v13;
	v14 =	vadd.f32 v19, v14  }
0x17e: {  	v7 =	vadd.f32 v24, v9;
	v9 =	vadd.f32 v21, v10;
	v10 =	vmul.f32 v26, v29  }
0x17f: {  	v8 =	vadd.f32 v16, v8;
	v11 =	vadd.f32 v17, v11  }
0x180: {  	v6 =	vadd.f32 v6, v7;
	v7 =	vadd.f32 v10, v9  }
0x181: {  	v8 =	vadd.f32 v11, v8;
	v9 =	vadd.f32 v15, v12  }
0x182: {  	v10 =	vadd.f32 v14, v13;
	v6 =	vadd.f32 v7, v6;
	_ =	sdelay $0x1  }
0x183: {  	v7 =	vadd.f32 v10, v9;
	v6 =	vadd.f32 v6, v8;
	_ =	sdelay $0x1  }
0x184: {  	v6 =	vadd.f32 v6, v7;
	_ =	sdelay $0x1  }
0x185: {  	v7 =	vperm.xlane v6, v0;
	_ =	sdelay $0x1  }
0x186: {  	v6 =	vadd.f32 v7, v6;
	_ =	sdelay $0x1  }
0x187: {  	v7 =	vperm.xlane v6, v1;
	_ =	sdelay $0x1  }
0x188: {  	v6 =	vadd.f32 v7, v6;
	_ =	sdelay $0x1  }
0x189: {  	v7 =	vperm.xlane v6, v2  }
0x18a: {  	v8 =	vadd.s32 $0x3, v5  }
0x18b: {  	v6 =	vadd.f32 v7, v6;
	v7 =	vbroadcast v8, $0x0;
	_ =	sdelay $0x1  }
0x18c: {  	v8 =	vperm.xlane v6, v3  }
0x18d: {  	p0 =	seq.s32 s31, $0xF  }
0x18e: {  	s0 =	smul.u32 @!p0 $0x1A0, s31;
	v6 =	vadd.f32 v8, v6;
	_ =	sdelay $0x1  }
0x18f: {  	s13 =	simm.s32 @!p0 $0x64;
	s14 =	simm.s32 @!p0 $0x3400;
	s11 =	sadd.s32 @!p0 $0x1A0, s0;
	[tilespmem:v7+s23+$0x0] =	vst.idx.msk $0x1, v6  }
0x190: {  	[tilespmem:s14], [sflag:$0x1] =	stream.indirect.gather @!p0 [hbm4b:s1+s13], $0x80, s11, s13, $0xb8;
	[tilespmem:$0x1C480] =	vst v63  }
0x191: {  	s11 =	sadd.s32 @!p0 $0x1BA0, s0;
	s14 =	simm.s32 @!p0 $0xFC00  }
0x192: {  	[tilespmem:s14], [sflag:$0x1] =	stream.indirect.gather @!p0 [hbm4b:s3+s13], $0x80, s11, s13, $0xb8;
	[tilespmem:$0x1C480] =	vst v63  }
0x193: {  	_ =	swait.ge [sflag:s28], $0x3200  }
0x194: {  	[sflag:s28] =	ssyncset.done $0x0  }
0x195: {  	[sflag:s28] =	ssyncadd.s32 $0xFFFFCE00  }
0x196: {  	_ =	swait.ge [sflag:s28], $0x3200  }
0x197: {  	[sflag:s28] =	ssyncset.done $0x0  }
0x198: {  	s11 =	simm.s32 $0x0;
	[sflag:s28] =	ssyncadd.s32 $0xFFFFCE00  }
0x199: {  	v8 =	vld [tilespmem:s11+$0x9880]  }
0x19a: {  	v9 =	vld [tilespmem:s11+$0x16080]  }
0x19b: {  	v10 =	vld [tilespmem:s11+$0x9890]  }
0x19c: {  	v11 =	vld [tilespmem:s11+$0x16090]  }
0x19d: {  	v12 =	vld [tilespmem:s11+$0x98A0]  }
0x19e: {  	v13 =	vld [tilespmem:s11+$0x160A0]  }
0x19f: {  	v14 =	vld [tilespmem:s11+$0x98B0]  }
0x1a0: {  	v15 =	vld [tilespmem:s11+$0x160B0]  }
0x1a1: {  	v16 =	vld [tilespmem:s11+$0x98C0]  }
0x1a2: {  	v17 =	vld [tilespmem:s11+$0x160C0]  }
0x1a3: {  	v27 =	vld [tilespmem:s11+$0x98D0]  }
0x1a4: {  	v28 =	vld [tilespmem:s11+$0x160D0]  }
0x1a5: {  	v6 =	vld [tilespmem:s11+$0x98E0]  }
0x1a6: {  	v7 =	vld [tilespmem:s11+$0x160E0]  }
0x1a7: {  	v29 =	vld [tilespmem:s11+$0x9800]  }
0x1a8: {  	v30 =	vld [tilespmem:s11+$0x16000]  }
0x1a9: {  	v31 =	vld [tilespmem:s11+$0x9810]  }
0x1aa: {  	v63 =	vld [tilespmem:s11+$0x16010]  }
0x1ab: {  	v35 =	vld [tilespmem:s11+$0x9820]  }
0x1ac: {  	v36 =	vld [tilespmem:s11+$0x16020]  }
0x1ad: {  	v37 =	vld [tilespmem:s11+$0x9830]  }
0x1ae: {  	v38 =	vld [tilespmem:s11+$0x16030]  }
0x1af: {  	v23 =	vld [tilespmem:s11+$0x9840]  }
0x1b0: {  	v26 =	vld [tilespmem:s11+$0x16040]  }
0x1b1: {  	v20 =	vld [tilespmem:s11+$0x9850];
	v21 =	vmul.f32 v9, v8;
	v22 =	vmul.f32 v11, v10  }
0x1b2: {  	v24 =	vld [tilespmem:s11+$0x16050];
	v18 =	vmul.f32 v13, v12;
	v19 =	vmul.f32 v15, v14  }
0x1b3: {  	v25 =	vld [tilespmem:s11+$0x9860];
	v16 =	vmul.f32 v17, v16;
	v17 =	vmul.f32 v28, v27  }
0x1b4: {  	v12 =	vimm.f32 $0.0e+00;
	v28 =	vld [tilespmem:s11+$0x16060];
	v33 =	vmul.f32 v30, v29;
	v34 =	vmul.f32 v63, v31  }
0x1b5: {  	v27 =	vld [tilespmem:s11+$0x9870];
	v31 =	vmul.f32 v36, v35;
	v32 =	vmul.f32 v38, v37;
	v15 =	vimm.f32 $0.0e+00  }
0x1b6: {  	v30 =	vld [tilespmem:s11+$0x16070];
	v13 =	vimm.f32 $0.0e+00;
	v14 =	vimm.f32 $0.0e+00;
	v8 =	vimm.f32 $0.0e+00  }
0x1b7: {  	s13 =	simm.s32 $0x0;
	s14 =	simm.s32 $0x400;
	v29 =	vld [tilespmem:s11+$0x98F0];
	v11 =	vimm.f32 $0.0e+00;
	v9 =	vimm.f32 $0.0e+00;
	v10 =	vimm.f32 $0.0e+00  }
.LBB2_11:
0x1b8: {  	v12 =	vadd.f32 v33, v12;
	v15 =	vadd.f32 v34, v15;
	v23 =	vmul.f32 v26, v23;
	v26 =	vld [tilespmem:s11+$0x160F0];
	s11 =	sshra.s32 s14, $0x2  }
0x1b9: {  	v20 =	vmul.f32 v24, v20;
	v33 =	vld [tilespmem:s11+$0x9880];
	v13 =	vadd.f32 v31, v13;
	v14 =	vadd.f32 v32, v14  }
0x1ba: {  	v24 =	vmul.f32 v28, v25;
	v31 =	vld [tilespmem:s11+$0x16080];
	v12 =	vadd.f32 v21, v12;
	v15 =	vadd.f32 v22, v15  }
0x1bb: {  	v22 =	vld [tilespmem:s11+$0x9890];
	v21 =	vmul.f32 v30, v27;
	v13 =	vadd.f32 v18, v13;
	v14 =	vadd.f32 v19, v14  }
0x1bc: {  	v6 =	vmul.f32 v7, v6;
	v8 =	vadd.f32 v23, v8;
	v11 =	vadd.f32 v20, v11;
	v18 =	vld [tilespmem:s11+$0x16090]  }
0x1bd: {  	v7 =	vadd.f32 v24, v9;
	v19 =	vld [tilespmem:s11+$0x98A0];
	v10 =	vadd.f32 v21, v10;
	v20 =	vmul.f32 v26, v29  }
0x1be: {  	v8 =	vadd.f32 v16, v8;
	v11 =	vadd.f32 v17, v11;
	v27 =	vld [tilespmem:s11+$0x160A0]  }
0x1bf: {  	v9 =	vadd.f32 v6, v7;
	v16 =	vld [tilespmem:s11+$0x98B0];
	v10 =	vadd.f32 v20, v10  }
0x1c0: {  	v17 =	vld [tilespmem:s11+$0x160B0]  }
0x1c1: {  	v29 =	vld [tilespmem:s11+$0x98C0]  }
0x1c2: {  	v30 =	vld [tilespmem:s11+$0x160C0]  }
0x1c3: {  	v32 =	vld [tilespmem:s11+$0x98D0]  }
0x1c4: {  	v34 =	vld [tilespmem:s11+$0x160D0]  }
0x1c5: {  	v6 =	vld [tilespmem:s11+$0x98E0]  }
0x1c6: {  	v7 =	vld [tilespmem:s11+$0x160E0]  }
0x1c7: {  	v35 =	vld [tilespmem:s11+$0x9800]  }
0x1c8: {  	v36 =	vld [tilespmem:s11+$0x16000]  }
0x1c9: {  	v37 =	vld [tilespmem:s11+$0x9810]  }
0x1ca: {  	v38 =	vld [tilespmem:s11+$0x16010]  }
0x1cb: {  	v39 =	vld [tilespmem:s11+$0x9820]  }
0x1cc: {  	v40 =	vld [tilespmem:s11+$0x16020]  }
0x1cd: {  	v41 =	vld [tilespmem:s11+$0x9830]  }
0x1ce: {  	v42 =	vld [tilespmem:s11+$0x16030]  }
0x1cf: {  	v23 =	vld [tilespmem:s11+$0x9840]  }
0x1d0: {  	v26 =	vld [tilespmem:s11+$0x16040]  }
0x1d1: {  	s13 =	sadd.s32 $0x2, s13;
	v20 =	vld [tilespmem:s11+$0x9850]  }
0x1d2: {  	p1 =	slt.u32 s13, $0x30;
	v24 =	vld [tilespmem:s11+$0x16050]  }
.Ltmp6:
0x1d3: {  	v21 =	vmul.f32 v31, v33;
	v22 =	vmul.f32 v18, v22;
	v25 =	vld [tilespmem:s11+$0x9860];
	(pc) =	sbr.rel @p1 .LBB2_11-.Ltmp6, $4  }
0x1d4: {  	v18 =	vmul.f32 v27, v19;
	v19 =	vmul.f32 v17, v16;
	v28 =	vld [tilespmem:s11+$0x16060]  }
0x1d5: {  	v16 =	vmul.f32 v30, v29;
	v17 =	vmul.f32 v34, v32;
	v27 =	vld [tilespmem:s11+$0x9870]  }
0x1d6: {  	v33 =	vmul.f32 v36, v35;
	v34 =	vmul.f32 v38, v37;
	v30 =	vld [tilespmem:s11+$0x16070]  }
0x1d7: {  	s14 =	sadd.s32 $0x400, s14;
	v31 =	vmul.f32 v40, v39;
	v32 =	vmul.f32 v42, v41;
	v29 =	vld [tilespmem:s11+$0x98F0]  }
0x1d8: {  	v12 =	vadd.f32 v33, v12;
	v15 =	vadd.f32 v34, v15;
	v23 =	vmul.f32 v26, v23;
	v26 =	vld [tilespmem:s11+$0x160F0]  }
0x1d9: {  	v20 =	vmul.f32 v24, v20;
	v13 =	vadd.f32 v31, v13;
	v14 =	vadd.f32 v32, v14  }
0x1da: {  	v24 =	vmul.f32 v28, v25;
	v12 =	vadd.f32 v21, v12;
	v15 =	vadd.f32 v22, v15  }
0x1db: {  	v8 =	vadd.f32 v23, v8;
	v11 =	vadd.f32 v20, v11;
	v21 =	vmul.f32 v30, v27  }
0x1dc: {  	v6 =	vmul.f32 v7, v6;
	v13 =	vadd.f32 v18, v13;
	v14 =	vadd.f32 v19, v14  }
0x1dd: {  	v7 =	vadd.f32 v24, v9;
	v9 =	vadd.f32 v21, v10;
	v10 =	vmul.f32 v26, v29  }
0x1de: {  	v8 =	vadd.f32 v16, v8;
	v11 =	vadd.f32 v17, v11  }
0x1df: {  	v6 =	vadd.f32 v6, v7;
	v7 =	vadd.f32 v10, v9  }
0x1e0: {  	v8 =	vadd.f32 v11, v8;
	v9 =	vadd.f32 v15, v12  }
0x1e1: {  	v10 =	vadd.f32 v14, v13;
	v6 =	vadd.f32 v7, v6;
	_ =	sdelay $0x1  }
0x1e2: {  	v7 =	vadd.f32 v10, v9;
	v6 =	vadd.f32 v6, v8;
	_ =	sdelay $0x1  }
0x1e3: {  	v6 =	vadd.f32 v6, v7;
	_ =	sdelay $0x1  }
0x1e4: {  	v7 =	vperm.xlane v6, v0;
	_ =	sdelay $0x1  }
0x1e5: {  	v6 =	vadd.f32 v7, v6;
	_ =	sdelay $0x1  }
0x1e6: {  	v7 =	vperm.xlane v6, v1;
	_ =	sdelay $0x1  }
0x1e7: {  	v6 =	vadd.f32 v7, v6;
	_ =	sdelay $0x1  }
0x1e8: {  	v7 =	vperm.xlane v6, v2  }
0x1e9: {  	v8 =	vadd.s32 $0x4, v5  }
0x1ea: {  	v6 =	vadd.f32 v7, v6;
	v7 =	vbroadcast v8, $0x0;
	_ =	sdelay $0x1  }
0x1eb: {  	v8 =	vperm.xlane v6, v3;
	_ =	sdelay $0x1  }
0x1ec: {  	v6 =	vadd.f32 v8, v6;
	_ =	sdelay $0x1  }
0x1ed: {  	s11 =	simm.s32 $0x0;
	[tilespmem:v7+s23+$0x0] =	vst.idx.msk $0x1, v6  }
0x1ee: {  	v8 =	vld [tilespmem:s11+$0xB180]  }
0x1ef: {  	v9 =	vld [tilespmem:s11+$0x17980]  }
0x1f0: {  	v10 =	vld [tilespmem:s11+$0xB190]  }
0x1f1: {  	v11 =	vld [tilespmem:s11+$0x17990]  }
0x1f2: {  	v12 =	vld [tilespmem:s11+$0xB1A0]  }
0x1f3: {  	v13 =	vld [tilespmem:s11+$0x179A0]  }
0x1f4: {  	v14 =	vld [tilespmem:s11+$0xB1B0]  }
0x1f5: {  	v15 =	vld [tilespmem:s11+$0x179B0]  }
0x1f6: {  	v16 =	vld [tilespmem:s11+$0xB1C0]  }
0x1f7: {  	v17 =	vld [tilespmem:s11+$0x179C0]  }
0x1f8: {  	v27 =	vld [tilespmem:s11+$0xB1D0]  }
0x1f9: {  	v28 =	vld [tilespmem:s11+$0x179D0]  }
0x1fa: {  	v6 =	vld [tilespmem:s11+$0xB1E0]  }
0x1fb: {  	v7 =	vld [tilespmem:s11+$0x179E0]  }
0x1fc: {  	v29 =	vld [tilespmem:s11+$0xB100]  }
0x1fd: {  	v30 =	vld [tilespmem:s11+$0x17900]  }
0x1fe: {  	v31 =	vld [tilespmem:s11+$0xB110]  }
0x1ff: {  	v63 =	vld [tilespmem:s11+$0x17910]  }
0x200: {  	v35 =	vld [tilespmem:s11+$0xB120]  }
0x201: {  	v36 =	vld [tilespmem:s11+$0x17920]  }
0x202: {  	v37 =	vld [tilespmem:s11+$0xB130]  }
0x203: {  	v38 =	vld [tilespmem:s11+$0x17930]  }
0x204: {  	v23 =	vld [tilespmem:s11+$0xB140]  }
0x205: {  	v26 =	vld [tilespmem:s11+$0x17940]  }
0x206: {  	v20 =	vld [tilespmem:s11+$0xB150];
	v21 =	vmul.f32 v9, v8;
	v22 =	vmul.f32 v11, v10  }
0x207: {  	v24 =	vld [tilespmem:s11+$0x17950];
	v18 =	vmul.f32 v13, v12;
	v19 =	vmul.f32 v15, v14  }
0x208: {  	v25 =	vld [tilespmem:s11+$0xB160];
	v16 =	vmul.f32 v17, v16;
	v17 =	vmul.f32 v28, v27  }
0x209: {  	v12 =	vimm.f32 $0.0e+00;
	v28 =	vld [tilespmem:s11+$0x17960];
	v33 =	vmul.f32 v30, v29;
	v34 =	vmul.f32 v63, v31  }
0x20a: {  	v27 =	vld [tilespmem:s11+$0xB170];
	v31 =	vmul.f32 v36, v35;
	v32 =	vmul.f32 v38, v37;
	v15 =	vimm.f32 $0.0e+00  }
0x20b: {  	v30 =	vld [tilespmem:s11+$0x17970];
	v13 =	vimm.f32 $0.0e+00;
	v14 =	vimm.f32 $0.0e+00;
	v8 =	vimm.f32 $0.0e+00  }
0x20c: {  	s13 =	simm.s32 $0x0;
	s14 =	simm.s32 $0x400;
	v29 =	vld [tilespmem:s11+$0xB1F0];
	v11 =	vimm.f32 $0.0e+00;
	v9 =	vimm.f32 $0.0e+00;
	v10 =	vimm.f32 $0.0e+00  }
.LBB2_13:
0x20d: {  	v12 =	vadd.f32 v33, v12;
	v15 =	vadd.f32 v34, v15;
	v23 =	vmul.f32 v26, v23;
	v26 =	vld [tilespmem:s11+$0x179F0];
	s11 =	sshra.s32 s14, $0x2  }
0x20e: {  	v20 =	vmul.f32 v24, v20;
	v33 =	vld [tilespmem:s11+$0xB180];
	v13 =	vadd.f32 v31, v13;
	v14 =	vadd.f32 v32, v14  }
0x20f: {  	v24 =	vmul.f32 v28, v25;
	v31 =	vld [tilespmem:s11+$0x17980];
	v12 =	vadd.f32 v21, v12;
	v15 =	vadd.f32 v22, v15  }
0x210: {  	v22 =	vld [tilespmem:s11+$0xB190];
	v21 =	vmul.f32 v30, v27;
	v13 =	vadd.f32 v18, v13;
	v14 =	vadd.f32 v19, v14  }
0x211: {  	v6 =	vmul.f32 v7, v6;
	v8 =	vadd.f32 v23, v8;
	v11 =	vadd.f32 v20, v11;
	v18 =	vld [tilespmem:s11+$0x17990]  }
0x212: {  	v7 =	vadd.f32 v24, v9;
	v19 =	vld [tilespmem:s11+$0xB1A0];
	v10 =	vadd.f32 v21, v10;
	v20 =	vmul.f32 v26, v29  }
0x213: {  	v8 =	vadd.f32 v16, v8;
	v11 =	vadd.f32 v17, v11;
	v27 =	vld [tilespmem:s11+$0x179A0]  }
0x214: {  	v9 =	vadd.f32 v6, v7;
	v16 =	vld [tilespmem:s11+$0xB1B0];
	v10 =	vadd.f32 v20, v10  }
0x215: {  	v17 =	vld [tilespmem:s11+$0x179B0]  }
0x216: {  	v29 =	vld [tilespmem:s11+$0xB1C0]  }
0x217: {  	v30 =	vld [tilespmem:s11+$0x179C0]  }
0x218: {  	v32 =	vld [tilespmem:s11+$0xB1D0]  }
0x219: {  	v34 =	vld [tilespmem:s11+$0x179D0]  }
0x21a: {  	v6 =	vld [tilespmem:s11+$0xB1E0]  }
0x21b: {  	v7 =	vld [tilespmem:s11+$0x179E0]  }
0x21c: {  	v35 =	vld [tilespmem:s11+$0xB100]  }
0x21d: {  	v36 =	vld [tilespmem:s11+$0x17900]  }
0x21e: {  	v37 =	vld [tilespmem:s11+$0xB110]  }
0x21f: {  	v38 =	vld [tilespmem:s11+$0x17910]  }
0x220: {  	v39 =	vld [tilespmem:s11+$0xB120]  }
0x221: {  	v40 =	vld [tilespmem:s11+$0x17920]  }
0x222: {  	v41 =	vld [tilespmem:s11+$0xB130]  }
0x223: {  	v42 =	vld [tilespmem:s11+$0x17930]  }
0x224: {  	v23 =	vld [tilespmem:s11+$0xB140]  }
0x225: {  	v26 =	vld [tilespmem:s11+$0x17940]  }
0x226: {  	s13 =	sadd.s32 $0x2, s13;
	v20 =	vld [tilespmem:s11+$0xB150]  }
0x227: {  	p1 =	slt.u32 s13, $0x30;
	v24 =	vld [tilespmem:s11+$0x17950]  }
.Ltmp7:
0x228: {  	v21 =	vmul.f32 v31, v33;
	v22 =	vmul.f32 v18, v22;
	v25 =	vld [tilespmem:s11+$0xB160];
	(pc) =	sbr.rel @p1 .LBB2_13-.Ltmp7, $4  }
0x229: {  	v18 =	vmul.f32 v27, v19;
	v19 =	vmul.f32 v17, v16;
	v28 =	vld [tilespmem:s11+$0x17960]  }
0x22a: {  	v16 =	vmul.f32 v30, v29;
	v17 =	vmul.f32 v34, v32;
	v27 =	vld [tilespmem:s11+$0xB170]  }
0x22b: {  	v33 =	vmul.f32 v36, v35;
	v34 =	vmul.f32 v38, v37;
	v30 =	vld [tilespmem:s11+$0x17970]  }
0x22c: {  	s14 =	sadd.s32 $0x400, s14;
	v31 =	vmul.f32 v40, v39;
	v32 =	vmul.f32 v42, v41;
	v29 =	vld [tilespmem:s11+$0xB1F0]  }
0x22d: {  	v12 =	vadd.f32 v33, v12;
	v15 =	vadd.f32 v34, v15;
	v23 =	vmul.f32 v26, v23;
	v26 =	vld [tilespmem:s11+$0x179F0]  }
0x22e: {  	v20 =	vmul.f32 v24, v20;
	v13 =	vadd.f32 v31, v13;
	v14 =	vadd.f32 v32, v14  }
0x22f: {  	v24 =	vmul.f32 v28, v25;
	v12 =	vadd.f32 v21, v12;
	v15 =	vadd.f32 v22, v15  }
0x230: {  	v8 =	vadd.f32 v23, v8;
	v11 =	vadd.f32 v20, v11;
	v21 =	vmul.f32 v30, v27  }
0x231: {  	v6 =	vmul.f32 v7, v6;
	v13 =	vadd.f32 v18, v13;
	v14 =	vadd.f32 v19, v14  }
0x232: {  	v7 =	vadd.f32 v24, v9;
	v9 =	vadd.f32 v21, v10;
	v10 =	vmul.f32 v26, v29  }
0x233: {  	v8 =	vadd.f32 v16, v8;
	v11 =	vadd.f32 v17, v11  }
0x234: {  	v6 =	vadd.f32 v6, v7;
	v7 =	vadd.f32 v10, v9  }
0x235: {  	v8 =	vadd.f32 v11, v8;
	v9 =	vadd.f32 v15, v12  }
0x236: {  	v10 =	vadd.f32 v14, v13;
	v6 =	vadd.f32 v7, v6;
	_ =	sdelay $0x1  }
0x237: {  	v7 =	vadd.f32 v10, v9;
	v6 =	vadd.f32 v6, v8;
	_ =	sdelay $0x1  }
0x238: {  	v6 =	vadd.f32 v6, v7;
	_ =	sdelay $0x1  }
0x239: {  	v7 =	vperm.xlane v6, v0;
	_ =	sdelay $0x1  }
0x23a: {  	v6 =	vadd.f32 v7, v6;
	_ =	sdelay $0x1  }
0x23b: {  	v7 =	vperm.xlane v6, v1;
	_ =	sdelay $0x1  }
0x23c: {  	v6 =	vadd.f32 v7, v6;
	_ =	sdelay $0x1  }
0x23d: {  	v7 =	vperm.xlane v6, v2  }
0x23e: {  	v5 =	vadd.s32 $0x5, v5  }
0x23f: {  	v5 =	vbroadcast v5, $0x0;
	v6 =	vadd.f32 v7, v6;
	_ =	sdelay $0x1  }
0x240: {  	v7 =	vperm.xlane v6, v3;
	_ =	sdelay $0x1  }
0x241: {  	v6 =	vadd.f32 v7, v6;
	_ =	sdelay $0x1  }
0x242: {  	s11 =	sadd.s32 @!p0 $0x208, s0;
	s13 =	simm.s32 @!p0 $0x64;
	s14 =	simm.s32 @!p0 $0x6600;
	[tilespmem:v5+s23+$0x0] =	vst.idx.msk $0x1, v6  }
0x243: {  	[tilespmem:s14], [sflag:$0x2] =	stream.indirect.gather @!p0 [hbm4b:s1+s13], $0x80, s11, s13, $0xb8;
	[tilespmem:$0x1C480] =	vst v63  }
0x244: {  	s0 =	sadd.s32 @!p0 $0x1C08, s0;
	s11 =	simm.s32 @!p0 $0x12E00  }
0x245: {  	[tilespmem:s11], [sflag:$0x2] =	stream.indirect.gather @!p0 [hbm4b:s3+s13], $0x80, s0, s13, $0xb8;
	[tilespmem:$0x1C480] =	vst v63  }
0x246: {  	_ =	swait.ge [sflag:s29], $0x3200  }
0x247: {  	[sflag:s29] =	ssyncset.done $0x0  }
0x248: {  	[sflag:s29] =	ssyncadd.s32 $0xFFFFCE00  }
0x249: {  	_ =	swait.ge [sflag:s29], $0x3200  }
0x24a: {  	[sflag:s29] =	ssyncset.done $0x0  }
0x24b: {  	s0 =	simm.s32 $0x0;
	[sflag:s29] =	ssyncadd.s32 $0xFFFFCE00  }
0x24c: {  	v7 =	vld [tilespmem:s0+$0xCA80]  }
0x24d: {  	v8 =	vld [tilespmem:s0+$0x19280]  }
0x24e: {  	v9 =	vld [tilespmem:s0+$0xCA90]  }
0x24f: {  	v10 =	vld [tilespmem:s0+$0x19290]  }
0x250: {  	v11 =	vld [tilespmem:s0+$0xCAA0]  }
0x251: {  	v12 =	vld [tilespmem:s0+$0x192A0]  }
0x252: {  	v13 =	vld [tilespmem:s0+$0xCAB0]  }
0x253: {  	v14 =	vld [tilespmem:s0+$0x192B0]  }
0x254: {  	v15 =	vld [tilespmem:s0+$0xCAC0]  }
0x255: {  	v16 =	vld [tilespmem:s0+$0x192C0]  }
0x256: {  	v26 =	vld [tilespmem:s0+$0xCAD0]  }
0x257: {  	v27 =	vld [tilespmem:s0+$0x192D0]  }
0x258: {  	v5 =	vld [tilespmem:s0+$0xCAE0]  }
0x259: {  	v6 =	vld [tilespmem:s0+$0x192E0]  }
0x25a: {  	v28 =	vld [tilespmem:s0+$0xCA00]  }
0x25b: {  	v29 =	vld [tilespmem:s0+$0x19200]  }
0x25c: {  	v30 =	vld [tilespmem:s0+$0xCA10]  }
0x25d: {  	v31 =	vld [tilespmem:s0+$0x19210]  }
0x25e: {  	v63 =	vld [tilespmem:s0+$0xCA20]  }
0x25f: {  	v35 =	vld [tilespmem:s0+$0x19220]  }
0x260: {  	v36 =	vld [tilespmem:s0+$0xCA30]  }
0x261: {  	v37 =	vld [tilespmem:s0+$0x19230]  }
0x262: {  	v22 =	vld [tilespmem:s0+$0xCA40]  }
0x263: {  	v25 =	vld [tilespmem:s0+$0x19240]  }
0x264: {  	v19 =	vld [tilespmem:s0+$0xCA50];
	v20 =	vmul.f32 v8, v7;
	v21 =	vmul.f32 v10, v9  }
0x265: {  	v23 =	vld [tilespmem:s0+$0x19250];
	v17 =	vmul.f32 v12, v11;
	v18 =	vmul.f32 v14, v13  }
0x266: {  	v24 =	vld [tilespmem:s0+$0xCA60];
	v15 =	vmul.f32 v16, v15;
	v16 =	vmul.f32 v27, v26  }
0x267: {  	v11 =	vimm.f32 $0.0e+00;
	v27 =	vld [tilespmem:s0+$0x19260];
	v32 =	vmul.f32 v29, v28;
	v33 =	vmul.f32 v31, v30  }
0x268: {  	v26 =	vld [tilespmem:s0+$0xCA70];
	v30 =	vmul.f32 v35, v63;
	v31 =	vmul.f32 v37, v36;
	v14 =	vimm.f32 $0.0e+00  }
0x269: {  	v29 =	vld [tilespmem:s0+$0x19270];
	v12 =	vimm.f32 $0.0e+00;
	v13 =	vimm.f32 $0.0e+00;
	v7 =	vimm.f32 $0.0e+00  }
0x26a: {  	s11 =	simm.s32 $0x0;
	s13 =	simm.s32 $0x400;
	v28 =	vld [tilespmem:s0+$0xCAF0];
	v10 =	vimm.f32 $0.0e+00;
	v8 =	vimm.f32 $0.0e+00;
	v9 =	vimm.f32 $0.0e+00  }
.LBB2_15:
0x26b: {  	v11 =	vadd.f32 v32, v11;
	v14 =	vadd.f32 v33, v14;
	v22 =	vmul.f32 v25, v22;
	v25 =	vld [tilespmem:s0+$0x192F0];
	s0 =	sshra.s32 s13, $0x2  }
0x26c: {  	v19 =	vmul.f32 v23, v19;
	v32 =	vld [tilespmem:s0+$0xCA80];
	v12 =	vadd.f32 v30, v12;
	v13 =	vadd.f32 v31, v13  }
0x26d: {  	v23 =	vmul.f32 v27, v24;
	v30 =	vld [tilespmem:s0+$0x19280];
	v11 =	vadd.f32 v20, v11;
	v14 =	vadd.f32 v21, v14  }
0x26e: {  	v21 =	vld [tilespmem:s0+$0xCA90];
	v20 =	vmul.f32 v29, v26;
	v12 =	vadd.f32 v17, v12;
	v13 =	vadd.f32 v18, v13  }
0x26f: {  	v5 =	vmul.f32 v6, v5;
	v7 =	vadd.f32 v22, v7;
	v10 =	vadd.f32 v19, v10;
	v17 =	vld [tilespmem:s0+$0x19290]  }
0x270: {  	v6 =	vadd.f32 v23, v8;
	v18 =	vld [tilespmem:s0+$0xCAA0];
	v9 =	vadd.f32 v20, v9;
	v19 =	vmul.f32 v25, v28  }
0x271: {  	v7 =	vadd.f32 v15, v7;
	v10 =	vadd.f32 v16, v10;
	v26 =	vld [tilespmem:s0+$0x192A0]  }
0x272: {  	v8 =	vadd.f32 v5, v6;
	v15 =	vld [tilespmem:s0+$0xCAB0];
	v9 =	vadd.f32 v19, v9  }
0x273: {  	v16 =	vld [tilespmem:s0+$0x192B0]  }
0x274: {  	v28 =	vld [tilespmem:s0+$0xCAC0]  }
0x275: {  	v29 =	vld [tilespmem:s0+$0x192C0]  }
0x276: {  	v31 =	vld [tilespmem:s0+$0xCAD0]  }
0x277: {  	v33 =	vld [tilespmem:s0+$0x192D0]  }
0x278: {  	v5 =	vld [tilespmem:s0+$0xCAE0]  }
0x279: {  	v6 =	vld [tilespmem:s0+$0x192E0]  }
0x27a: {  	v34 =	vld [tilespmem:s0+$0xCA00]  }
0x27b: {  	v35 =	vld [tilespmem:s0+$0x19200]  }
0x27c: {  	v36 =	vld [tilespmem:s0+$0xCA10]  }
0x27d: {  	v37 =	vld [tilespmem:s0+$0x19210]  }
0x27e: {  	v38 =	vld [tilespmem:s0+$0xCA20]  }
0x27f: {  	v39 =	vld [tilespmem:s0+$0x19220]  }
0x280: {  	v40 =	vld [tilespmem:s0+$0xCA30]  }
0x281: {  	v41 =	vld [tilespmem:s0+$0x19230]  }
0x282: {  	v22 =	vld [tilespmem:s0+$0xCA40]  }
0x283: {  	v25 =	vld [tilespmem:s0+$0x19240]  }
0x284: {  	s11 =	sadd.s32 $0x2, s11;
	v19 =	vld [tilespmem:s0+$0xCA50]  }
0x285: {  	p1 =	slt.u32 s11, $0x30;
	v23 =	vld [tilespmem:s0+$0x19250]  }
.Ltmp8:
0x286: {  	v20 =	vmul.f32 v30, v32;
	v21 =	vmul.f32 v17, v21;
	v24 =	vld [tilespmem:s0+$0xCA60];
	(pc) =	sbr.rel @p1 .LBB2_15-.Ltmp8, $4  }
0x287: {  	v17 =	vmul.f32 v26, v18;
	v18 =	vmul.f32 v16, v15;
	v27 =	vld [tilespmem:s0+$0x19260]  }
0x288: {  	v15 =	vmul.f32 v29, v28;
	v16 =	vmul.f32 v33, v31;
	v26 =	vld [tilespmem:s0+$0xCA70]  }
0x289: {  	v32 =	vmul.f32 v35, v34;
	v33 =	vmul.f32 v37, v36;
	v29 =	vld [tilespmem:s0+$0x19270]  }
0x28a: {  	s13 =	sadd.s32 $0x400, s13;
	v30 =	vmul.f32 v39, v38;
	v31 =	vmul.f32 v41, v40;
	v28 =	vld [tilespmem:s0+$0xCAF0]  }
0x28b: {  	v11 =	vadd.f32 v32, v11;
	v14 =	vadd.f32 v33, v14;
	v22 =	vmul.f32 v25, v22;
	v25 =	vld [tilespmem:s0+$0x192F0]  }
0x28c: {  	v19 =	vmul.f32 v23, v19;
	v12 =	vadd.f32 v30, v12;
	v13 =	vadd.f32 v31, v13  }
0x28d: {  	v23 =	vmul.f32 v27, v24;
	v11 =	vadd.f32 v20, v11;
	v14 =	vadd.f32 v21, v14  }
0x28e: {  	v7 =	vadd.f32 v22, v7;
	v10 =	vadd.f32 v19, v10;
	v20 =	vmul.f32 v29, v26  }
0x28f: {  	v5 =	vmul.f32 v6, v5;
	v12 =	vadd.f32 v17, v12;
	v13 =	vadd.f32 v18, v13  }
0x290: {  	v6 =	vadd.f32 v23, v8;
	v8 =	vadd.f32 v20, v9;
	v9 =	vmul.f32 v25, v28  }
0x291: {  	v7 =	vadd.f32 v15, v7;
	v10 =	vadd.f32 v16, v10  }
0x292: {  	v5 =	vadd.f32 v5, v6;
	v6 =	vadd.f32 v9, v8  }
0x293: {  	v7 =	vadd.f32 v10, v7;
	v8 =	vadd.f32 v14, v11  }
0x294: {  	v9 =	vadd.f32 v13, v12;
	v5 =	vadd.f32 v6, v5;
	_ =	sdelay $0x1  }
0x295: {  	v6 =	vadd.f32 v9, v8;
	v5 =	vadd.f32 v5, v7;
	_ =	sdelay $0x1  }
0x296: {  	v5 =	vadd.f32 v5, v6;
	_ =	sdelay $0x1  }
0x297: {  	v6 =	vperm.xlane v5, v0;
	_ =	sdelay $0x1  }
0x298: {  	v5 =	vadd.f32 v6, v5;
	_ =	sdelay $0x1  }
0x299: {  	v6 =	vperm.xlane v5, v1  }
0x29a: {  	s14 =	sshll.u32 s2, $0x1  }
0x29b: {  	v6 =	vadd.f32 v6, v5;
	v5 =	vmov s14  }
0x29c: {  	v5 =	vshrl.u32 v5, $0x3  }
0x29d: {  	v7 =	vperm.xlane v6, v2;
	v5 =	vshll.u32 v5, v4  }
0x29e: {  	v8 =	vadd.s32 $0x6, v5  }
0x29f: {  	v6 =	vadd.f32 v7, v6;
	v7 =	vbroadcast v8, $0x0;
	_ =	sdelay $0x1  }
0x2a0: {  	v8 =	vperm.xlane v6, v3;
	_ =	sdelay $0x1  }
0x2a1: {  	v6 =	vadd.f32 v8, v6;
	_ =	sdelay $0x1  }
0x2a2: {  	s0 =	simm.s32 $0x0;
	[tilespmem:v7+s23+$0x0] =	vst.idx.msk $0x1, v6  }
0x2a3: {  	v8 =	vld [tilespmem:s0+$0xE380]  }
0x2a4: {  	v9 =	vld [tilespmem:s0+$0x1AB80]  }
0x2a5: {  	v10 =	vld [tilespmem:s0+$0xE390]  }
0x2a6: {  	v11 =	vld [tilespmem:s0+$0x1AB90]  }
0x2a7: {  	v12 =	vld [tilespmem:s0+$0xE3A0]  }
0x2a8: {  	v13 =	vld [tilespmem:s0+$0x1ABA0]  }
0x2a9: {  	v14 =	vld [tilespmem:s0+$0xE3B0]  }
0x2aa: {  	v15 =	vld [tilespmem:s0+$0x1ABB0]  }
0x2ab: {  	v16 =	vld [tilespmem:s0+$0xE3C0]  }
0x2ac: {  	v17 =	vld [tilespmem:s0+$0x1ABC0]  }
0x2ad: {  	v27 =	vld [tilespmem:s0+$0xE3D0]  }
0x2ae: {  	v28 =	vld [tilespmem:s0+$0x1ABD0]  }
0x2af: {  	v6 =	vld [tilespmem:s0+$0xE3E0]  }
0x2b0: {  	v7 =	vld [tilespmem:s0+$0x1ABE0]  }
0x2b1: {  	v29 =	vld [tilespmem:s0+$0xE300]  }
0x2b2: {  	v30 =	vld [tilespmem:s0+$0x1AB00]  }
0x2b3: {  	v31 =	vld [tilespmem:s0+$0xE310]  }
0x2b4: {  	v63 =	vld [tilespmem:s0+$0x1AB10]  }
0x2b5: {  	v35 =	vld [tilespmem:s0+$0xE320]  }
0x2b6: {  	v36 =	vld [tilespmem:s0+$0x1AB20]  }
0x2b7: {  	v37 =	vld [tilespmem:s0+$0xE330]  }
0x2b8: {  	v38 =	vld [tilespmem:s0+$0x1AB30]  }
0x2b9: {  	v23 =	vld [tilespmem:s0+$0xE340]  }
0x2ba: {  	v26 =	vld [tilespmem:s0+$0x1AB40]  }
0x2bb: {  	v20 =	vld [tilespmem:s0+$0xE350];
	v21 =	vmul.f32 v9, v8;
	v22 =	vmul.f32 v11, v10  }
0x2bc: {  	v24 =	vld [tilespmem:s0+$0x1AB50];
	v18 =	vmul.f32 v13, v12;
	v19 =	vmul.f32 v15, v14  }
0x2bd: {  	v25 =	vld [tilespmem:s0+$0xE360];
	v16 =	vmul.f32 v17, v16;
	v17 =	vmul.f32 v28, v27  }
0x2be: {  	v12 =	vimm.f32 $0.0e+00;
	v28 =	vld [tilespmem:s0+$0x1AB60];
	v33 =	vmul.f32 v30, v29;
	v34 =	vmul.f32 v63, v31  }
0x2bf: {  	v27 =	vld [tilespmem:s0+$0xE370];
	v31 =	vmul.f32 v36, v35;
	v32 =	vmul.f32 v38, v37;
	v15 =	vimm.f32 $0.0e+00  }
0x2c0: {  	v30 =	vld [tilespmem:s0+$0x1AB70];
	v13 =	vimm.f32 $0.0e+00;
	v14 =	vimm.f32 $0.0e+00;
	v8 =	vimm.f32 $0.0e+00  }
0x2c1: {  	s2 =	simm.s32 $0x0;
	s11 =	simm.s32 $0x400;
	v29 =	vld [tilespmem:s0+$0xE3F0];
	v11 =	vimm.f32 $0.0e+00;
	v9 =	vimm.f32 $0.0e+00;
	v10 =	vimm.f32 $0.0e+00  }
.LBB2_17:
0x2c2: {  	v12 =	vadd.f32 v33, v12;
	v15 =	vadd.f32 v34, v15;
	v23 =	vmul.f32 v26, v23;
	v26 =	vld [tilespmem:s0+$0x1ABF0];
	s0 =	sshra.s32 s11, $0x2  }
0x2c3: {  	v20 =	vmul.f32 v24, v20;
	v33 =	vld [tilespmem:s0+$0xE380];
	v13 =	vadd.f32 v31, v13;
	v14 =	vadd.f32 v32, v14  }
0x2c4: {  	v24 =	vmul.f32 v28, v25;
	v31 =	vld [tilespmem:s0+$0x1AB80];
	v12 =	vadd.f32 v21, v12;
	v15 =	vadd.f32 v22, v15  }
0x2c5: {  	v22 =	vld [tilespmem:s0+$0xE390];
	v21 =	vmul.f32 v30, v27;
	v13 =	vadd.f32 v18, v13;
	v14 =	vadd.f32 v19, v14  }
0x2c6: {  	v6 =	vmul.f32 v7, v6;
	v8 =	vadd.f32 v23, v8;
	v11 =	vadd.f32 v20, v11;
	v18 =	vld [tilespmem:s0+$0x1AB90]  }
0x2c7: {  	v7 =	vadd.f32 v24, v9;
	v19 =	vld [tilespmem:s0+$0xE3A0];
	v10 =	vadd.f32 v21, v10;
	v20 =	vmul.f32 v26, v29  }
0x2c8: {  	v8 =	vadd.f32 v16, v8;
	v11 =	vadd.f32 v17, v11;
	v27 =	vld [tilespmem:s0+$0x1ABA0]  }
0x2c9: {  	v9 =	vadd.f32 v6, v7;
	v16 =	vld [tilespmem:s0+$0xE3B0];
	v10 =	vadd.f32 v20, v10  }
0x2ca: {  	v17 =	vld [tilespmem:s0+$0x1ABB0]  }
0x2cb: {  	v29 =	vld [tilespmem:s0+$0xE3C0]  }
0x2cc: {  	v30 =	vld [tilespmem:s0+$0x1ABC0]  }
0x2cd: {  	v32 =	vld [tilespmem:s0+$0xE3D0]  }
0x2ce: {  	v34 =	vld [tilespmem:s0+$0x1ABD0]  }
0x2cf: {  	v6 =	vld [tilespmem:s0+$0xE3E0]  }
0x2d0: {  	v7 =	vld [tilespmem:s0+$0x1ABE0]  }
0x2d1: {  	v35 =	vld [tilespmem:s0+$0xE300]  }
0x2d2: {  	v36 =	vld [tilespmem:s0+$0x1AB00]  }
0x2d3: {  	v37 =	vld [tilespmem:s0+$0xE310]  }
0x2d4: {  	v38 =	vld [tilespmem:s0+$0x1AB10]  }
0x2d5: {  	v39 =	vld [tilespmem:s0+$0xE320]  }
0x2d6: {  	v40 =	vld [tilespmem:s0+$0x1AB20]  }
0x2d7: {  	v41 =	vld [tilespmem:s0+$0xE330]  }
0x2d8: {  	v42 =	vld [tilespmem:s0+$0x1AB30]  }
0x2d9: {  	v23 =	vld [tilespmem:s0+$0xE340]  }
0x2da: {  	v26 =	vld [tilespmem:s0+$0x1AB40]  }
0x2db: {  	s2 =	sadd.s32 $0x2, s2;
	v20 =	vld [tilespmem:s0+$0xE350]  }
0x2dc: {  	p1 =	slt.u32 s2, $0x30;
	v24 =	vld [tilespmem:s0+$0x1AB50]  }
.Ltmp9:
0x2dd: {  	v21 =	vmul.f32 v31, v33;
	v22 =	vmul.f32 v18, v22;
	v25 =	vld [tilespmem:s0+$0xE360];
	(pc) =	sbr.rel @p1 .LBB2_17-.Ltmp9, $4  }
0x2de: {  	v18 =	vmul.f32 v27, v19;
	v19 =	vmul.f32 v17, v16;
	v28 =	vld [tilespmem:s0+$0x1AB60]  }
0x2df: {  	v16 =	vmul.f32 v30, v29;
	v17 =	vmul.f32 v34, v32;
	v27 =	vld [tilespmem:s0+$0xE370]  }
0x2e0: {  	v33 =	vmul.f32 v36, v35;
	v34 =	vmul.f32 v38, v37;
	v30 =	vld [tilespmem:s0+$0x1AB70]  }
0x2e1: {  	s11 =	sadd.s32 $0x400, s11;
	v31 =	vmul.f32 v40, v39;
	v32 =	vmul.f32 v42, v41;
	v29 =	vld [tilespmem:s0+$0xE3F0]  }
0x2e2: {  	v12 =	vadd.f32 v33, v12;
	v15 =	vadd.f32 v34, v15;
	v23 =	vmul.f32 v26, v23;
	v57 =	vld [tilespmem:s0+$0x1ABF0]  }
0x2e3: {  	v20 =	vmul.f32 v24, v20;
	v13 =	vadd.f32 v31, v13;
	v14 =	vadd.f32 v32, v14  }
0x2e4: {  	v58 =	vmul.f32 v28, v25;
	v12 =	vadd.f32 v21, v12;
	v15 =	vadd.f32 v22, v15  }
0x2e5: {  	v8 =	vadd.f32 v23, v8;
	v11 =	vadd.f32 v20, v11;
	v59 =	vmul.f32 v30, v27  }
0x2e6: {  	v6 =	vmul.f32 v7, v6;
	v13 =	vadd.f32 v18, v13;
	v14 =	vadd.f32 v19, v14  }
0x2e7: {  	v7 =	vadd.f32 v58, v9;
	v60 =	vadd.f32 v59, v10;
	v61 =	vmul.f32 v57, v29  }
0x2e8: {  	v8 =	vadd.f32 v16, v8;
	v11 =	vadd.f32 v17, v11  }
0x2e9: {  	v6 =	vadd.f32 v6, v7;
	v7 =	vadd.f32 v61, v60  }
0x2ea: {  	v62 =	vadd.f32 v15, v12;
	v63 =	vadd.f32 v14, v13  }
0x2eb: {  	v8 =	vadd.f32 v11, v8;
	v6 =	vadd.f32 v7, v6;
	_ =	sdelay $0x1  }
0x2ec: {  	v7 =	vadd.f32 v63, v62;
	v6 =	vadd.f32 v6, v8;
	_ =	sdelay $0x1  }
0x2ed: {  	v6 =	vadd.f32 v6, v7;
	_ =	sdelay $0x1  }
0x2ee: {  	v7 =	vperm.xlane v6, v0;
	_ =	sdelay $0x1  }
0x2ef: {  	v6 =	vadd.f32 v7, v6;
	_ =	sdelay $0x1  }
0x2f0: {  	v7 =	vperm.xlane v6, v1;
	_ =	sdelay $0x1  }
0x2f1: {  	v6 =	vadd.f32 v7, v6;
	_ =	sdelay $0x1  }
0x2f2: {  	v7 =	vperm.xlane v6, v2  }
0x2f3: {  	v5 =	vadd.s32 $0x7, v5  }
0x2f4: {  	v5 =	vbroadcast v5, $0x0;
	v6 =	vadd.f32 v7, v6;
	_ =	sdelay $0x1  }
.Ltmp10:
0x2f5: {  	v7 =	vperm.xlane v6, v3;
	(pc) =	sbr.rel @p0 .LBB2_20-.Ltmp10, $3  }
0x2f6: {  	_ = 	snop  }
0x2f7: {  	v6 =	vadd.f32 v7, v6;
	_ =	sdelay $0x1  }
0x2f8: {  	[tilespmem:v5+s23+$0x0] =	vst.idx.msk $0x1, v6  }
0x2f9: {  	s0 =	smul.u32 $0x1A0, s31  }
.Ltmp11:
0x2fa: {  	_ = 	snop;
	(pc) =	sbr.rel .LBB2_2-.Ltmp11, $4  }
0x2fb: {  	s2 =	sadd.s32 $0x270, s0  }
0x2fc: {  	[tilespmem:s19], [sflag:$0x3] =	stream.indirect.gather [hbm4b:s1+s10], $0x80, s2, s10, $0xb8;
	[tilespmem:$0x1C480] =	vst v63  }
0x2fd: {  	s31 =	sadd.s32 $0x1, s31;
	s0 =	sadd.s32 $0x1C70, s0  }
0x2fe: {  	[tilespmem:s21], [sflag:$0x3] =	stream.indirect.gather [hbm4b:s3+s10], $0x80, s0, s10, $0xb8;
	[tilespmem:$0x1C480] =	vst v63  }
.LBB2_21:
0x2ff: {  	_ =	sfence.sel $0x180000  }
0x300: {  	[bflag:$0x0] =	sbarrier.arrive $0xFFFF  }
0x301: {  	_ =	strace $0x90000047  }
0x302: {  	s0 =	stileid.u32;
	[bflag:$0x2] =	sbarrier.arrive $0xFFFF  }
0x303: {  	p0 =	sne.s32 s0, $0x0;
	s0 =	rddreg [dreg:$0x4]  }
0x304: {  	s0 =	sadd.s32 @!p0 $0x100000, s0  }
0x305: {  	[sflag:s0] =	ssyncadd.tile.s32 @!p0 $0x1;
	_ =	shalt  }
.Lfunc_end2:
_tile_overlayer_lowered:
.L_overlay_start_2:
0x306: {  	(tag) =	ssettag $0x2  }
0x307: {  	s0 =	rddreg [dreg:$0x0];
	s2 =	stileid.u32  }
0x308: {  	s1 =	rddreg [dreg:$0x1];
	p0 =	sne.s32 s2, $0x0  }
0x309: {  	s3 =	rddreg [dreg:$0x2];
	[bflag:$0x3] =	sbarrier.arrive $0xFFFF;
	s2 =	simm.s32 @!p0 $0x1C05  }
0x30a: {  	[timem:s3], [sflag:s2] =	dma.local @!p0 [hbm:s0], s1  }
0x30b: {  	s0 =	simm.s32 @!p0 $0x5  }
0x30c: {  	_ =	swait.ge @!p0 [sflag:s0], s1  }
0x30d: {  	s1 =	ssub.s32 @!p0 $0x0, s1;
	[sflag:s0] =	ssyncset.done @!p0 $0x0  }
0x30e: {  	[sflag:s0] =	ssyncadd.s32 @!p0 s1  }
0x30f: {  	[bflag:$0x3] =	sbarrier.arrive $0xFFFF  }
0x310: {  	_ =	shalt  }

</sc_bundles>
